<compile_context>
chip_gen: v7x
topology: tpu7x:2x2x1
jax: 0.10.2.dev20260603
libtpu: 0.0.44.dev20260713+nightly
codegen_flags: <defaults>
</compile_context>

<pallas_src>
import functools

import jax
import jax.numpy as jnp
from jax import lax
from jax.experimental import pallas as pl
from jax.experimental.pallas import tpu as pltpu
from jax.experimental.pallas import tpu_sc as plsc

N, C, H, W = 16, 2, 512, 512
HW = H * W
NPIX = HW // 2
NROWS_T = H // 2
NC, NS, L = 2, 16, 16
NW = NC * NS

LAB = 8
NBINS = 512
ROWS = LAB + NBINS
TROWS = 528
OUTW = 576
BIN_SHIFT = 19
BIN_BIAS = 111 * 16 - LAB

SUB = 8
CH = SUB * W
NCHUNK = NPIX // CH
NVREG = CH // L
VPR = W // L
NSLOT = 4


def _sc_stage1_body(pred, gdf, gt, out, cnt_tab, sum_tab, dbuf, lbuf, acc,
                    sems):
    sample = lax.axis_index("s")
    half = lax.axis_index("c")
    wid = sample * NC + half

    lane = lax.iota(jnp.int32, L)
    ones = jnp.full((L,), 1.0, jnp.float32)
    zeros = jnp.zeros((L,), jnp.float32)

    def zero_body(j, carry):
        sl = pl.ds(j * L, L)
        cnt_tab[sl] = zeros
        sum_tab[sl] = zeros
        return carry

    lax.fori_loop(0, (L * TROWS) // L, zero_body, None)

    def zero_acc(j, carry):
        acc[pl.ds(j * L, L)] = zeros
        return carry

    lax.fori_loop(0, 2 * OUTW // L, zero_acc, None)

    row_base = half * NROWS_T

    def start(c, slot):
        r0 = row_base + c * SUB
        sem = sems.at[slot]
        pltpu.async_copy(pred.at[sample, :, pl.ds(r0, SUB), :],
                         dbuf.at[slot, 0], sem)
        pltpu.async_copy(gdf.at[sample, :, pl.ds(r0, SUB), :],
                         dbuf.at[slot, 1], sem)
        pltpu.async_copy(gt.at[sample, 0, pl.ds(r0, SUB), :],
                         lbuf.at[slot], sem)

    def wait(c, slot):
        r0 = row_base + c * SUB
        sem = sems.at[slot]
        pltpu.make_async_copy(pred.at[sample, :, pl.ds(r0, SUB), :],
                              dbuf.at[slot, 0], sem).wait()
        pltpu.make_async_copy(gdf.at[sample, :, pl.ds(r0, SUB), :],
                              dbuf.at[slot, 1], sem).wait()
        pltpu.make_async_copy(gt.at[sample, 0, pl.ds(r0, SUB), :],
                              lbuf.at[slot], sem).wait()

    def compute(slot):
        def body(j):
            r = lax.shift_right_logical(j, 5)
            sl = pl.ds((j & (VPR - 1)) * L, L)
            p0 = dbuf[slot, 0, 0, r, sl]
            p1 = dbuf[slot, 0, 1, r, sl]
            g0 = dbuf[slot, 1, 0, r, sl]
            g1 = dbuf[slot, 1, 1, r, sl]
            lv = lbuf[slot, r, sl]
            d0 = p0 - g0
            d1 = p1 - g1
            l2 = d0 * d0 + d1 * d1
            t = lax.shift_right_logical(plsc.bitcast(l2, jnp.int32), BIN_SHIFT)
            rneg = jnp.minimum(jnp.maximum(t - BIN_BIAS, LAB), ROWS - 1)
            idx = lax.shift_left(jnp.where(lv == 0, rneg, lv), 4) + lane
            plsc.addupdate_scatter(cnt_tab, [idx], ones)
            plsc.addupdate_scatter(sum_tab, [idx], l2)

        plsc.parallel_loop(0, NVREG, 1, unroll=8)(body)

    for s in range(NSLOT - 1):
        start(s, s)

    def ring(cp, carry):
        for s in range(NSLOT):
            c = NSLOT * cp + s

            @pl.when(c + NSLOT - 1 < NCHUNK)
            def _start_next():
                start(c + NSLOT - 1, (s + NSLOT - 1) % NSLOT)

            wait(c, s)
            compute(s)
        return carry

    lax.fori_loop(0, NCHUNK // NSLOT, ring, None)

    def fold(j, carry):
        base = j * (L * L)
        s0 = zeros
        s1 = zeros
        for d in range(L):
            dg = base + lane * L + ((lane + d) & (L - 1))
            s0 = s0 + plsc.load_gather(cnt_tab, [dg])
            s1 = s1 + plsc.load_gather(sum_tab, [dg])
        acc[pl.ds(j * L, L)] = s0
        acc[pl.ds(OUTW + j * L, L)] = s1
        return carry

    lax.fori_loop(0, TROWS // L, fold, None)
    pltpu.sync_copy(acc, out.at[wid])


@functools.cache
def _sc_stage1():
    return pl.kernel(
        _sc_stage1_body,
        mesh=plsc.VectorSubcoreMesh(core_axis_name="c", subcore_axis_name="s",
                                    num_cores=NC, num_subcores=NS),
        out_type=jax.ShapeDtypeStruct((NW, 2 * OUTW), jnp.float32),
        scratch_types=[
            pltpu.VMEM((L * TROWS,), jnp.float32),
            pltpu.VMEM((L * TROWS,), jnp.float32),
            pltpu.VMEM((NSLOT, 2, C, SUB, W), jnp.float32),
            pltpu.VMEM((NSLOT, SUB, W), jnp.int32),
            pltpu.VMEM((2 * OUTW,), jnp.float32),
            pltpu.SemaphoreType.DMA((NSLOT,)),
        ],
        compiler_params=pltpu.CompilerParams(needs_layout_passes=False,
                                             use_tc_tiling_on_sc=True),
    )


def _tc_stage2_body(tab_ref, out_ref):
    x = tab_ref[...]
    x = x.reshape(N, 2, 2 * OUTW).sum(axis=1)
    cnt = x[:, :OUTW]
    sm = x[:, OUTW:]

    lab_cnt = cnt[:, 1:6]
    lab_sum = sm[:, 1:6]
    hist_cnt = cnt[:, LAB:ROWS]
    hist_sum = sm[:, LAB:ROWS]

    pos_count = jnp.sum(lab_cnt, axis=1)
    seg_present = lab_cnt > 0.0
    seg_remain = jnp.sum(seg_present.astype(jnp.float32), axis=1)
    seg_ave = pos_count / jnp.maximum(seg_remain, 1.0)
    wgt = jnp.where(seg_present,
                    seg_ave[:, None] / jnp.maximum(lab_cnt, 1.0), 0.0)
    s_pos = jnp.sum(wgt * lab_sum, axis=1)
    w_sum = pos_count

    sum_neg = jnp.sum(hist_cnt, axis=1)
    k = jnp.minimum(3.0 * pos_count, sum_neg)

    r_iota = lax.broadcasted_iota(jnp.int32, (NBINS, NBINS), 0)
    c_iota = lax.broadcasted_iota(jnp.int32, (NBINS, NBINS), 1)
    upper = (r_iota > c_iota).astype(jnp.float32)
    f_cnt = lax.dot_general(hist_cnt, upper, (((1,), (0,)), ((), ())),
                            precision=lax.Precision.HIGHEST,
                            preferred_element_type=jnp.float32)
    f_sum = lax.dot_general(hist_sum, upper, (((1,), (0,)), ((), ())),
                            precision=lax.Precision.HIGHEST,
                            preferred_element_type=jnp.float32)

    bstar = jnp.sum((f_cnt >= k[:, None]).astype(jnp.float32),
                    axis=1).astype(jnp.int32)
    col = lax.broadcasted_iota(jnp.int32, (N, NBINS), 1)
    onehot = (col == bstar[:, None]).astype(jnp.float32)
    a_cnt = jnp.sum(f_cnt * onehot, axis=1)
    s_above = jnp.sum(f_sum * onehot, axis=1)
    cnt_at = jnp.sum(hist_cnt * onehot, axis=1)
    sum_at = jnp.sum(hist_sum * onehot, axis=1)
    m = k - a_cnt
    s_sel = s_above + m * sum_at / jnp.maximum(cnt_at, 1.0)
    k_sel = jnp.where(bstar >= 1, k, a_cnt)

    tot_sum = jnp.sum(hist_sum, axis=1)
    nnz = jnp.sum(hist_cnt[:, 1:], axis=1)
    keep_all = k == 0.0
    s_topk = jnp.where(keep_all, tot_sum, s_sel)
    k_eff = jnp.where(keep_all, nnz, k_sel)

    num = jnp.sum(s_pos + s_topk)
    den = jnp.sum(2.0 * (w_sum + k_eff))
    out_ref[...] = (num / N / 2.0 / den).reshape(1, 1)


def kernel(pred, gt_df, gt):
    gt32 = gt.astype(jnp.int32)
    tabs = _sc_stage1()(pred, gt_df, gt32)
    loss = pl.pallas_call(
        _tc_stage2_body,
        out_shape=jax.ShapeDtypeStruct((1, 1), jnp.float32),
    )(tabs)
    return loss.reshape(())

# --- scband reference (transcript-rebuilt; emitter-appended) ---
"""Pipeline reference for scband-euclidean-loss-with-ohem-57818849738795 (READ-ONLY COPY).

The authoritative reference and input builder live on the scoring server;
editing this copy changes nothing except your own understanding.
"""

import jax, jax.numpy as jnp
import numpy as np

NP_RATIO = 3
NUM_LABELS = 6


def _cal_weight(g):
    # g: (H, W) integer label map; label 0 = background, labels 1..K = segments.
    # Faithful to __cal_weight: weight = (posCount/segRemain) / count(seg) on each segment.
    pos = g > 0
    posCount = jnp.sum(pos)
    counts = jnp.zeros((NUM_LABELS,), dtype=jnp.float32).at[g.ravel()].add(1.0)
    seg_present = counts[1:] > 0
    segRemain = jnp.sum(seg_present)
    segAve = posCount.astype(jnp.float32) / jnp.maximum(segRemain, 1).astype(jnp.float32)
    pixAve = jnp.where(seg_present, segAve / jnp.maximum(counts[1:], 1.0), 0.0)
    per_label = jnp.concatenate([jnp.zeros((1,), jnp.float32), pixAve])
    weight = per_label[g]
    weight = jnp.where(posCount > 0, weight, jnp.zeros_like(weight))
    return weight


def setup_inputs(seed: int = 0):
    key = jax.random.key(seed)
    k1, k2, k3 = jax.random.split(key, 3)
    N, C, H, W = 16, 2, 512, 512
    pred = jax.random.normal(k1, (N, C, H, W), dtype=jnp.float32)
    gt_df = jax.random.normal(k2, (N, C, H, W), dtype=jnp.float32)
    gt = jax.random.randint(k3, (N, 1, H, W), 0, 5, dtype=jnp.int32).astype(jnp.int64)
    return {"pred": pred, "gt_df": gt_df, "gt": gt}


def reference(pred, gt_df, gt):
    N, C, H, W = pred.shape
    distL1 = pred - gt_df
    distL2 = distL1 ** 2
    # weight is None path: compute per-sample OHEM weights from gt
    weight = jnp.stack([_cal_weight(gt[i, 0]) for i in range(N)], axis=0)  # (N, H, W)
    regionPos = (weight > 0).astype(jnp.float32)
    regionNeg = (weight == 0).astype(jnp.float32)
    sumPos = jnp.sum(regionPos, axis=(1, 2))
    sumNeg = jnp.sum(regionNeg, axis=(1, 2))
    sumhardNeg = jnp.minimum(NP_RATIO * sumPos, sumNeg).astype(jnp.int32)
    lossNeg = (distL2[:, 0, :, :] + distL2[:, 1, :, :]) * regionNeg
    lossFlat = lossNeg.reshape(N, H * W)
    # torch: zero out everything except the sumhardNeg[i] largest entries per row
    order = jnp.argsort(lossFlat, axis=1)
    rank = jnp.argsort(order, axis=1)
    keep = rank >= (H * W - sumhardNeg)[:, None]
    # torch edge case: sumhardNeg==0 -> slice [:-0] is empty -> nothing zeroed
    keep = jnp.logical_or(keep, (sumhardNeg == 0)[:, None])
    lossHard = (lossFlat * keep.astype(lossFlat.dtype)).reshape(lossNeg.shape)
    weightPos = jnp.stack([weight, weight], axis=1)
    wneg = (lossHard != 0).astype(jnp.float32)
    weightNeg = jnp.stack([wneg, wneg], axis=1)
    wsum = weightPos + weightNeg
    total_loss = jnp.sum(distL1 ** 2 * wsum) / N / 2.0 / jnp.sum(wsum)
    return total_loss

if __name__ == "__main__":
    import jax
    _d = setup_inputs()
    print(jax.jit(kernel)(*tuple(_d.values())))

</pallas_src>

<mosaic_0001>
#map = affine_map<(d0, d1) -> (0, 0, 0, 0)>
#map1 = affine_map<(d0, d1) -> (0, 0)>
module attributes {stable_mosaic.version = 14 : i64} {
  func.func @_sc_stage1_body(%arg0: i32, %arg1: i32, %arg2: memref<16x2x512x512xf32, #tpu.memory_space<hbm>>, %arg3: memref<16x2x512x512xf32, #tpu.memory_space<hbm>>, %arg4: memref<16x1x512x512xi32, #tpu.memory_space<hbm>>, %arg5: memref<32x1152xf32, #tpu.memory_space<hbm>>, %arg6: memref<8448xf32, #tpu.memory_space<vmem>>, %arg7: memref<8448xf32, #tpu.memory_space<vmem>>, %arg8: memref<4x2x2x8x512xf32, #tpu.memory_space<vmem>>, %arg9: memref<4x8x512xi32, #tpu.memory_space<vmem>>, %arg10: memref<1152xf32, #tpu.memory_space<vmem>>, %arg11: memref<4x!tpu.dma_semaphore, #tpu.memory_space<semaphore_mem>>) attributes {dimension_semantics = [#tpu.dimension_semantics<core_parallel>, #tpu.dimension_semantics<subcore_parallel>], iteration_bounds = array<i64: 2, 16>, scalar_prefetch = 0 : i64, scratch_operands = 6 : i64, tpu.core_type = #tpu.core_type<sc_vector_subcore>, window_params = [{transform_indices = #map}, {transform_indices = #map}, {transform_indices = #map}, {transform_indices = #map1}]} {
    %mul3A = arith.constant 2 : i32
    %mul3A_0 = arith.muli %arg1, %mul3A : i32
    %add3A = arith.addi %mul3A_0, %arg0 : i32
    %iota3A = tpu.iota {dimensions = array<i32: 0>} : vector<16xi32>
    %broadcast_in_dim3A = arith.constant 1.000000e+00 : f32
    %broadcast_in_dim3A_1 = vector.broadcast %broadcast_in_dim3A : f32 to vector<16xf32>
    %broadcast_in_dim3A_2 = arith.constant 0.000000e+00 : f32
    %broadcast_in_dim3A_3 = vector.broadcast %broadcast_in_dim3A_2 : f32 to vector<16xf32>
    %scan3A = arith.constant 0 : i32
    %scan3A_4 = arith.constant 528 : i32
    %scan3A_5 = arith.addi %scan3A, %scan3A_4 : i32
    %scan3A_6 = arith.constant 1 : i32
    scf.for %scan3A_225 = %scan3A to %scan3A_5 step %scan3A_6  : i32 {
      %mul3A_226 = arith.constant 16 : i32
      %mul3A_227 = arith.muli %scan3A_225, %mul3A_226 : i32
      %swap3A = arith.index_cast %mul3A_227 : i32 to index
      %swap3A_228 = tpu.vector_load %arg6[%swap3A] {strides = array<i32>} : memref<8448xf32, #tpu.memory_space<vmem>>, vector<16xf32>,
      tpu.vector_store %arg6[%swap3A], %broadcast_in_dim3A_3 {strides = array<i32>} : memref<8448xf32, #tpu.memory_space<vmem>>, vector<16xf32>,
      %swap3A_229 = arith.index_cast %mul3A_227 : i32 to index
      %swap3A_230 = tpu.vector_load %arg7[%swap3A_229] {strides = array<i32>} : memref<8448xf32, #tpu.memory_space<vmem>>, vector<16xf32>,
      tpu.vector_store %arg7[%swap3A_229], %broadcast_in_dim3A_3 {strides = array<i32>} : memref<8448xf32, #tpu.memory_space<vmem>>, vector<16xf32>,
    }
    %scan3A_7 = arith.constant 528 : i32
    %scan3A_8 = arith.constant 0 : i32
    %scan3A_9 = arith.constant 72 : i32
    %scan3A_10 = arith.addi %scan3A_8, %scan3A_9 : i32
    %scan3A_11 = arith.constant 1 : i32
    scf.for %scan3A_225 = %scan3A_8 to %scan3A_10 step %scan3A_11  : i32 {
      %mul3A_226 = arith.constant 16 : i32
      %mul3A_227 = arith.muli %scan3A_225, %mul3A_226 : i32
      %swap3A = arith.index_cast %mul3A_227 : i32 to index
      %swap3A_228 = tpu.vector_load %arg10[%swap3A] {strides = array<i32>} : memref<1152xf32, #tpu.memory_space<vmem>>, vector<16xf32>,
      tpu.vector_store %arg10[%swap3A], %broadcast_in_dim3A_3 {strides = array<i32>} : memref<1152xf32, #tpu.memory_space<vmem>>, vector<16xf32>,
    }
    %scan3A_12 = arith.constant 72 : i32
    %mul3A_13 = arith.constant 256 : i32
    %mul3A_14 = arith.muli %arg0, %mul3A_13 : i32
    %add3A_15 = arith.constant 0 : i32
    %add3A_16 = arith.addi %mul3A_14, %add3A_15 : i32
    %dma_start3A = arith.constant 0 : i32
    %dma_start3A_17 = arith.constant 0 : i32
    %dma_start3A_18 = arith.constant 0 : i32
    %dma_start3A_19 = arith.constant 0 : i32
    %dma_start3A_20 = arith.constant 0 : i32
    %dma_start3A_21 = arith.constant 0 : i32
    %dma_start3A_22 = tpu.memref_slice %arg8[%dma_start3A, %dma_start3A_17, %dma_start3A_19, %dma_start3A_20, %dma_start3A_21] : memref<4x2x2x8x512xf32, #tpu.memory_space<vmem>> -> memref<1x1x2x8x512xf32, #tpu.memory_space<vmem>>
    %dma_start3A_23 = tpu.memref_squeeze %dma_start3A_22 : memref<1x1x2x8x512xf32, #tpu.memory_space<vmem>> -> memref<2x8x512xf32, #tpu.memory_space<vmem>>
    %dma_start3A_24 = arith.constant 0 : i32
    %dma_start3A_25 = arith.constant 0 : i32
    %dma_start3A_26 = tpu.memref_slice %arg2[%arg1, %dma_start3A_24, %add3A_16, %dma_start3A_25] : memref<16x2x512x512xf32, #tpu.memory_space<hbm>> -> memref<1x2x8x512xf32, #tpu.memory_space<hbm>>
    %dma_start3A_27 = tpu.memref_squeeze %dma_start3A_26 : memref<1x2x8x512xf32, #tpu.memory_space<hbm>> -> memref<2x8x512xf32, #tpu.memory_space<hbm>>
    %dma_start3A_28 = tpu.memref_slice %arg11[%dma_start3A_18] : memref<4x!tpu.dma_semaphore, #tpu.memory_space<semaphore_mem>> -> memref<1x!tpu.dma_semaphore, #tpu.memory_space<semaphore_mem>>
    %dma_start3A_29 = tpu.memref_squeeze %dma_start3A_28 : memref<1x!tpu.dma_semaphore, #tpu.memory_space<semaphore_mem>> -> memref<!tpu.dma_semaphore, #tpu.memory_space<semaphore_mem>>
    %dma_start3A_30 = arith.constant 0 : i32
    %dma_start3A_31 = arith.constant 0 : i32
    %dma_start3A_32 = arith.constant 0 : i32
    %dma_start3A_33 = tpu.memref_slice %arg8[%dma_start3A, %dma_start3A_17, %dma_start3A_30, %dma_start3A_31, %dma_start3A_32] : memref<4x2x2x8x512xf32, #tpu.memory_space<vmem>> -> memref<1x1x2x8x512xf32, #tpu.memory_space<vmem>>
    %dma_start3A_34 = tpu.memref_squeeze %dma_start3A_33 : memref<1x1x2x8x512xf32, #tpu.memory_space<vmem>> -> memref<2x8x512xf32, #tpu.memory_space<vmem>>
    %dma_start3A_35 = arith.constant 0 : i32
    %dma_start3A_36 = arith.constant 0 : i32
    %dma_start3A_37 = tpu.memref_slice %arg2[%arg1, %dma_start3A_35, %add3A_16, %dma_start3A_36] : memref<16x2x512x512xf32, #tpu.memory_space<hbm>> -> memref<1x2x8x512xf32, #tpu.memory_space<hbm>>
    %dma_start3A_38 = tpu.memref_squeeze %dma_start3A_37 : memref<1x2x8x512xf32, #tpu.memory_space<hbm>> -> memref<2x8x512xf32, #tpu.memory_space<hbm>>
    tpu.enqueue_dma source(%dma_start3A_38 : memref<2x8x512xf32, #tpu.memory_space<hbm>>) target(%dma_start3A_34 : memref<2x8x512xf32, #tpu.memory_space<vmem>>) target_semaphore(%dma_start3A_29 : memref<!tpu.dma_semaphore, #tpu.memory_space<semaphore_mem>>)
    %dma_start3A_39 = arith.constant 0 : i32
    %dma_start3A_40 = arith.constant 1 : i32
    %dma_start3A_41 = arith.constant 0 : i32
    %dma_start3A_42 = arith.constant 0 : i32
    %dma_start3A_43 = arith.constant 0 : i32
    %dma_start3A_44 = arith.constant 0 : i32
    %dma_start3A_45 = tpu.memref_slice %arg8[%dma_start3A_39, %dma_start3A_40, %dma_start3A_42, %dma_start3A_43, %dma_start3A_44] : memref<4x2x2x8x512xf32, #tpu.memory_space<vmem>> -> memref<1x1x2x8x512xf32, #tpu.memory_space<vmem>>
    %dma_start3A_46 = tpu.memref_squeeze %dma_start3A_45 : memref<1x1x2x8x512xf32, #tpu.memory_space<vmem>> -> memref<2x8x512xf32, #tpu.memory_space<vmem>>
    %dma_start3A_47 = arith.constant 0 : i32
    %dma_start3A_48 = arith.constant 0 : i32
    %dma_start3A_49 = tpu.memref_slice %arg3[%arg1, %dma_start3A_47, %add3A_16, %dma_start3A_48] : memref<16x2x512x512xf32, #tpu.memory_space<hbm>> -> memref<1x2x8x512xf32, #tpu.memory_space<hbm>>
    %dma_start3A_50 = tpu.memref_squeeze %dma_start3A_49 : memref<1x2x8x512xf32, #tpu.memory_space<hbm>> -> memref<2x8x512xf32, #tpu.memory_space<hbm>>
    %dma_start3A_51 = tpu.memref_slice %arg11[%dma_start3A_41] : memref<4x!tpu.dma_semaphore, #tpu.memory_space<semaphore_mem>> -> memref<1x!tpu.dma_semaphore, #tpu.memory_space<semaphore_mem>>
    %dma_start3A_52 = tpu.memref_squeeze %dma_start3A_51 : memref<1x!tpu.dma_semaphore, #tpu.memory_space<semaphore_mem>> -> memref<!tpu.dma_semaphore, #tpu.memory_space<semaphore_mem>>
    %dma_start3A_53 = arith.constant 0 : i32
    %dma_start3A_54 = arith.constant 0 : i32
    %dma_start3A_55 = arith.constant 0 : i32
    %dma_start3A_56 = tpu.memref_slice %arg8[%dma_start3A_39, %dma_start3A_40, %dma_start3A_53, %dma_start3A_54, %dma_start3A_55] : memref<4x2x2x8x512xf32, #tpu.memory_space<vmem>> -> memref<1x1x2x8x512xf32, #tpu.memory_space<vmem>>
    %dma_start3A_57 = tpu.memref_squeeze %dma_start3A_56 : memref<1x1x2x8x512xf32, #tpu.memory_space<vmem>> -> memref<2x8x512xf32, #tpu.memory_space<vmem>>
    %dma_start3A_58 = arith.constant 0 : i32
    %dma_start3A_59 = arith.constant 0 : i32
    %dma_start3A_60 = tpu.memref_slice %arg3[%arg1, %dma_start3A_58, %add3A_16, %dma_start3A_59] : memref<16x2x512x512xf32, #tpu.memory_space<hbm>> -> memref<1x2x8x512xf32, #tpu.memory_space<hbm>>
    %dma_start3A_61 = tpu.memref_squeeze %dma_start3A_60 : memref<1x2x8x512xf32, #tpu.memory_space<hbm>> -> memref<2x8x512xf32, #tpu.memory_space<hbm>>
    tpu.enqueue_dma source(%dma_start3A_61 : memref<2x8x512xf32, #tpu.memory_space<hbm>>) target(%dma_start3A_57 : memref<2x8x512xf32, #tpu.memory_space<vmem>>) target_semaphore(%dma_start3A_52 : memref<!tpu.dma_semaphore, #tpu.memory_space<semaphore_mem>>)
    %dma_start3A_62 = arith.constant 0 : i32
    %dma_start3A_63 = arith.constant 0 : i32
    %dma_start3A_64 = arith.constant 0 : i32
    %dma_start3A_65 = arith.constant 0 : i32
    %dma_start3A_66 = arith.constant 0 : i32
    %dma_start3A_67 = tpu.memref_slice %arg9[%dma_start3A_63, %dma_start3A_65, %dma_start3A_66] : memref<4x8x512xi32, #tpu.memory_space<vmem>> -> memref<1x8x512xi32, #tpu.memory_space<vmem>>
    %dma_start3A_68 = tpu.memref_squeeze %dma_start3A_67 : memref<1x8x512xi32, #tpu.memory_space<vmem>> -> memref<8x512xi32, #tpu.memory_space<vmem>>
    %dma_start3A_69 = arith.constant 0 : i32
    %dma_start3A_70 = tpu.memref_slice %arg4[%arg1, %dma_start3A_62, %add3A_16, %dma_start3A_69] : memref<16x1x512x512xi32, #tpu.memory_space<hbm>> -> memref<1x1x8x512xi32, #tpu.memory_space<hbm>>
    %dma_start3A_71 = tpu.memref_squeeze %dma_start3A_70 : memref<1x1x8x512xi32, #tpu.memory_space<hbm>> -> memref<8x512xi32, #tpu.memory_space<hbm>>
    %dma_start3A_72 = tpu.memref_slice %arg11[%dma_start3A_64] : memref<4x!tpu.dma_semaphore, #tpu.memory_space<semaphore_mem>> -> memref<1x!tpu.dma_semaphore, #tpu.memory_space<semaphore_mem>>
    %dma_start3A_73 = tpu.memref_squeeze %dma_start3A_72 : memref<1x!tpu.dma_semaphore, #tpu.memory_space<semaphore_mem>> -> memref<!tpu.dma_semaphore, #tpu.memory_space<semaphore_mem>>
    %dma_start3A_74 = arith.constant 0 : i32
    %dma_start3A_75 = arith.constant 0 : i32
    %dma_start3A_76 = tpu.memref_slice %arg9[%dma_start3A_63, %dma_start3A_74, %dma_start3A_75] : memref<4x8x512xi32, #tpu.memory_space<vmem>> -> memref<1x8x512xi32, #tpu.memory_space<vmem>>
    %dma_start3A_77 = tpu.memref_squeeze %dma_start3A_76 : memref<1x8x512xi32, #tpu.memory_space<vmem>> -> memref<8x512xi32, #tpu.memory_space<vmem>>
    %dma_start3A_78 = arith.constant 0 : i32
    %dma_start3A_79 = tpu.memref_slice %arg4[%arg1, %dma_start3A_62, %add3A_16, %dma_start3A_78] : memref<16x1x512x512xi32, #tpu.memory_space<hbm>> -> memref<1x1x8x512xi32, #tpu.memory_space<hbm>>
    %dma_start3A_80 = tpu.memref_squeeze %dma_start3A_79 : memref<1x1x8x512xi32, #tpu.memory_space<hbm>> -> memref<8x512xi32, #tpu.memory_space<hbm>>
    tpu.enqueue_dma source(%dma_start3A_80 : memref<8x512xi32, #tpu.memory_space<hbm>>) target(%dma_start3A_77 : memref<8x512xi32, #tpu.memory_space<vmem>>) target_semaphore(%dma_start3A_73 : memref<!tpu.dma_semaphore, #tpu.memory_space<semaphore_mem>>)
    %add3A_81 = arith.constant 8 : i32
    %add3A_82 = arith.addi %mul3A_14, %add3A_81 : i32
    %dma_start3A_83 = arith.constant 1 : i32
    %dma_start3A_84 = arith.constant 0 : i32
    %dma_start3A_85 = arith.constant 1 : i32
    %dma_start3A_86 = arith.constant 0 : i32
    %dma_start3A_87 = arith.constant 0 : i32
    %dma_start3A_88 = arith.constant 0 : i32
    %dma_start3A_89 = tpu.memref_slice %arg8[%dma_start3A_83, %dma_start3A_84, %dma_start3A_86, %dma_start3A_87, %dma_start3A_88] : memref<4x2x2x8x512xf32, #tpu.memory_space<vmem>> -> memref<1x1x2x8x512xf32, #tpu.memory_space<vmem>>
    %dma_start3A_90 = tpu.memref_squeeze %dma_start3A_89 : memref<1x1x2x8x512xf32, #tpu.memory_space<vmem>> -> memref<2x8x512xf32, #tpu.memory_space<vmem>>
    %dma_start3A_91 = arith.constant 0 : i32
    %dma_start3A_92 = arith.constant 0 : i32
    %dma_start3A_93 = tpu.memref_slice %arg2[%arg1, %dma_start3A_91, %add3A_82, %dma_start3A_92] : memref<16x2x512x512xf32, #tpu.memory_space<hbm>> -> memref<1x2x8x512xf32, #tpu.memory_space<hbm>>
    %dma_start3A_94 = tpu.memref_squeeze %dma_start3A_93 : memref<1x2x8x512xf32, #tpu.memory_space<hbm>> -> memref<2x8x512xf32, #tpu.memory_space<hbm>>
    %dma_start3A_95 = tpu.memref_slice %arg11[%dma_start3A_85] : memref<4x!tpu.dma_semaphore, #tpu.memory_space<semaphore_mem>> -> memref<1x!tpu.dma_semaphore, #tpu.memory_space<semaphore_mem>>
    %dma_start3A_96 = tpu.memref_squeeze %dma_start3A_95 : memref<1x!tpu.dma_semaphore, #tpu.memory_space<semaphore_mem>> -> memref<!tpu.dma_semaphore, #tpu.memory_space<semaphore_mem>>
    %dma_start3A_97 = arith.constant 0 : i32
    %dma_start3A_98 = arith.constant 0 : i32
    %dma_start3A_99 = arith.constant 0 : i32
    %dma_start3A_100 = tpu.memref_slice %arg8[%dma_start3A_83, %dma_start3A_84, %dma_start3A_97, %dma_start3A_98, %dma_start3A_99] : memref<4x2x2x8x512xf32, #tpu.memory_space<vmem>> -> memref<1x1x2x8x512xf32, #tpu.memory_space<vmem>>
    %dma_start3A_101 = tpu.memref_squeeze %dma_start3A_100 : memref<1x1x2x8x512xf32, #tpu.memory_space<vmem>> -> memref<2x8x512xf32, #tpu.memory_space<vmem>>
    %dma_start3A_102 = arith.constant 0 : i32
    %dma_start3A_103 = arith.constant 0 : i32
    %dma_start3A_104 = tpu.memref_slice %arg2[%arg1, %dma_start3A_102, %add3A_82, %dma_start3A_103] : memref<16x2x512x512xf32, #tpu.memory_space<hbm>> -> memref<1x2x8x512xf32, #tpu.memory_space<hbm>>
    %dma_start3A_105 = tpu.memref_squeeze %dma_start3A_104 : memref<1x2x8x512xf32, #tpu.memory_space<hbm>> -> memref<2x8x512xf32, #tpu.memory_space<hbm>>
    tpu.enqueue_dma source(%dma_start3A_105 : memref<2x8x512xf32, #tpu.memory_space<hbm>>) target(%dma_start3A_101 : memref<2x8x512xf32, #tpu.memory_space<vmem>>) target_semaphore(%dma_start3A_96 : memref<!tpu.dma_semaphore, #tpu.memory_space<semaphore_mem>>)
    %dma_start3A_106 = arith.constant 1 : i32
    %dma_start3A_107 = arith.constant 1 : i32
    %dma_start3A_108 = arith.constant 1 : i32
    %dma_start3A_109 = arith.constant 0 : i32
    %dma_start3A_110 = arith.constant 0 : i32
    %dma_start3A_111 = arith.constant 0 : i32
    %dma_start3A_112 = tpu.memref_slice %arg8[%dma_start3A_106, %dma_start3A_107, %dma_start3A_109, %dma_start3A_110, %dma_start3A_111] : memref<4x2x2x8x512xf32, #tpu.memory_space<vmem>> -> memref<1x1x2x8x512xf32, #tpu.memory_space<vmem>>
    %dma_start3A_113 = tpu.memref_squeeze %dma_start3A_112 : memref<1x1x2x8x512xf32, #tpu.memory_space<vmem>> -> memref<2x8x512xf32, #tpu.memory_space<vmem>>
    %dma_start3A_114 = arith.constant 0 : i32
    %dma_start3A_115 = arith.constant 0 : i32
    %dma_start3A_116 = tpu.memref_slice %arg3[%arg1, %dma_start3A_114, %add3A_82, %dma_start3A_115] : memref<16x2x512x512xf32, #tpu.memory_space<hbm>> -> memref<1x2x8x512xf32, #tpu.memory_space<hbm>>
    %dma_start3A_117 = tpu.memref_squeeze %dma_start3A_116 : memref<1x2x8x512xf32, #tpu.memory_space<hbm>> -> memref<2x8x512xf32, #tpu.memory_space<hbm>>
    %dma_start3A_118 = tpu.memref_slice %arg11[%dma_start3A_108] : memref<4x!tpu.dma_semaphore, #tpu.memory_space<semaphore_mem>> -> memref<1x!tpu.dma_semaphore, #tpu.memory_space<semaphore_mem>>
    %dma_start3A_119 = tpu.memref_squeeze %dma_start3A_118 : memref<1x!tpu.dma_semaphore, #tpu.memory_space<semaphore_mem>> -> memref<!tpu.dma_semaphore, #tpu.memory_space<semaphore_mem>>
    %dma_start3A_120 = arith.constant 0 : i32
    %dma_start3A_121 = arith.constant 0 : i32
    %dma_start3A_122 = arith.constant 0 : i32
    %dma_start3A_123 = tpu.memref_slice %arg8[%dma_start3A_106, %dma_start3A_107, %dma_start3A_120, %dma_start3A_121, %dma_start3A_122] : memref<4x2x2x8x512xf32, #tpu.memory_space<vmem>> -> memref<1x1x2x8x512xf32, #tpu.memory_space<vmem>>
    %dma_start3A_124 = tpu.memref_squeeze %dma_start3A_123 : memref<1x1x2x8x512xf32, #tpu.memory_space<vmem>> -> memref<2x8x512xf32, #tpu.memory_space<vmem>>
    %dma_start3A_125 = arith.constant 0 : i32
    %dma_start3A_126 = arith.constant 0 : i32
    %dma_start3A_127 = tpu.memref_slice %arg3[%arg1, %dma_start3A_125, %add3A_82, %dma_start3A_126] : memref<16x2x512x512xf32, #tpu.memory_space<hbm>> -> memref<1x2x8x512xf32, #tpu.memory_space<hbm>>
    %dma_start3A_128 = tpu.memref_squeeze %dma_start3A_127 : memref<1x2x8x512xf32, #tpu.memory_space<hbm>> -> memref<2x8x512xf32, #tpu.memory_space<hbm>>
    tpu.enqueue_dma source(%dma_start3A_128 : memref<2x8x512xf32, #tpu.memory_space<hbm>>) target(%dma_start3A_124 : memref<2x8x512xf32, #tpu.memory_space<vmem>>) target_semaphore(%dma_start3A_119 : memref<!tpu.dma_semaphore, #tpu.memory_space<semaphore_mem>>)
    %dma_start3A_129 = arith.constant 0 : i32
    %dma_start3A_130 = arith.constant 1 : i32
    %dma_start3A_131 = arith.constant 1 : i32
    %dma_start3A_132 = arith.constant 0 : i32
    %dma_start3A_133 = arith.constant 0 : i32
    %dma_start3A_134 = tpu.memref_slice %arg9[%dma_start3A_130, %dma_start3A_132, %dma_start3A_133] : memref<4x8x512xi32, #tpu.memory_space<vmem>> -> memref<1x8x512xi32, #tpu.memory_space<vmem>>
    %dma_start3A_135 = tpu.memref_squeeze %dma_start3A_134 : memref<1x8x512xi32, #tpu.memory_space<vmem>> -> memref<8x512xi32, #tpu.memory_space<vmem>>
    %dma_start3A_136 = arith.constant 0 : i32
    %dma_start3A_137 = tpu.memref_slice %arg4[%arg1, %dma_start3A_129, %add3A_82, %dma_start3A_136] : memref<16x1x512x512xi32, #tpu.memory_space<hbm>> -> memref<1x1x8x512xi32, #tpu.memory_space<hbm>>
    %dma_start3A_138 = tpu.memref_squeeze %dma_start3A_137 : memref<1x1x8x512xi32, #tpu.memory_space<hbm>> -> memref<8x512xi32, #tpu.memory_space<hbm>>
    %dma_start3A_139 = tpu.memref_slice %arg11[%dma_start3A_131] : memref<4x!tpu.dma_semaphore, #tpu.memory_space<semaphore_mem>> -> memref<1x!tpu.dma_semaphore, #tpu.memory_space<semaphore_mem>>
    %dma_start3A_140 = tpu.memref_squeeze %dma_start3A_139 : memref<1x!tpu.dma_semaphore, #tpu.memory_space<semaphore_mem>> -> memref<!tpu.dma_semaphore, #tpu.memory_space<semaphore_mem>>
    %dma_start3A_141 = arith.constant 0 : i32
    %dma_start3A_142 = arith.constant 0 : i32
    %dma_start3A_143 = tpu.memref_slice %arg9[%dma_start3A_130, %dma_start3A_141, %dma_start3A_142] : memref<4x8x512xi32, #tpu.memory_space<vmem>> -> memref<1x8x512xi32, #tpu.memory_space<vmem>>
    %dma_start3A_144 = tpu.memref_squeeze %dma_start3A_143 : memref<1x8x512xi32, #tpu.memory_space<vmem>> -> memref<8x512xi32, #tpu.memory_space<vmem>>
    %dma_start3A_145 = arith.constant 0 : i32
    %dma_start3A_146 = tpu.memref_slice %arg4[%arg1, %dma_start3A_129, %add3A_82, %dma_start3A_145] : memref<16x1x512x512xi32, #tpu.memory_space<hbm>> -> memref<1x1x8x512xi32, #tpu.memory_space<hbm>>
    %dma_start3A_147 = tpu.memref_squeeze %dma_start3A_146 : memref<1x1x8x512xi32, #tpu.memory_space<hbm>> -> memref<8x512xi32, #tpu.memory_space<hbm>>
    tpu.enqueue_dma source(%dma_start3A_147 : memref<8x512xi32, #tpu.memory_space<hbm>>) target(%dma_start3A_144 : memref<8x512xi32, #tpu.memory_space<vmem>>) target_semaphore(%dma_start3A_140 : memref<!tpu.dma_semaphore, #tpu.memory_space<semaphore_mem>>)
    %add3A_148 = arith.constant 16 : i32
    %add3A_149 = arith.addi %mul3A_14, %add3A_148 : i32
    %dma_start3A_150 = arith.constant 2 : i32
    %dma_start3A_151 = arith.constant 0 : i32
    %dma_start3A_152 = arith.constant 2 : i32
    %dma_start3A_153 = arith.constant 0 : i32
    %dma_start3A_154 = arith.constant 0 : i32
    %dma_start3A_155 = arith.constant 0 : i32
    %dma_start3A_156 = tpu.memref_slice %arg8[%dma_start3A_150, %dma_start3A_151, %dma_start3A_153, %dma_start3A_154, %dma_start3A_155] : memref<4x2x2x8x512xf32, #tpu.memory_space<vmem>> -> memref<1x1x2x8x512xf32, #tpu.memory_space<vmem>>
    %dma_start3A_157 = tpu.memref_squeeze %dma_start3A_156 : memref<1x1x2x8x512xf32, #tpu.memory_space<vmem>> -> memref<2x8x512xf32, #tpu.memory_space<vmem>>
    %dma_start3A_158 = arith.constant 0 : i32
    %dma_start3A_159 = arith.constant 0 : i32
    %dma_start3A_160 = tpu.memref_slice %arg2[%arg1, %dma_start3A_158, %add3A_149, %dma_start3A_159] : memref<16x2x512x512xf32, #tpu.memory_space<hbm>> -> memref<1x2x8x512xf32, #tpu.memory_space<hbm>>
    %dma_start3A_161 = tpu.memref_squeeze %dma_start3A_160 : memref<1x2x8x512xf32, #tpu.memory_space<hbm>> -> memref<2x8x512xf32, #tpu.memory_space<hbm>>
    %dma_start3A_162 = tpu.memref_slice %arg11[%dma_start3A_152] : memref<4x!tpu.dma_semaphore, #tpu.memory_space<semaphore_mem>> -> memref<1x!tpu.dma_semaphore, #tpu.memory_space<semaphore_mem>>
    %dma_start3A_163 = tpu.memref_squeeze %dma_start3A_162 : memref<1x!tpu.dma_semaphore, #tpu.memory_space<semaphore_mem>> -> memref<!tpu.dma_semaphore, #tpu.memory_space<semaphore_mem>>
    %dma_start3A_164 = arith.constant 0 : i32
    %dma_start3A_165 = arith.constant 0 : i32
    %dma_start3A_166 = arith.constant 0 : i32
    %dma_start3A_167 = tpu.memref_slice %arg8[%dma_start3A_150, %dma_start3A_151, %dma_start3A_164, %dma_start3A_165, %dma_start3A_166] : memref<4x2x2x8x512xf32, #tpu.memory_space<vmem>> -> memref<1x1x2x8x512xf32, #tpu.memory_space<vmem>>
    %dma_start3A_168 = tpu.memref_squeeze %dma_start3A_167 : memref<1x1x2x8x512xf32, #tpu.memory_space<vmem>> -> memref<2x8x512xf32, #tpu.memory_space<vmem>>
    %dma_start3A_169 = arith.constant 0 : i32
    %dma_start3A_170 = arith.constant 0 : i32
    %dma_start3A_171 = tpu.memref_slice %arg2[%arg1, %dma_start3A_169, %add3A_149, %dma_start3A_170] : memref<16x2x512x512xf32, #tpu.memory_space<hbm>> -> memref<1x2x8x512xf32, #tpu.memory_space<hbm>>
    %dma_start3A_172 = tpu.memref_squeeze %dma_start3A_171 : memref<1x2x8x512xf32, #tpu.memory_space<hbm>> -> memref<2x8x512xf32, #tpu.memory_space<hbm>>
    tpu.enqueue_dma source(%dma_start3A_172 : memref<2x8x512xf32, #tpu.memory_space<hbm>>) target(%dma_start3A_168 : memref<2x8x512xf32, #tpu.memory_space<vmem>>) target_semaphore(%dma_start3A_163 : memref<!tpu.dma_semaphore, #tpu.memory_space<semaphore_mem>>)
    %dma_start3A_173 = arith.constant 2 : i32
    %dma_start3A_174 = arith.constant 1 : i32
    %dma_start3A_175 = arith.constant 2 : i32
    %dma_start3A_176 = arith.constant 0 : i32
    %dma_start3A_177 = arith.constant 0 : i32
    %dma_start3A_178 = arith.constant 0 : i32
    %dma_start3A_179 = tpu.memref_slice %arg8[%dma_start3A_173, %dma_start3A_174, %dma_start3A_176, %dma_start3A_177, %dma_start3A_178] : memref<4x2x2x8x512xf32, #tpu.memory_space<vmem>> -> memref<1x1x2x8x512xf32, #tpu.memory_space<vmem>>
    %dma_start3A_180 = tpu.memref_squeeze %dma_start3A_179 : memref<1x1x2x8x512xf32, #tpu.memory_space<vmem>> -> memref<2x8x512xf32, #tpu.memory_space<vmem>>
    %dma_start3A_181 = arith.constant 0 : i32
    %dma_start3A_182 = arith.constant 0 : i32
    %dma_start3A_183 = tpu.memref_slice %arg3[%arg1, %dma_start3A_181, %add3A_149, %dma_start3A_182] : memref<16x2x512x512xf32, #tpu.memory_space<hbm>> -> memref<1x2x8x512xf32, #tpu.memory_space<hbm>>
    %dma_start3A_184 = tpu.memref_squeeze %dma_start3A_183 : memref<1x2x8x512xf32, #tpu.memory_space<hbm>> -> memref<2x8x512xf32, #tpu.memory_space<hbm>>
    %dma_start3A_185 = tpu.memref_slice %arg11[%dma_start3A_175] : memref<4x!tpu.dma_semaphore, #tpu.memory_space<semaphore_mem>> -> memref<1x!tpu.dma_semaphore, #tpu.memory_space<semaphore_mem>>
    %dma_start3A_186 = tpu.memref_squeeze %dma_start3A_185 : memref<1x!tpu.dma_semaphore, #tpu.memory_space<semaphore_mem>> -> memref<!tpu.dma_semaphore, #tpu.memory_space<semaphore_mem>>
    %dma_start3A_187 = arith.constant 0 : i32
    %dma_start3A_188 = arith.constant 0 : i32
    %dma_start3A_189 = arith.constant 0 : i32
    %dma_start3A_190 = tpu.memref_slice %arg8[%dma_start3A_173, %dma_start3A_174, %dma_start3A_187, %dma_start3A_188, %dma_start3A_189] : memref<4x2x2x8x512xf32, #tpu.memory_space<vmem>> -> memref<1x1x2x8x512xf32, #tpu.memory_space<vmem>>
    %dma_start3A_191 = tpu.memref_squeeze %dma_start3A_190 : memref<1x1x2x8x512xf32, #tpu.memory_space<vmem>> -> memref<2x8x512xf32, #tpu.memory_space<vmem>>
    %dma_start3A_192 = arith.constant 0 : i32
    %dma_start3A_193 = arith.constant 0 : i32
    %dma_start3A_194 = tpu.memref_slice %arg3[%arg1, %dma_start3A_192, %add3A_149, %dma_start3A_193] : memref<16x2x512x512xf32, #tpu.memory_space<hbm>> -> memref<1x2x8x512xf32, #tpu.memory_space<hbm>>
    %dma_start3A_195 = tpu.memref_squeeze %dma_start3A_194 : memref<1x2x8x512xf32, #tpu.memory_space<hbm>> -> memref<2x8x512xf32, #tpu.memory_space<hbm>>
    tpu.enqueue_dma source(%dma_start3A_195 : memref<2x8x512xf32, #tpu.memory_space<hbm>>) target(%dma_start3A_191 : memref<2x8x512xf32, #tpu.memory_space<vmem>>) target_semaphore(%dma_start3A_186 : memref<!tpu.dma_semaphore, #tpu.memory_space<semaphore_mem>>)
    %dma_start3A_196 = arith.constant 0 : i32
    %dma_start3A_197 = arith.constant 2 : i32
    %dma_start3A_198 = arith.constant 2 : i32
    %dma_start3A_199 = arith.constant 0 : i32
    %dma_start3A_200 = arith.constant 0 : i32
    %dma_start3A_201 = tpu.memref_slice %arg9[%dma_start3A_197, %dma_start3A_199, %dma_start3A_200] : memref<4x8x512xi32, #tpu.memory_space<vmem>> -> memref<1x8x512xi32, #tpu.memory_space<vmem>>
    %dma_start3A_202 = tpu.memref_squeeze %dma_start3A_201 : memref<1x8x512xi32, #tpu.memory_space<vmem>> -> memref<8x512xi32, #tpu.memory_space<vmem>>
    %dma_start3A_203 = arith.constant 0 : i32
    %dma_start3A_204 = tpu.memref_slice %arg4[%arg1, %dma_start3A_196, %add3A_149, %dma_start3A_203] : memref<16x1x512x512xi32, #tpu.memory_space<hbm>> -> memref<1x1x8x512xi32, #tpu.memory_space<hbm>>
    %dma_start3A_205 = tpu.memref_squeeze %dma_start3A_204 : memref<1x1x8x512xi32, #tpu.memory_space<hbm>> -> memref<8x512xi32, #tpu.memory_space<hbm>>
    %dma_start3A_206 = tpu.memref_slice %arg11[%dma_start3A_198] : memref<4x!tpu.dma_semaphore, #tpu.memory_space<semaphore_mem>> -> memref<1x!tpu.dma_semaphore, #tpu.memory_space<semaphore_mem>>
    %dma_start3A_207 = tpu.memref_squeeze %dma_start3A_206 : memref<1x!tpu.dma_semaphore, #tpu.memory_space<semaphore_mem>> -> memref<!tpu.dma_semaphore, #tpu.memory_space<semaphore_mem>>
    %dma_start3A_208 = arith.constant 0 : i32
    %dma_start3A_209 = arith.constant 0 : i32
    %dma_start3A_210 = tpu.memref_slice %arg9[%dma_start3A_197, %dma_start3A_208, %dma_start3A_209] : memref<4x8x512xi32, #tpu.memory_space<vmem>> -> memref<1x8x512xi32, #tpu.memory_space<vmem>>
    %dma_start3A_211 = tpu.memref_squeeze %dma_start3A_210 : memref<1x8x512xi32, #tpu.memory_space<vmem>> -> memref<8x512xi32, #tpu.memory_space<vmem>>
    %dma_start3A_212 = arith.constant 0 : i32
    %dma_start3A_213 = tpu.memref_slice %arg4[%arg1, %dma_start3A_196, %add3A_149, %dma_start3A_212] : memref<16x1x512x512xi32, #tpu.memory_space<hbm>> -> memref<1x1x8x512xi32, #tpu.memory_space<hbm>>
    %dma_start3A_214 = tpu.memref_squeeze %dma_start3A_213 : memref<1x1x8x512xi32, #tpu.memory_space<hbm>> -> memref<8x512xi32, #tpu.memory_space<hbm>>
    tpu.enqueue_dma source(%dma_start3A_214 : memref<8x512xi32, #tpu.memory_space<hbm>>) target(%dma_start3A_211 : memref<8x512xi32, #tpu.memory_space<vmem>>) target_semaphore(%dma_start3A_207 : memref<!tpu.dma_semaphore, #tpu.memory_space<semaphore_mem>>)
    %scan3A_215 = arith.constant 0 : i32
    %scan3A_216 = arith.constant 8 : i32
    %scan3A_217 = arith.addi %scan3A_215, %scan3A_216 : i32
    %scan3A_218 = arith.constant 1 : i32
    scf.for %scan3A_225 = %scan3A_215 to %scan3A_217 step %scan3A_218  : i32 {
      %mul3A_226 = arith.constant 4 : i32
      %mul3A_227 = arith.muli %mul3A_226, %scan3A_225 : i32
      %add3A_228 = arith.constant 0 : i32
      %add3A_229 = arith.addi %mul3A_227, %add3A_228 : i32
      %add3A_230 = arith.constant 4 : i32
      %add3A_231 = arith.addi %add3A_229, %add3A_230 : i32
      %sub3A = arith.constant 1 : i32
      %sub3A_232 = arith.subi %add3A_231, %sub3A : i32
      %lt3A = arith.constant 32 : i32
      %lt3A_233 = arith.cmpi slt, %sub3A_232, %lt3A : i32
      %convert_element_type3A = arith.extui %lt3A_233 : i1 to i32
      %cond3A = arith.constant 0 : i32
      %cond3A_234 = arith.cmpi ne, %convert_element_type3A, %cond3A : i32
      scf.if %cond3A_234 {
        %add3A_556 = arith.constant 4 : i32
        %add3A_557 = arith.addi %add3A_229, %add3A_556 : i32
        %sub3A_558 = arith.constant 1 : i32
        %sub3A_559 = arith.subi %add3A_557, %sub3A_558 : i32
        %mul3A_560 = arith.constant 8 : i32
        %mul3A_561 = arith.muli %sub3A_559, %mul3A_560 : i32
        %add3A_562 = arith.addi %mul3A_14, %mul3A_561 : i32
        %dma_start3A_563 = arith.constant 3 : i32
        %dma_start3A_564 = arith.constant 0 : i32
        %dma_start3A_565 = arith.constant 3 : i32
        %dma_start3A_566 = arith.constant 0 : i32
        %dma_start3A_567 = arith.constant 0 : i32
        %dma_start3A_568 = arith.constant 0 : i32
        %dma_start3A_569 = tpu.memref_slice %arg8[%dma_start3A_563, %dma_start3A_564, %dma_start3A_566, %dma_start3A_567, %dma_start3A_568] : memref<4x2x2x8x512xf32, #tpu.memory_space<vmem>> -> memref<1x1x2x8x512xf32, #tpu.memory_space<vmem>>
        %dma_start3A_570 = tpu.memref_squeeze %dma_start3A_569 : memref<1x1x2x8x512xf32, #tpu.memory_space<vmem>> -> memref<2x8x512xf32, #tpu.memory_space<vmem>>
        %dma_start3A_571 = arith.constant 0 : i32
        %dma_start3A_572 = arith.constant 0 : i32
        %dma_start3A_573 = tpu.memref_slice %arg2[%arg1, %dma_start3A_571, %add3A_562, %dma_start3A_572] : memref<16x2x512x512xf32, #tpu.memory_space<hbm>> -> memref<1x2x8x512xf32, #tpu.memory_space<hbm>>
        %dma_start3A_574 = tpu.memref_squeeze %dma_start3A_573 : memref<1x2x8x512xf32, #tpu.memory_space<hbm>> -> memref<2x8x512xf32, #tpu.memory_space<hbm>>
        %dma_start3A_575 = tpu.memref_slice %arg11[%dma_start3A_565] : memref<4x!tpu.dma_semaphore, #tpu.memory_space<semaphore_mem>> -> memref<1x!tpu.dma_semaphore, #tpu.memory_space<semaphore_mem>>
        %dma_start3A_576 = tpu.memref_squeeze %dma_start3A_575 : memref<1x!tpu.dma_semaphore, #tpu.memory_space<semaphore_mem>> -> memref<!tpu.dma_semaphore, #tpu.memory_space<semaphore_mem>>
        %dma_start3A_577 = arith.constant 0 : i32
        %dma_start3A_578 = arith.constant 0 : i32
        %dma_start3A_579 = arith.constant 0 : i32
        %dma_start3A_580 = tpu.memref_slice %arg8[%dma_start3A_563, %dma_start3A_564, %dma_start3A_577, %dma_start3A_578, %dma_start3A_579] : memref<4x2x2x8x512xf32, #tpu.memory_space<vmem>> -> memref<1x1x2x8x512xf32, #tpu.memory_space<vmem>>
        %dma_start3A_581 = tpu.memref_squeeze %dma_start3A_580 : memref<1x1x2x8x512xf32, #tpu.memory_space<vmem>> -> memref<2x8x512xf32, #tpu.memory_space<vmem>>
        %dma_start3A_582 = arith.constant 0 : i32
        %dma_start3A_583 = arith.constant 0 : i32
        %dma_start3A_584 = tpu.memref_slice %arg2[%arg1, %dma_start3A_582, %add3A_562, %dma_start3A_583] : memref<16x2x512x512xf32, #tpu.memory_space<hbm>> -> memref<1x2x8x512xf32, #tpu.memory_space<hbm>>
        %dma_start3A_585 = tpu.memref_squeeze %dma_start3A_584 : memref<1x2x8x512xf32, #tpu.memory_space<hbm>> -> memref<2x8x512xf32, #tpu.memory_space<hbm>>
        tpu.enqueue_dma source(%dma_start3A_585 : memref<2x8x512xf32, #tpu.memory_space<hbm>>) target(%dma_start3A_581 : memref<2x8x512xf32, #tpu.memory_space<vmem>>) target_semaphore(%dma_start3A_576 : memref<!tpu.dma_semaphore, #tpu.memory_space<semaphore_mem>>)
        %dma_start3A_586 = arith.constant 3 : i32
        %dma_start3A_587 = arith.constant 1 : i32
        %dma_start3A_588 = arith.constant 3 : i32
        %dma_start3A_589 = arith.constant 0 : i32
        %dma_start3A_590 = arith.constant 0 : i32
        %dma_start3A_591 = arith.constant 0 : i32
        %dma_start3A_592 = tpu.memref_slice %arg8[%dma_start3A_586, %dma_start3A_587, %dma_start3A_589, %dma_start3A_590, %dma_start3A_591] : memref<4x2x2x8x512xf32, #tpu.memory_space<vmem>> -> memref<1x1x2x8x512xf32, #tpu.memory_space<vmem>>
        %dma_start3A_593 = tpu.memref_squeeze %dma_start3A_592 : memref<1x1x2x8x512xf32, #tpu.memory_space<vmem>> -> memref<2x8x512xf32, #tpu.memory_space<vmem>>
        %dma_start3A_594 = arith.constant 0 : i32
        %dma_start3A_595 = arith.constant 0 : i32
        %dma_start3A_596 = tpu.memref_slice %arg3[%arg1, %dma_start3A_594, %add3A_562, %dma_start3A_595] : memref<16x2x512x512xf32, #tpu.memory_space<hbm>> -> memref<1x2x8x512xf32, #tpu.memory_space<hbm>>
        %dma_start3A_597 = tpu.memref_squeeze %dma_start3A_596 : memref<1x2x8x512xf32, #tpu.memory_space<hbm>> -> memref<2x8x512xf32, #tpu.memory_space<hbm>>
        %dma_start3A_598 = tpu.memref_slice %arg11[%dma_start3A_588] : memref<4x!tpu.dma_semaphore, #tpu.memory_space<semaphore_mem>> -> memref<1x!tpu.dma_semaphore, #tpu.memory_space<semaphore_mem>>
        %dma_start3A_599 = tpu.memref_squeeze %dma_start3A_598 : memref<1x!tpu.dma_semaphore, #tpu.memory_space<semaphore_mem>> -> memref<!tpu.dma_semaphore, #tpu.memory_space<semaphore_mem>>
        %dma_start3A_600 = arith.constant 0 : i32
        %dma_start3A_601 = arith.constant 0 : i32
        %dma_start3A_602 = arith.constant 0 : i32
        %dma_start3A_603 = tpu.memref_slice %arg8[%dma_start3A_586, %dma_start3A_587, %dma_start3A_600, %dma_start3A_601, %dma_start3A_602] : memref<4x2x2x8x512xf32, #tpu.memory_space<vmem>> -> memref<1x1x2x8x512xf32, #tpu.memory_space<vmem>>
        %dma_start3A_604 = tpu.memref_squeeze %dma_start3A_603 : memref<1x1x2x8x512xf32, #tpu.memory_space<vmem>> -> memref<2x8x512xf32, #tpu.memory_space<vmem>>
        %dma_start3A_605 = arith.constant 0 : i32
        %dma_start3A_606 = arith.constant 0 : i32
        %dma_start3A_607 = tpu.memref_slice %arg3[%arg1, %dma_start3A_605, %add3A_562, %dma_start3A_606] : memref<16x2x512x512xf32, #tpu.memory_space<hbm>> -> memref<1x2x8x512xf32, #tpu.memory_space<hbm>>
        %dma_start3A_608 = tpu.memref_squeeze %dma_start3A_607 : memref<1x2x8x512xf32, #tpu.memory_space<hbm>> -> memref<2x8x512xf32, #tpu.memory_space<hbm>>
        tpu.enqueue_dma source(%dma_start3A_608 : memref<2x8x512xf32, #tpu.memory_space<hbm>>) target(%dma_start3A_604 : memref<2x8x512xf32, #tpu.memory_space<vmem>>) target_semaphore(%dma_start3A_599 : memref<!tpu.dma_semaphore, #tpu.memory_space<semaphore_mem>>)
        %dma_start3A_609 = arith.constant 0 : i32
        %dma_start3A_610 = arith.constant 3 : i32
        %dma_start3A_611 = arith.constant 3 : i32
        %dma_start3A_612 = arith.constant 0 : i32
        %dma_start3A_613 = arith.constant 0 : i32
        %dma_start3A_614 = tpu.memref_slice %arg9[%dma_start3A_610, %dma_start3A_612, %dma_start3A_613] : memref<4x8x512xi32, #tpu.memory_space<vmem>> -> memref<1x8x512xi32, #tpu.memory_space<vmem>>
        %dma_start3A_615 = tpu.memref_squeeze %dma_start3A_614 : memref<1x8x512xi32, #tpu.memory_space<vmem>> -> memref<8x512xi32, #tpu.memory_space<vmem>>
        %dma_start3A_616 = arith.constant 0 : i32
        %dma_start3A_617 = tpu.memref_slice %arg4[%arg1, %dma_start3A_609, %add3A_562, %dma_start3A_616] : memref<16x1x512x512xi32, #tpu.memory_space<hbm>> -> memref<1x1x8x512xi32, #tpu.memory_space<hbm>>
        %dma_start3A_618 = tpu.memref_squeeze %dma_start3A_617 : memref<1x1x8x512xi32, #tpu.memory_space<hbm>> -> memref<8x512xi32, #tpu.memory_space<hbm>>
        %dma_start3A_619 = tpu.memref_slice %arg11[%dma_start3A_611] : memref<4x!tpu.dma_semaphore, #tpu.memory_space<semaphore_mem>> -> memref<1x!tpu.dma_semaphore, #tpu.memory_space<semaphore_mem>>
        %dma_start3A_620 = tpu.memref_squeeze %dma_start3A_619 : memref<1x!tpu.dma_semaphore, #tpu.memory_space<semaphore_mem>> -> memref<!tpu.dma_semaphore, #tpu.memory_space<semaphore_mem>>
        %dma_start3A_621 = arith.constant 0 : i32
        %dma_start3A_622 = arith.constant 0 : i32
        %dma_start3A_623 = tpu.memref_slice %arg9[%dma_start3A_610, %dma_start3A_621, %dma_start3A_622] : memref<4x8x512xi32, #tpu.memory_space<vmem>> -> memref<1x8x512xi32, #tpu.memory_space<vmem>>
        %dma_start3A_624 = tpu.memref_squeeze %dma_start3A_623 : memref<1x8x512xi32, #tpu.memory_space<vmem>> -> memref<8x512xi32, #tpu.memory_space<vmem>>
        %dma_start3A_625 = arith.constant 0 : i32
        %dma_start3A_626 = tpu.memref_slice %arg4[%arg1, %dma_start3A_609, %add3A_562, %dma_start3A_625] : memref<16x1x512x512xi32, #tpu.memory_space<hbm>> -> memref<1x1x8x512xi32, #tpu.memory_space<hbm>>
        %dma_start3A_627 = tpu.memref_squeeze %dma_start3A_626 : memref<1x1x8x512xi32, #tpu.memory_space<hbm>> -> memref<8x512xi32, #tpu.memory_space<hbm>>
        tpu.enqueue_dma source(%dma_start3A_627 : memref<8x512xi32, #tpu.memory_space<hbm>>) target(%dma_start3A_624 : memref<8x512xi32, #tpu.memory_space<vmem>>) target_semaphore(%dma_start3A_620 : memref<!tpu.dma_semaphore, #tpu.memory_space<semaphore_mem>>)
      } else {
      }
      %mul3A_235 = arith.constant 8 : i32
      %mul3A_236 = arith.muli %add3A_229, %mul3A_235 : i32
      %add3A_237 = arith.addi %mul3A_14, %mul3A_236 : i32
      %dma_wait3A = arith.constant 0 : i32
      %dma_wait3A_238 = arith.constant 0 : i32
      %dma_wait3A_239 = arith.constant 0 : i32
      %dma_wait3A_240 = arith.constant 0 : i32
      %dma_wait3A_241 = arith.constant 0 : i32
      %dma_wait3A_242 = arith.constant 0 : i32
      %dma_wait3A_243 = tpu.memref_slice %arg8[%dma_wait3A, %dma_wait3A_238, %dma_wait3A_240, %dma_wait3A_241, %dma_wait3A_242] : memref<4x2x2x8x512xf32, #tpu.memory_space<vmem>> -> memref<1x1x2x8x512xf32, #tpu.memory_space<vmem>>
      %dma_wait3A_244 = tpu.memref_squeeze %dma_wait3A_243 : memref<1x1x2x8x512xf32, #tpu.memory_space<vmem>> -> memref<2x8x512xf32, #tpu.memory_space<vmem>>
      %dma_wait3A_245 = arith.constant 0 : i32
      %dma_wait3A_246 = arith.constant 0 : i32
      %dma_wait3A_247 = tpu.memref_slice %arg2[%arg1, %dma_wait3A_245, %add3A_237, %dma_wait3A_246] : memref<16x2x512x512xf32, #tpu.memory_space<hbm>> -> memref<1x2x8x512xf32, #tpu.memory_space<hbm>>
      %dma_wait3A_248 = tpu.memref_squeeze %dma_wait3A_247 : memref<1x2x8x512xf32, #tpu.memory_space<hbm>> -> memref<2x8x512xf32, #tpu.memory_space<hbm>>
      %dma_wait3A_249 = tpu.memref_slice %arg11[%dma_wait3A_239] : memref<4x!tpu.dma_semaphore, #tpu.memory_space<semaphore_mem>> -> memref<1x!tpu.dma_semaphore, #tpu.memory_space<semaphore_mem>>
      %dma_wait3A_250 = tpu.memref_squeeze %dma_wait3A_249 : memref<1x!tpu.dma_semaphore, #tpu.memory_space<semaphore_mem>> -> memref<!tpu.dma_semaphore, #tpu.memory_space<semaphore_mem>>
      %dma_wait3A_251 = arith.constant 0 : i32
      %dma_wait3A_252 = arith.constant 0 : i32
      %dma_wait3A_253 = arith.constant 0 : i32
      %dma_wait3A_254 = tpu.memref_slice %arg8[%dma_wait3A, %dma_wait3A_238, %dma_wait3A_251, %dma_wait3A_252, %dma_wait3A_253] : memref<4x2x2x8x512xf32, #tpu.memory_space<vmem>> -> memref<1x1x2x8x512xf32, #tpu.memory_space<vmem>>
      %dma_wait3A_255 = tpu.memref_squeeze %dma_wait3A_254 : memref<1x1x2x8x512xf32, #tpu.memory_space<vmem>> -> memref<2x8x512xf32, #tpu.memory_space<vmem>>
      %dma_wait3A_256 = arith.constant 0 : i32
      %dma_wait3A_257 = arith.constant 0 : i32
      %dma_wait3A_258 = tpu.memref_slice %arg2[%arg1, %dma_wait3A_256, %add3A_237, %dma_wait3A_257] : memref<16x2x512x512xf32, #tpu.memory_space<hbm>> -> memref<1x2x8x512xf32, #tpu.memory_space<hbm>>
      %dma_wait3A_259 = tpu.memref_squeeze %dma_wait3A_258 : memref<1x2x8x512xf32, #tpu.memory_space<hbm>> -> memref<2x8x512xf32, #tpu.memory_space<hbm>>
      tpu.wait_dma2 semaphore(%dma_wait3A_250 : memref<!tpu.dma_semaphore, #tpu.memory_space<semaphore_mem>>) src(%dma_wait3A_259 : memref<2x8x512xf32, #tpu.memory_space<hbm>>) dst(%dma_wait3A_255 : memref<2x8x512xf32, #tpu.memory_space<vmem>>)
      %dma_wait3A_260 = arith.constant 0 : i32
      %dma_wait3A_261 = arith.constant 1 : i32
      %dma_wait3A_262 = arith.constant 0 : i32
      %dma_wait3A_263 = arith.constant 0 : i32
      %dma_wait3A_264 = arith.constant 0 : i32
      %dma_wait3A_265 = arith.constant 0 : i32
      %dma_wait3A_266 = tpu.memref_slice %arg8[%dma_wait3A_260, %dma_wait3A_261, %dma_wait3A_263, %dma_wait3A_264, %dma_wait3A_265] : memref<4x2x2x8x512xf32, #tpu.memory_space<vmem>> -> memref<1x1x2x8x512xf32, #tpu.memory_space<vmem>>
      %dma_wait3A_267 = tpu.memref_squeeze %dma_wait3A_266 : memref<1x1x2x8x512xf32, #tpu.memory_space<vmem>> -> memref<2x8x512xf32, #tpu.memory_space<vmem>>
      %dma_wait3A_268 = arith.constant 0 : i32
      %dma_wait3A_269 = arith.constant 0 : i32
      %dma_wait3A_270 = tpu.memref_slice %arg3[%arg1, %dma_wait3A_268, %add3A_237, %dma_wait3A_269] : memref<16x2x512x512xf32, #tpu.memory_space<hbm>> -> memref<1x2x8x512xf32, #tpu.memory_space<hbm>>
      %dma_wait3A_271 = tpu.memref_squeeze %dma_wait3A_270 : memref<1x2x8x512xf32, #tpu.memory_space<hbm>> -> memref<2x8x512xf32, #tpu.memory_space<hbm>>
      %dma_wait3A_272 = tpu.memref_slice %arg11[%dma_wait3A_262] : memref<4x!tpu.dma_semaphore, #tpu.memory_space<semaphore_mem>> -> memref<1x!tpu.dma_semaphore, #tpu.memory_space<semaphore_mem>>
      %dma_wait3A_273 = tpu.memref_squeeze %dma_wait3A_272 : memref<1x!tpu.dma_semaphore, #tpu.memory_space<semaphore_mem>> -> memref<!tpu.dma_semaphore, #tpu.memory_space<semaphore_mem>>
      %dma_wait3A_274 = arith.constant 0 : i32
      %dma_wait3A_275 = arith.constant 0 : i32
      %dma_wait3A_276 = arith.constant 0 : i32
      %dma_wait3A_277 = tpu.memref_slice %arg8[%dma_wait3A_260, %dma_wait3A_261, %dma_wait3A_274, %dma_wait3A_275, %dma_wait3A_276] : memref<4x2x2x8x512xf32, #tpu.memory_space<vmem>> -> memref<1x1x2x8x512xf32, #tpu.memory_space<vmem>>
      %dma_wait3A_278 = tpu.memref_squeeze %dma_wait3A_277 : memref<1x1x2x8x512xf32, #tpu.memory_space<vmem>> -> memref<2x8x512xf32, #tpu.memory_space<vmem>>
      %dma_wait3A_279 = arith.constant 0 : i32
      %dma_wait3A_280 = arith.constant 0 : i32
      %dma_wait3A_281 = tpu.memref_slice %arg3[%arg1, %dma_wait3A_279, %add3A_237, %dma_wait3A_280] : memref<16x2x512x512xf32, #tpu.memory_space<hbm>> -> memref<1x2x8x512xf32, #tpu.memory_space<hbm>>
      %dma_wait3A_282 = tpu.memref_squeeze %dma_wait3A_281 : memref<1x2x8x512xf32, #tpu.memory_space<hbm>> -> memref<2x8x512xf32, #tpu.memory_space<hbm>>
      tpu.wait_dma2 semaphore(%dma_wait3A_273 : memref<!tpu.dma_semaphore, #tpu.memory_space<semaphore_mem>>) src(%dma_wait3A_282 : memref<2x8x512xf32, #tpu.memory_space<hbm>>) dst(%dma_wait3A_278 : memref<2x8x512xf32, #tpu.memory_space<vmem>>)
      %dma_wait3A_283 = arith.constant 0 : i32
      %dma_wait3A_284 = arith.constant 0 : i32
      %dma_wait3A_285 = arith.constant 0 : i32
      %dma_wait3A_286 = arith.constant 0 : i32
      %dma_wait3A_287 = arith.constant 0 : i32
      %dma_wait3A_288 = tpu.memref_slice %arg9[%dma_wait3A_284, %dma_wait3A_286, %dma_wait3A_287] : memref<4x8x512xi32, #tpu.memory_space<vmem>> -> memref<1x8x512xi32, #tpu.memory_space<vmem>>
      %dma_wait3A_289 = tpu.memref_squeeze %dma_wait3A_288 : memref<1x8x512xi32, #tpu.memory_space<vmem>> -> memref<8x512xi32, #tpu.memory_space<vmem>>
      %dma_wait3A_290 = arith.constant 0 : i32
      %dma_wait3A_291 = tpu.memref_slice %arg4[%arg1, %dma_wait3A_283, %add3A_237, %dma_wait3A_290] : memref<16x1x512x512xi32, #tpu.memory_space<hbm>> -> memref<1x1x8x512xi32, #tpu.memory_space<hbm>>
      %dma_wait3A_292 = tpu.memref_squeeze %dma_wait3A_291 : memref<1x1x8x512xi32, #tpu.memory_space<hbm>> -> memref<8x512xi32, #tpu.memory_space<hbm>>
      %dma_wait3A_293 = tpu.memref_slice %arg11[%dma_wait3A_285] : memref<4x!tpu.dma_semaphore, #tpu.memory_space<semaphore_mem>> -> memref<1x!tpu.dma_semaphore, #tpu.memory_space<semaphore_mem>>
      %dma_wait3A_294 = tpu.memref_squeeze %dma_wait3A_293 : memref<1x!tpu.dma_semaphore, #tpu.memory_space<semaphore_mem>> -> memref<!tpu.dma_semaphore, #tpu.memory_space<semaphore_mem>>
      %dma_wait3A_295 = arith.constant 0 : i32
      %dma_wait3A_296 = arith.constant 0 : i32
      %dma_wait3A_297 = tpu.memref_slice %arg9[%dma_wait3A_284, %dma_wait3A_295, %dma_wait3A_296] : memref<4x8x512xi32, #tpu.memory_space<vmem>> -> memref<1x8x512xi32, #tpu.memory_space<vmem>>
      %dma_wait3A_298 = tpu.memref_squeeze %dma_wait3A_297 : memref<1x8x512xi32, #tpu.memory_space<vmem>> -> memref<8x512xi32, #tpu.memory_space<vmem>>
      %dma_wait3A_299 = arith.constant 0 : i32
      %dma_wait3A_300 = tpu.memref_slice %arg4[%arg1, %dma_wait3A_283, %add3A_237, %dma_wait3A_299] : memref<16x1x512x512xi32, #tpu.memory_space<hbm>> -> memref<1x1x8x512xi32, #tpu.memory_space<hbm>>
      %dma_wait3A_301 = tpu.memref_squeeze %dma_wait3A_300 : memref<1x1x8x512xi32, #tpu.memory_space<hbm>> -> memref<8x512xi32, #tpu.memory_space<hbm>>
      tpu.wait_dma2 semaphore(%dma_wait3A_294 : memref<!tpu.dma_semaphore, #tpu.memory_space<semaphore_mem>>) src(%dma_wait3A_301 : memref<8x512xi32, #tpu.memory_space<hbm>>) dst(%dma_wait3A_298 : memref<8x512xi32, #tpu.memory_space<vmem>>)
      %parallel_loop3A = arith.constant 0 : i32
      %parallel_loop3A_302 = arith.constant 256 : i32
      %parallel_loop3A_303 = arith.constant 1 : i32
      scf.for %parallel_loop3A_556 = %parallel_loop3A to %parallel_loop3A_302 step %parallel_loop3A_303  : i32 {
        %parallel_loop3A_557 = arith.constant 5 : i32
        %parallel_loop3A_558 = arith.shrui %parallel_loop3A_556, %parallel_loop3A_557 : i32
        %parallel_loop3A_559 = arith.constant 31 : i32
        %parallel_loop3A_560 = arith.andi %parallel_loop3A_556, %parallel_loop3A_559 : i32
        %parallel_loop3A_561 = arith.constant 16 : i32
        %parallel_loop3A_562 = arith.muli %parallel_loop3A_560, %parallel_loop3A_561 : i32
        %parallel_loop3A_563 = arith.constant 0 : i32
        %parallel_loop3A_564 = arith.constant 0 : i32
        %parallel_loop3A_565 = arith.constant 0 : i32
        %parallel_loop3A_566 = arith.index_cast %parallel_loop3A_563 : i32 to index
        %parallel_loop3A_567 = arith.index_cast %parallel_loop3A_564 : i32 to index
        %parallel_loop3A_568 = arith.index_cast %parallel_loop3A_565 : i32 to index
        %parallel_loop3A_569 = arith.index_cast %parallel_loop3A_558 : i32 to index
        %parallel_loop3A_570 = arith.index_cast %parallel_loop3A_562 : i32 to index
        %parallel_loop3A_571 = tpu.vector_load %arg8[%parallel_loop3A_566, %parallel_loop3A_567, %parallel_loop3A_568, %parallel_loop3A_569, %parallel_loop3A_570] {strides = array<i32>} : memref<4x2x2x8x512xf32, #tpu.memory_space<vmem>>, vector<16xf32>,
        %parallel_loop3A_572 = arith.constant 0 : i32
        %parallel_loop3A_573 = arith.constant 0 : i32
        %parallel_loop3A_574 = arith.constant 1 : i32
        %parallel_loop3A_575 = arith.index_cast %parallel_loop3A_572 : i32 to index
        %parallel_loop3A_576 = arith.index_cast %parallel_loop3A_573 : i32 to index
        %parallel_loop3A_577 = arith.index_cast %parallel_loop3A_574 : i32 to index
        %parallel_loop3A_578 = arith.index_cast %parallel_loop3A_558 : i32 to index
        %parallel_loop3A_579 = arith.index_cast %parallel_loop3A_562 : i32 to index
        %parallel_loop3A_580 = tpu.vector_load %arg8[%parallel_loop3A_575, %parallel_loop3A_576, %parallel_loop3A_577, %parallel_loop3A_578, %parallel_loop3A_579] {strides = array<i32>} : memref<4x2x2x8x512xf32, #tpu.memory_space<vmem>>, vector<16xf32>,
        %parallel_loop3A_581 = arith.constant 0 : i32
        %parallel_loop3A_582 = arith.constant 1 : i32
        %parallel_loop3A_583 = arith.constant 0 : i32
        %parallel_loop3A_584 = arith.index_cast %parallel_loop3A_581 : i32 to index
        %parallel_loop3A_585 = arith.index_cast %parallel_loop3A_582 : i32 to index
        %parallel_loop3A_586 = arith.index_cast %parallel_loop3A_583 : i32 to index
        %parallel_loop3A_587 = arith.index_cast %parallel_loop3A_558 : i32 to index
        %parallel_loop3A_588 = arith.index_cast %parallel_loop3A_562 : i32 to index
        %parallel_loop3A_589 = tpu.vector_load %arg8[%parallel_loop3A_584, %parallel_loop3A_585, %parallel_loop3A_586, %parallel_loop3A_587, %parallel_loop3A_588] {strides = array<i32>} : memref<4x2x2x8x512xf32, #tpu.memory_space<vmem>>, vector<16xf32>,
        %parallel_loop3A_590 = arith.constant 0 : i32
        %parallel_loop3A_591 = arith.constant 1 : i32
        %parallel_loop3A_592 = arith.constant 1 : i32
        %parallel_loop3A_593 = arith.index_cast %parallel_loop3A_590 : i32 to index
        %parallel_loop3A_594 = arith.index_cast %parallel_loop3A_591 : i32 to index
        %parallel_loop3A_595 = arith.index_cast %parallel_loop3A_592 : i32 to index
        %parallel_loop3A_596 = arith.index_cast %parallel_loop3A_558 : i32 to index
        %parallel_loop3A_597 = arith.index_cast %parallel_loop3A_562 : i32 to index
        %parallel_loop3A_598 = tpu.vector_load %arg8[%parallel_loop3A_593, %parallel_loop3A_594, %parallel_loop3A_595, %parallel_loop3A_596, %parallel_loop3A_597] {strides = array<i32>} : memref<4x2x2x8x512xf32, #tpu.memory_space<vmem>>, vector<16xf32>,
        %parallel_loop3A_599 = arith.constant 0 : i32
        %parallel_loop3A_600 = arith.index_cast %parallel_loop3A_599 : i32 to index
        %parallel_loop3A_601 = arith.index_cast %parallel_loop3A_558 : i32 to index
        %parallel_loop3A_602 = arith.index_cast %parallel_loop3A_562 : i32 to index
        %parallel_loop3A_603 = tpu.vector_load %arg9[%parallel_loop3A_600, %parallel_loop3A_601, %parallel_loop3A_602] {strides = array<i32>} : memref<4x8x512xi32, #tpu.memory_space<vmem>>, vector<16xi32>,
        %parallel_loop3A_604 = arith.subf %parallel_loop3A_571, %parallel_loop3A_589 : vector<16xf32>
        %parallel_loop3A_605 = arith.subf %parallel_loop3A_580, %parallel_loop3A_598 : vector<16xf32>
        %parallel_loop3A_606 = arith.mulf %parallel_loop3A_604, %parallel_loop3A_604 : vector<16xf32>
        %parallel_loop3A_607 = arith.mulf %parallel_loop3A_605, %parallel_loop3A_605 : vector<16xf32>
        %parallel_loop3A_608 = arith.addf %parallel_loop3A_606, %parallel_loop3A_607 : vector<16xf32>
        %parallel_loop3A_609 = vector.bitcast %parallel_loop3A_608 : vector<16xf32> to vector<16xi32>
        %parallel_loop3A_610 = arith.constant 19 : i32
        %parallel_loop3A_611 = vector.broadcast %parallel_loop3A_610 : i32 to vector<16xi32>
        %parallel_loop3A_612 = arith.shrui %parallel_loop3A_609, %parallel_loop3A_611 : vector<16xi32>
        %parallel_loop3A_613 = arith.constant 1768 : i32
        %parallel_loop3A_614 = vector.broadcast %parallel_loop3A_613 : i32 to vector<16xi32>
        %parallel_loop3A_615 = arith.subi %parallel_loop3A_612, %parallel_loop3A_614 : vector<16xi32>
        %parallel_loop3A_616 = arith.constant 8 : i32
        %parallel_loop3A_617 = vector.broadcast %parallel_loop3A_616 : i32 to vector<16xi32>
        %parallel_loop3A_618 = arith.maxsi %parallel_loop3A_615, %parallel_loop3A_617 : vector<16xi32>
        %parallel_loop3A_619 = arith.constant 519 : i32
        %parallel_loop3A_620 = vector.broadcast %parallel_loop3A_619 : i32 to vector<16xi32>
        %parallel_loop3A_621 = arith.minsi %parallel_loop3A_618, %parallel_loop3A_620 : vector<16xi32>
        %parallel_loop3A_622 = arith.constant 0 : i32
        %parallel_loop3A_623 = vector.broadcast %parallel_loop3A_622 : i32 to vector<16xi32>
        %parallel_loop3A_624 = arith.cmpi eq, %parallel_loop3A_603, %parallel_loop3A_623 : vector<16xi32>
        %parallel_loop3A_625 = arith.select %parallel_loop3A_624, %parallel_loop3A_621, %parallel_loop3A_603 : vector<16xi1>, vector<16xi32>
        %parallel_loop3A_626 = arith.constant 4 : i32
        %parallel_loop3A_627 = vector.broadcast %parallel_loop3A_626 : i32 to vector<16xi32>
        %parallel_loop3A_628 = arith.shli %parallel_loop3A_625, %parallel_loop3A_627 : vector<16xi32>
        %parallel_loop3A_629 = arith.addi %parallel_loop3A_628, %iota3A : vector<16xi32>
        tpu.vector_store_idx %arg6[%parallel_loop3A_629], %broadcast_in_dim3A_1 {add = true} : memref<8448xf32, #tpu.memory_space<vmem>>[vector<16xi32>], vector<16xf32>,
        tpu.vector_store_idx %arg7[%parallel_loop3A_629], %parallel_loop3A_608 {add = true} : memref<8448xf32, #tpu.memory_space<vmem>>[vector<16xi32>], vector<16xf32>,
      } {sc.loop_unroll_factor = 8 : i64, sc.parallel_access}
      %mul3A_304 = arith.constant 4 : i32
      %mul3A_305 = arith.muli %mul3A_304, %scan3A_225 : i32
      %add3A_306 = arith.constant 1 : i32
      %add3A_307 = arith.addi %mul3A_305, %add3A_306 : i32
      %add3A_308 = arith.constant 4 : i32
      %add3A_309 = arith.addi %add3A_307, %add3A_308 : i32
      %sub3A_310 = arith.constant 1 : i32
      %sub3A_311 = arith.subi %add3A_309, %sub3A_310 : i32
      %lt3A_312 = arith.constant 32 : i32
      %lt3A_313 = arith.cmpi slt, %sub3A_311, %lt3A_312 : i32
      %convert_element_type3A_314 = arith.extui %lt3A_313 : i1 to i32
      %cond3A_315 = arith.constant 0 : i32
      %cond3A_316 = arith.cmpi ne, %convert_element_type3A_314, %cond3A_315 : i32
      scf.if %cond3A_316 {
        %add3A_556 = arith.constant 4 : i32
        %add3A_557 = arith.addi %add3A_307, %add3A_556 : i32
        %sub3A_558 = arith.constant 1 : i32
        %sub3A_559 = arith.subi %add3A_557, %sub3A_558 : i32
        %mul3A_560 = arith.constant 8 : i32
        %mul3A_561 = arith.muli %sub3A_559, %mul3A_560 : i32
        %add3A_562 = arith.addi %mul3A_14, %mul3A_561 : i32
        %dma_start3A_563 = arith.constant 0 : i32
        %dma_start3A_564 = arith.constant 0 : i32
        %dma_start3A_565 = arith.constant 0 : i32
        %dma_start3A_566 = arith.constant 0 : i32
        %dma_start3A_567 = arith.constant 0 : i32
        %dma_start3A_568 = arith.constant 0 : i32
        %dma_start3A_569 = tpu.memref_slice %arg8[%dma_start3A_563, %dma_start3A_564, %dma_start3A_566, %dma_start3A_567, %dma_start3A_568] : memref<4x2x2x8x512xf32, #tpu.memory_space<vmem>> -> memref<1x1x2x8x512xf32, #tpu.memory_space<vmem>>
        %dma_start3A_570 = tpu.memref_squeeze %dma_start3A_569 : memref<1x1x2x8x512xf32, #tpu.memory_space<vmem>> -> memref<2x8x512xf32, #tpu.memory_space<vmem>>
        %dma_start3A_571 = arith.constant 0 : i32
        %dma_start3A_572 = arith.constant 0 : i32
        %dma_start3A_573 = tpu.memref_slice %arg2[%arg1, %dma_start3A_571, %add3A_562, %dma_start3A_572] : memref<16x2x512x512xf32, #tpu.memory_space<hbm>> -> memref<1x2x8x512xf32, #tpu.memory_space<hbm>>
        %dma_start3A_574 = tpu.memref_squeeze %dma_start3A_573 : memref<1x2x8x512xf32, #tpu.memory_space<hbm>> -> memref<2x8x512xf32, #tpu.memory_space<hbm>>
        %dma_start3A_575 = tpu.memref_slice %arg11[%dma_start3A_565] : memref<4x!tpu.dma_semaphore, #tpu.memory_space<semaphore_mem>> -> memref<1x!tpu.dma_semaphore, #tpu.memory_space<semaphore_mem>>
        %dma_start3A_576 = tpu.memref_squeeze %dma_start3A_575 : memref<1x!tpu.dma_semaphore, #tpu.memory_space<semaphore_mem>> -> memref<!tpu.dma_semaphore, #tpu.memory_space<semaphore_mem>>
        %dma_start3A_577 = arith.constant 0 : i32
        %dma_start3A_578 = arith.constant 0 : i32
        %dma_start3A_579 = arith.constant 0 : i32
        %dma_start3A_580 = tpu.memref_slice %arg8[%dma_start3A_563, %dma_start3A_564, %dma_start3A_577, %dma_start3A_578, %dma_start3A_579] : memref<4x2x2x8x512xf32, #tpu.memory_space<vmem>> -> memref<1x1x2x8x512xf32, #tpu.memory_space<vmem>>
        %dma_start3A_581 = tpu.memref_squeeze %dma_start3A_580 : memref<1x1x2x8x512xf32, #tpu.memory_space<vmem>> -> memref<2x8x512xf32, #tpu.memory_space<vmem>>
        %dma_start3A_582 = arith.constant 0 : i32
        %dma_start3A_583 = arith.constant 0 : i32
        %dma_start3A_584 = tpu.memref_slice %arg2[%arg1, %dma_start3A_582, %add3A_562, %dma_start3A_583] : memref<16x2x512x512xf32, #tpu.memory_space<hbm>> -> memref<1x2x8x512xf32, #tpu.memory_space<hbm>>
        %dma_start3A_585 = tpu.memref_squeeze %dma_start3A_584 : memref<1x2x8x512xf32, #tpu.memory_space<hbm>> -> memref<2x8x512xf32, #tpu.memory_space<hbm>>
        tpu.enqueue_dma source(%dma_start3A_585 : memref<2x8x512xf32, #tpu.memory_space<hbm>>) target(%dma_start3A_581 : memref<2x8x512xf32, #tpu.memory_space<vmem>>) target_semaphore(%dma_start3A_576 : memref<!tpu.dma_semaphore, #tpu.memory_space<semaphore_mem>>)
        %dma_start3A_586 = arith.constant 0 : i32
        %dma_start3A_587 = arith.constant 1 : i32
        %dma_start3A_588 = arith.constant 0 : i32
        %dma_start3A_589 = arith.constant 0 : i32
        %dma_start3A_590 = arith.constant 0 : i32
        %dma_start3A_591 = arith.constant 0 : i32
        %dma_start3A_592 = tpu.memref_slice %arg8[%dma_start3A_586, %dma_start3A_587, %dma_start3A_589, %dma_start3A_590, %dma_start3A_591] : memref<4x2x2x8x512xf32, #tpu.memory_space<vmem>> -> memref<1x1x2x8x512xf32, #tpu.memory_space<vmem>>
        %dma_start3A_593 = tpu.memref_squeeze %dma_start3A_592 : memref<1x1x2x8x512xf32, #tpu.memory_space<vmem>> -> memref<2x8x512xf32, #tpu.memory_space<vmem>>
        %dma_start3A_594 = arith.constant 0 : i32
        %dma_start3A_595 = arith.constant 0 : i32
        %dma_start3A_596 = tpu.memref_slice %arg3[%arg1, %dma_start3A_594, %add3A_562, %dma_start3A_595] : memref<16x2x512x512xf32, #tpu.memory_space<hbm>> -> memref<1x2x8x512xf32, #tpu.memory_space<hbm>>
        %dma_start3A_597 = tpu.memref_squeeze %dma_start3A_596 : memref<1x2x8x512xf32, #tpu.memory_space<hbm>> -> memref<2x8x512xf32, #tpu.memory_space<hbm>>
        %dma_start3A_598 = tpu.memref_slice %arg11[%dma_start3A_588] : memref<4x!tpu.dma_semaphore, #tpu.memory_space<semaphore_mem>> -> memref<1x!tpu.dma_semaphore, #tpu.memory_space<semaphore_mem>>
        %dma_start3A_599 = tpu.memref_squeeze %dma_start3A_598 : memref<1x!tpu.dma_semaphore, #tpu.memory_space<semaphore_mem>> -> memref<!tpu.dma_semaphore, #tpu.memory_space<semaphore_mem>>
        %dma_start3A_600 = arith.constant 0 : i32
        %dma_start3A_601 = arith.constant 0 : i32
        %dma_start3A_602 = arith.constant 0 : i32
        %dma_start3A_603 = tpu.memref_slice %arg8[%dma_start3A_586, %dma_start3A_587, %dma_start3A_600, %dma_start3A_601, %dma_start3A_602] : memref<4x2x2x8x512xf32, #tpu.memory_space<vmem>> -> memref<1x1x2x8x512xf32, #tpu.memory_space<vmem>>
        %dma_start3A_604 = tpu.memref_squeeze %dma_start3A_603 : memref<1x1x2x8x512xf32, #tpu.memory_space<vmem>> -> memref<2x8x512xf32, #tpu.memory_space<vmem>>
        %dma_start3A_605 = arith.constant 0 : i32
        %dma_start3A_606 = arith.constant 0 : i32
        %dma_start3A_607 = tpu.memref_slice %arg3[%arg1, %dma_start3A_605, %add3A_562, %dma_start3A_606] : memref<16x2x512x512xf32, #tpu.memory_space<hbm>> -> memref<1x2x8x512xf32, #tpu.memory_space<hbm>>
        %dma_start3A_608 = tpu.memref_squeeze %dma_start3A_607 : memref<1x2x8x512xf32, #tpu.memory_space<hbm>> -> memref<2x8x512xf32, #tpu.memory_space<hbm>>
        tpu.enqueue_dma source(%dma_start3A_608 : memref<2x8x512xf32, #tpu.memory_space<hbm>>) target(%dma_start3A_604 : memref<2x8x512xf32, #tpu.memory_space<vmem>>) target_semaphore(%dma_start3A_599 : memref<!tpu.dma_semaphore, #tpu.memory_space<semaphore_mem>>)
        %dma_start3A_609 = arith.constant 0 : i32
        %dma_start3A_610 = arith.constant 0 : i32
        %dma_start3A_611 = arith.constant 0 : i32
        %dma_start3A_612 = arith.constant 0 : i32
        %dma_start3A_613 = arith.constant 0 : i32
        %dma_start3A_614 = tpu.memref_slice %arg9[%dma_start3A_610, %dma_start3A_612, %dma_start3A_613] : memref<4x8x512xi32, #tpu.memory_space<vmem>> -> memref<1x8x512xi32, #tpu.memory_space<vmem>>
        %dma_start3A_615 = tpu.memref_squeeze %dma_start3A_614 : memref<1x8x512xi32, #tpu.memory_space<vmem>> -> memref<8x512xi32, #tpu.memory_space<vmem>>
        %dma_start3A_616 = arith.constant 0 : i32
        %dma_start3A_617 = tpu.memref_slice %arg4[%arg1, %dma_start3A_609, %add3A_562, %dma_start3A_616] : memref<16x1x512x512xi32, #tpu.memory_space<hbm>> -> memref<1x1x8x512xi32, #tpu.memory_space<hbm>>
        %dma_start3A_618 = tpu.memref_squeeze %dma_start3A_617 : memref<1x1x8x512xi32, #tpu.memory_space<hbm>> -> memref<8x512xi32, #tpu.memory_space<hbm>>
        %dma_start3A_619 = tpu.memref_slice %arg11[%dma_start3A_611] : memref<4x!tpu.dma_semaphore, #tpu.memory_space<semaphore_mem>> -> memref<1x!tpu.dma_semaphore, #tpu.memory_space<semaphore_mem>>
        %dma_start3A_620 = tpu.memref_squeeze %dma_start3A_619 : memref<1x!tpu.dma_semaphore, #tpu.memory_space<semaphore_mem>> -> memref<!tpu.dma_semaphore, #tpu.memory_space<semaphore_mem>>
        %dma_start3A_621 = arith.constant 0 : i32
        %dma_start3A_622 = arith.constant 0 : i32
        %dma_start3A_623 = tpu.memref_slice %arg9[%dma_start3A_610, %dma_start3A_621, %dma_start3A_622] : memref<4x8x512xi32, #tpu.memory_space<vmem>> -> memref<1x8x512xi32, #tpu.memory_space<vmem>>
        %dma_start3A_624 = tpu.memref_squeeze %dma_start3A_623 : memref<1x8x512xi32, #tpu.memory_space<vmem>> -> memref<8x512xi32, #tpu.memory_space<vmem>>
        %dma_start3A_625 = arith.constant 0 : i32
        %dma_start3A_626 = tpu.memref_slice %arg4[%arg1, %dma_start3A_609, %add3A_562, %dma_start3A_625] : memref<16x1x512x512xi32, #tpu.memory_space<hbm>> -> memref<1x1x8x512xi32, #tpu.memory_space<hbm>>
        %dma_start3A_627 = tpu.memref_squeeze %dma_start3A_626 : memref<1x1x8x512xi32, #tpu.memory_space<hbm>> -> memref<8x512xi32, #tpu.memory_space<hbm>>
        tpu.enqueue_dma source(%dma_start3A_627 : memref<8x512xi32, #tpu.memory_space<hbm>>) target(%dma_start3A_624 : memref<8x512xi32, #tpu.memory_space<vmem>>) target_semaphore(%dma_start3A_620 : memref<!tpu.dma_semaphore, #tpu.memory_space<semaphore_mem>>)
      } else {
      }
      %mul3A_317 = arith.constant 8 : i32
      %mul3A_318 = arith.muli %add3A_307, %mul3A_317 : i32
      %add3A_319 = arith.addi %mul3A_14, %mul3A_318 : i32
      %dma_wait3A_320 = arith.constant 1 : i32
      %dma_wait3A_321 = arith.constant 0 : i32
      %dma_wait3A_322 = arith.constant 1 : i32
      %dma_wait3A_323 = arith.constant 0 : i32
      %dma_wait3A_324 = arith.constant 0 : i32
      %dma_wait3A_325 = arith.constant 0 : i32
      %dma_wait3A_326 = tpu.memref_slice %arg8[%dma_wait3A_320, %dma_wait3A_321, %dma_wait3A_323, %dma_wait3A_324, %dma_wait3A_325] : memref<4x2x2x8x512xf32, #tpu.memory_space<vmem>> -> memref<1x1x2x8x512xf32, #tpu.memory_space<vmem>>
      %dma_wait3A_327 = tpu.memref_squeeze %dma_wait3A_326 : memref<1x1x2x8x512xf32, #tpu.memory_space<vmem>> -> memref<2x8x512xf32, #tpu.memory_space<vmem>>
      %dma_wait3A_328 = arith.constant 0 : i32
      %dma_wait3A_329 = arith.constant 0 : i32
      %dma_wait3A_330 = tpu.memref_slice %arg2[%arg1, %dma_wait3A_328, %add3A_319, %dma_wait3A_329] : memref<16x2x512x512xf32, #tpu.memory_space<hbm>> -> memref<1x2x8x512xf32, #tpu.memory_space<hbm>>
      %dma_wait3A_331 = tpu.memref_squeeze %dma_wait3A_330 : memref<1x2x8x512xf32, #tpu.memory_space<hbm>> -> memref<2x8x512xf32, #tpu.memory_space<hbm>>
      %dma_wait3A_332 = tpu.memref_slice %arg11[%dma_wait3A_322] : memref<4x!tpu.dma_semaphore, #tpu.memory_space<semaphore_mem>> -> memref<1x!tpu.dma_semaphore, #tpu.memory_space<semaphore_mem>>
      %dma_wait3A_333 = tpu.memref_squeeze %dma_wait3A_332 : memref<1x!tpu.dma_semaphore, #tpu.memory_space<semaphore_mem>> -> memref<!tpu.dma_semaphore, #tpu.memory_space<semaphore_mem>>
      %dma_wait3A_334 = arith.constant 0 : i32
      %dma_wait3A_335 = arith.constant 0 : i32
      %dma_wait3A_336 = arith.constant 0 : i32
      %dma_wait3A_337 = tpu.memref_slice %arg8[%dma_wait3A_320, %dma_wait3A_321, %dma_wait3A_334, %dma_wait3A_335, %dma_wait3A_336] : memref<4x2x2x8x512xf32, #tpu.memory_space<vmem>> -> memref<1x1x2x8x512xf32, #tpu.memory_space<vmem>>
      %dma_wait3A_338 = tpu.memref_squeeze %dma_wait3A_337 : memref<1x1x2x8x512xf32, #tpu.memory_space<vmem>> -> memref<2x8x512xf32, #tpu.memory_space<vmem>>
      %dma_wait3A_339 = arith.constant 0 : i32
      %dma_wait3A_340 = arith.constant 0 : i32
      %dma_wait3A_341 = tpu.memref_slice %arg2[%arg1, %dma_wait3A_339, %add3A_319, %dma_wait3A_340] : memref<16x2x512x512xf32, #tpu.memory_space<hbm>> -> memref<1x2x8x512xf32, #tpu.memory_space<hbm>>
      %dma_wait3A_342 = tpu.memref_squeeze %dma_wait3A_341 : memref<1x2x8x512xf32, #tpu.memory_space<hbm>> -> memref<2x8x512xf32, #tpu.memory_space<hbm>>
      tpu.wait_dma2 semaphore(%dma_wait3A_333 : memref<!tpu.dma_semaphore, #tpu.memory_space<semaphore_mem>>) src(%dma_wait3A_342 : memref<2x8x512xf32, #tpu.memory_space<hbm>>) dst(%dma_wait3A_338 : memref<2x8x512xf32, #tpu.memory_space<vmem>>)
      %dma_wait3A_343 = arith.constant 1 : i32
      %dma_wait3A_344 = arith.constant 1 : i32
      %dma_wait3A_345 = arith.constant 1 : i32
      %dma_wait3A_346 = arith.constant 0 : i32
      %dma_wait3A_347 = arith.constant 0 : i32
      %dma_wait3A_348 = arith.constant 0 : i32
      %dma_wait3A_349 = tpu.memref_slice %arg8[%dma_wait3A_343, %dma_wait3A_344, %dma_wait3A_346, %dma_wait3A_347, %dma_wait3A_348] : memref<4x2x2x8x512xf32, #tpu.memory_space<vmem>> -> memref<1x1x2x8x512xf32, #tpu.memory_space<vmem>>
      %dma_wait3A_350 = tpu.memref_squeeze %dma_wait3A_349 : memref<1x1x2x8x512xf32, #tpu.memory_space<vmem>> -> memref<2x8x512xf32, #tpu.memory_space<vmem>>
      %dma_wait3A_351 = arith.constant 0 : i32
      %dma_wait3A_352 = arith.constant 0 : i32
      %dma_wait3A_353 = tpu.memref_slice %arg3[%arg1, %dma_wait3A_351, %add3A_319, %dma_wait3A_352] : memref<16x2x512x512xf32, #tpu.memory_space<hbm>> -> memref<1x2x8x512xf32, #tpu.memory_space<hbm>>
      %dma_wait3A_354 = tpu.memref_squeeze %dma_wait3A_353 : memref<1x2x8x512xf32, #tpu.memory_space<hbm>> -> memref<2x8x512xf32, #tpu.memory_space<hbm>>
      %dma_wait3A_355 = tpu.memref_slice %arg11[%dma_wait3A_345] : memref<4x!tpu.dma_semaphore, #tpu.memory_space<semaphore_mem>> -> memref<1x!tpu.dma_semaphore, #tpu.memory_space<semaphore_mem>>
      %dma_wait3A_356 = tpu.memref_squeeze %dma_wait3A_355 : memref<1x!tpu.dma_semaphore, #tpu.memory_space<semaphore_mem>> -> memref<!tpu.dma_semaphore, #tpu.memory_space<semaphore_mem>>
      %dma_wait3A_357 = arith.constant 0 : i32
      %dma_wait3A_358 = arith.constant 0 : i32
      %dma_wait3A_359 = arith.constant 0 : i32
      %dma_wait3A_360 = tpu.memref_slice %arg8[%dma_wait3A_343, %dma_wait3A_344, %dma_wait3A_357, %dma_wait3A_358, %dma_wait3A_359] : memref<4x2x2x8x512xf32, #tpu.memory_space<vmem>> -> memref<1x1x2x8x512xf32, #tpu.memory_space<vmem>>
      %dma_wait3A_361 = tpu.memref_squeeze %dma_wait3A_360 : memref<1x1x2x8x512xf32, #tpu.memory_space<vmem>> -> memref<2x8x512xf32, #tpu.memory_space<vmem>>
      %dma_wait3A_362 = arith.constant 0 : i32
      %dma_wait3A_363 = arith.constant 0 : i32
      %dma_wait3A_364 = tpu.memref_slice %arg3[%arg1, %dma_wait3A_362, %add3A_319, %dma_wait3A_363] : memref<16x2x512x512xf32, #tpu.memory_space<hbm>> -> memref<1x2x8x512xf32, #tpu.memory_space<hbm>>
      %dma_wait3A_365 = tpu.memref_squeeze %dma_wait3A_364 : memref<1x2x8x512xf32, #tpu.memory_space<hbm>> -> memref<2x8x512xf32, #tpu.memory_space<hbm>>
      tpu.wait_dma2 semaphore(%dma_wait3A_356 : memref<!tpu.dma_semaphore, #tpu.memory_space<semaphore_mem>>) src(%dma_wait3A_365 : memref<2x8x512xf32, #tpu.memory_space<hbm>>) dst(%dma_wait3A_361 : memref<2x8x512xf32, #tpu.memory_space<vmem>>)
      %dma_wait3A_366 = arith.constant 0 : i32
      %dma_wait3A_367 = arith.constant 1 : i32
      %dma_wait3A_368 = arith.constant 1 : i32
      %dma_wait3A_369 = arith.constant 0 : i32
      %dma_wait3A_370 = arith.constant 0 : i32
      %dma_wait3A_371 = tpu.memref_slice %arg9[%dma_wait3A_367, %dma_wait3A_369, %dma_wait3A_370] : memref<4x8x512xi32, #tpu.memory_space<vmem>> -> memref<1x8x512xi32, #tpu.memory_space<vmem>>
      %dma_wait3A_372 = tpu.memref_squeeze %dma_wait3A_371 : memref<1x8x512xi32, #tpu.memory_space<vmem>> -> memref<8x512xi32, #tpu.memory_space<vmem>>
      %dma_wait3A_373 = arith.constant 0 : i32
      %dma_wait3A_374 = tpu.memref_slice %arg4[%arg1, %dma_wait3A_366, %add3A_319, %dma_wait3A_373] : memref<16x1x512x512xi32, #tpu.memory_space<hbm>> -> memref<1x1x8x512xi32, #tpu.memory_space<hbm>>
      %dma_wait3A_375 = tpu.memref_squeeze %dma_wait3A_374 : memref<1x1x8x512xi32, #tpu.memory_space<hbm>> -> memref<8x512xi32, #tpu.memory_space<hbm>>
      %dma_wait3A_376 = tpu.memref_slice %arg11[%dma_wait3A_368] : memref<4x!tpu.dma_semaphore, #tpu.memory_space<semaphore_mem>> -> memref<1x!tpu.dma_semaphore, #tpu.memory_space<semaphore_mem>>
      %dma_wait3A_377 = tpu.memref_squeeze %dma_wait3A_376 : memref<1x!tpu.dma_semaphore, #tpu.memory_space<semaphore_mem>> -> memref<!tpu.dma_semaphore, #tpu.memory_space<semaphore_mem>>
      %dma_wait3A_378 = arith.constant 0 : i32
      %dma_wait3A_379 = arith.constant 0 : i32
      %dma_wait3A_380 = tpu.memref_slice %arg9[%dma_wait3A_367, %dma_wait3A_378, %dma_wait3A_379] : memref<4x8x512xi32, #tpu.memory_space<vmem>> -> memref<1x8x512xi32, #tpu.memory_space<vmem>>
      %dma_wait3A_381 = tpu.memref_squeeze %dma_wait3A_380 : memref<1x8x512xi32, #tpu.memory_space<vmem>> -> memref<8x512xi32, #tpu.memory_space<vmem>>
      %dma_wait3A_382 = arith.constant 0 : i32
      %dma_wait3A_383 = tpu.memref_slice %arg4[%arg1, %dma_wait3A_366, %add3A_319, %dma_wait3A_382] : memref<16x1x512x512xi32, #tpu.memory_space<hbm>> -> memref<1x1x8x512xi32, #tpu.memory_space<hbm>>
      %dma_wait3A_384 = tpu.memref_squeeze %dma_wait3A_383 : memref<1x1x8x512xi32, #tpu.memory_space<hbm>> -> memref<8x512xi32, #tpu.memory_space<hbm>>
      tpu.wait_dma2 semaphore(%dma_wait3A_377 : memref<!tpu.dma_semaphore, #tpu.memory_space<semaphore_mem>>) src(%dma_wait3A_384 : memref<8x512xi32, #tpu.memory_space<hbm>>) dst(%dma_wait3A_381 : memref<8x512xi32, #tpu.memory_space<vmem>>)
      %parallel_loop3A_385 = arith.constant 0 : i32
      %parallel_loop3A_386 = arith.constant 256 : i32
      %parallel_loop3A_387 = arith.constant 1 : i32
      scf.for %parallel_loop3A_556 = %parallel_loop3A_385 to %parallel_loop3A_386 step %parallel_loop3A_387  : i32 {
        %parallel_loop3A_557 = arith.constant 5 : i32
        %parallel_loop3A_558 = arith.shrui %parallel_loop3A_556, %parallel_loop3A_557 : i32
        %parallel_loop3A_559 = arith.constant 31 : i32
        %parallel_loop3A_560 = arith.andi %parallel_loop3A_556, %parallel_loop3A_559 : i32
        %parallel_loop3A_561 = arith.constant 16 : i32
        %parallel_loop3A_562 = arith.muli %parallel_loop3A_560, %parallel_loop3A_561 : i32
        %parallel_loop3A_563 = arith.constant 1 : i32
        %parallel_loop3A_564 = arith.constant 0 : i32
        %parallel_loop3A_565 = arith.constant 0 : i32
        %parallel_loop3A_566 = arith.index_cast %parallel_loop3A_563 : i32 to index
        %parallel_loop3A_567 = arith.index_cast %parallel_loop3A_564 : i32 to index
        %parallel_loop3A_568 = arith.index_cast %parallel_loop3A_565 : i32 to index
        %parallel_loop3A_569 = arith.index_cast %parallel_loop3A_558 : i32 to index
        %parallel_loop3A_570 = arith.index_cast %parallel_loop3A_562 : i32 to index
        %parallel_loop3A_571 = tpu.vector_load %arg8[%parallel_loop3A_566, %parallel_loop3A_567, %parallel_loop3A_568, %parallel_loop3A_569, %parallel_loop3A_570] {strides = array<i32>} : memref<4x2x2x8x512xf32, #tpu.memory_space<vmem>>, vector<16xf32>,
        %parallel_loop3A_572 = arith.constant 1 : i32
        %parallel_loop3A_573 = arith.constant 0 : i32
        %parallel_loop3A_574 = arith.constant 1 : i32
        %parallel_loop3A_575 = arith.index_cast %parallel_loop3A_572 : i32 to index
        %parallel_loop3A_576 = arith.index_cast %parallel_loop3A_573 : i32 to index
        %parallel_loop3A_577 = arith.index_cast %parallel_loop3A_574 : i32 to index
        %parallel_loop3A_578 = arith.index_cast %parallel_loop3A_558 : i32 to index
        %parallel_loop3A_579 = arith.index_cast %parallel_loop3A_562 : i32 to index
        %parallel_loop3A_580 = tpu.vector_load %arg8[%parallel_loop3A_575, %parallel_loop3A_576, %parallel_loop3A_577, %parallel_loop3A_578, %parallel_loop3A_579] {strides = array<i32>} : memref<4x2x2x8x512xf32, #tpu.memory_space<vmem>>, vector<16xf32>,
        %parallel_loop3A_581 = arith.constant 1 : i32
        %parallel_loop3A_582 = arith.constant 1 : i32
        %parallel_loop3A_583 = arith.constant 0 : i32
        %parallel_loop3A_584 = arith.index_cast %parallel_loop3A_581 : i32 to index
        %parallel_loop3A_585 = arith.index_cast %parallel_loop3A_582 : i32 to index
        %parallel_loop3A_586 = arith.index_cast %parallel_loop3A_583 : i32 to index
        %parallel_loop3A_587 = arith.index_cast %parallel_loop3A_558 : i32 to index
        %parallel_loop3A_588 = arith.index_cast %parallel_loop3A_562 : i32 to index
        %parallel_loop3A_589 = tpu.vector_load %arg8[%parallel_loop3A_584, %parallel_loop3A_585, %parallel_loop3A_586, %parallel_loop3A_587, %parallel_loop3A_588] {strides = array<i32>} : memref<4x2x2x8x512xf32, #tpu.memory_space<vmem>>, vector<16xf32>,
        %parallel_loop3A_590 = arith.constant 1 : i32
        %parallel_loop3A_591 = arith.constant 1 : i32
        %parallel_loop3A_592 = arith.constant 1 : i32
        %parallel_loop3A_593 = arith.index_cast %parallel_loop3A_590 : i32 to index
        %parallel_loop3A_594 = arith.index_cast %parallel_loop3A_591 : i32 to index
        %parallel_loop3A_595 = arith.index_cast %parallel_loop3A_592 : i32 to index
        %parallel_loop3A_596 = arith.index_cast %parallel_loop3A_558 : i32 to index
        %parallel_loop3A_597 = arith.index_cast %parallel_loop3A_562 : i32 to index
        %parallel_loop3A_598 = tpu.vector_load %arg8[%parallel_loop3A_593, %parallel_loop3A_594, %parallel_loop3A_595, %parallel_loop3A_596, %parallel_loop3A_597] {strides = array<i32>} : memref<4x2x2x8x512xf32, #tpu.memory_space<vmem>>, vector<16xf32>,
        %parallel_loop3A_599 = arith.constant 1 : i32
        %parallel_loop3A_600 = arith.index_cast %parallel_loop3A_599 : i32 to index
        %parallel_loop3A_601 = arith.index_cast %parallel_loop3A_558 : i32 to index
        %parallel_loop3A_602 = arith.index_cast %parallel_loop3A_562 : i32 to index
        %parallel_loop3A_603 = tpu.vector_load %arg9[%parallel_loop3A_600, %parallel_loop3A_601, %parallel_loop3A_602] {strides = array<i32>} : memref<4x8x512xi32, #tpu.memory_space<vmem>>, vector<16xi32>,
        %parallel_loop3A_604 = arith.subf %parallel_loop3A_571, %parallel_loop3A_589 : vector<16xf32>
        %parallel_loop3A_605 = arith.subf %parallel_loop3A_580, %parallel_loop3A_598 : vector<16xf32>
        %parallel_loop3A_606 = arith.mulf %parallel_loop3A_604, %parallel_loop3A_604 : vector<16xf32>
        %parallel_loop3A_607 = arith.mulf %parallel_loop3A_605, %parallel_loop3A_605 : vector<16xf32>
        %parallel_loop3A_608 = arith.addf %parallel_loop3A_606, %parallel_loop3A_607 : vector<16xf32>
        %parallel_loop3A_609 = vector.bitcast %parallel_loop3A_608 : vector<16xf32> to vector<16xi32>
        %parallel_loop3A_610 = arith.constant 19 : i32
        %parallel_loop3A_611 = vector.broadcast %parallel_loop3A_610 : i32 to vector<16xi32>
        %parallel_loop3A_612 = arith.shrui %parallel_loop3A_609, %parallel_loop3A_611 : vector<16xi32>
        %parallel_loop3A_613 = arith.constant 1768 : i32
        %parallel_loop3A_614 = vector.broadcast %parallel_loop3A_613 : i32 to vector<16xi32>
        %parallel_loop3A_615 = arith.subi %parallel_loop3A_612, %parallel_loop3A_614 : vector<16xi32>
        %parallel_loop3A_616 = arith.constant 8 : i32
        %parallel_loop3A_617 = vector.broadcast %parallel_loop3A_616 : i32 to vector<16xi32>
        %parallel_loop3A_618 = arith.maxsi %parallel_loop3A_615, %parallel_loop3A_617 : vector<16xi32>
        %parallel_loop3A_619 = arith.constant 519 : i32
        %parallel_loop3A_620 = vector.broadcast %parallel_loop3A_619 : i32 to vector<16xi32>
        %parallel_loop3A_621 = arith.minsi %parallel_loop3A_618, %parallel_loop3A_620 : vector<16xi32>
        %parallel_loop3A_622 = arith.constant 0 : i32
        %parallel_loop3A_623 = vector.broadcast %parallel_loop3A_622 : i32 to vector<16xi32>
        %parallel_loop3A_624 = arith.cmpi eq, %parallel_loop3A_603, %parallel_loop3A_623 : vector<16xi32>
        %parallel_loop3A_625 = arith.select %parallel_loop3A_624, %parallel_loop3A_621, %parallel_loop3A_603 : vector<16xi1>, vector<16xi32>
        %parallel_loop3A_626 = arith.constant 4 : i32
        %parallel_loop3A_627 = vector.broadcast %parallel_loop3A_626 : i32 to vector<16xi32>
        %parallel_loop3A_628 = arith.shli %parallel_loop3A_625, %parallel_loop3A_627 : vector<16xi32>
        %parallel_loop3A_629 = arith.addi %parallel_loop3A_628, %iota3A : vector<16xi32>
        tpu.vector_store_idx %arg6[%parallel_loop3A_629], %broadcast_in_dim3A_1 {add = true} : memref<8448xf32, #tpu.memory_space<vmem>>[vector<16xi32>], vector<16xf32>,
        tpu.vector_store_idx %arg7[%parallel_loop3A_629], %parallel_loop3A_608 {add = true} : memref<8448xf32, #tpu.memory_space<vmem>>[vector<16xi32>], vector<16xf32>,
      } {sc.loop_unroll_factor = 8 : i64, sc.parallel_access}
      %mul3A_388 = arith.constant 4 : i32
      %mul3A_389 = arith.muli %mul3A_388, %scan3A_225 : i32
      %add3A_390 = arith.constant 2 : i32
      %add3A_391 = arith.addi %mul3A_389, %add3A_390 : i32
      %add3A_392 = arith.constant 4 : i32
      %add3A_393 = arith.addi %add3A_391, %add3A_392 : i32
      %sub3A_394 = arith.constant 1 : i32
      %sub3A_395 = arith.subi %add3A_393, %sub3A_394 : i32
      %lt3A_396 = arith.constant 32 : i32
      %lt3A_397 = arith.cmpi slt, %sub3A_395, %lt3A_396 : i32
      %convert_element_type3A_398 = arith.extui %lt3A_397 : i1 to i32
      %cond3A_399 = arith.constant 0 : i32
      %cond3A_400 = arith.cmpi ne, %convert_element_type3A_398, %cond3A_399 : i32
      scf.if %cond3A_400 {
        %add3A_556 = arith.constant 4 : i32
        %add3A_557 = arith.addi %add3A_391, %add3A_556 : i32
        %sub3A_558 = arith.constant 1 : i32
        %sub3A_559 = arith.subi %add3A_557, %sub3A_558 : i32
        %mul3A_560 = arith.constant 8 : i32
        %mul3A_561 = arith.muli %sub3A_559, %mul3A_560 : i32
        %add3A_562 = arith.addi %mul3A_14, %mul3A_561 : i32
        %dma_start3A_563 = arith.constant 1 : i32
        %dma_start3A_564 = arith.constant 0 : i32
        %dma_start3A_565 = arith.constant 1 : i32
        %dma_start3A_566 = arith.constant 0 : i32
        %dma_start3A_567 = arith.constant 0 : i32
        %dma_start3A_568 = arith.constant 0 : i32
        %dma_start3A_569 = tpu.memref_slice %arg8[%dma_start3A_563, %dma_start3A_564, %dma_start3A_566, %dma_start3A_567, %dma_start3A_568] : memref<4x2x2x8x512xf32, #tpu.memory_space<vmem>> -> memref<1x1x2x8x512xf32, #tpu.memory_space<vmem>>
        %dma_start3A_570 = tpu.memref_squeeze %dma_start3A_569 : memref<1x1x2x8x512xf32, #tpu.memory_space<vmem>> -> memref<2x8x512xf32, #tpu.memory_space<vmem>>
        %dma_start3A_571 = arith.constant 0 : i32
        %dma_start3A_572 = arith.constant 0 : i32
        %dma_start3A_573 = tpu.memref_slice %arg2[%arg1, %dma_start3A_571, %add3A_562, %dma_start3A_572] : memref<16x2x512x512xf32, #tpu.memory_space<hbm>> -> memref<1x2x8x512xf32, #tpu.memory_space<hbm>>
        %dma_start3A_574 = tpu.memref_squeeze %dma_start3A_573 : memref<1x2x8x512xf32, #tpu.memory_space<hbm>> -> memref<2x8x512xf32, #tpu.memory_space<hbm>>
        %dma_start3A_575 = tpu.memref_slice %arg11[%dma_start3A_565] : memref<4x!tpu.dma_semaphore, #tpu.memory_space<semaphore_mem>> -> memref<1x!tpu.dma_semaphore, #tpu.memory_space<semaphore_mem>>
        %dma_start3A_576 = tpu.memref_squeeze %dma_start3A_575 : memref<1x!tpu.dma_semaphore, #tpu.memory_space<semaphore_mem>> -> memref<!tpu.dma_semaphore, #tpu.memory_space<semaphore_mem>>
        %dma_start3A_577 = arith.constant 0 : i32
        %dma_start3A_578 = arith.constant 0 : i32
        %dma_start3A_579 = arith.constant 0 : i32
        %dma_start3A_580 = tpu.memref_slice %arg8[%dma_start3A_563, %dma_start3A_564, %dma_start3A_577, %dma_start3A_578, %dma_start3A_579] : memref<4x2x2x8x512xf32, #tpu.memory_space<vmem>> -> memref<1x1x2x8x512xf32, #tpu.memory_space<vmem>>
        %dma_start3A_581 = tpu.memref_squeeze %dma_start3A_580 : memref<1x1x2x8x512xf32, #tpu.memory_space<vmem>> -> memref<2x8x512xf32, #tpu.memory_space<vmem>>
        %dma_start3A_582 = arith.constant 0 : i32
        %dma_start3A_583 = arith.constant 0 : i32
        %dma_start3A_584 = tpu.memref_slice %arg2[%arg1, %dma_start3A_582, %add3A_562, %dma_start3A_583] : memref<16x2x512x512xf32, #tpu.memory_space<hbm>> -> memref<1x2x8x512xf32, #tpu.memory_space<hbm>>
        %dma_start3A_585 = tpu.memref_squeeze %dma_start3A_584 : memref<1x2x8x512xf32, #tpu.memory_space<hbm>> -> memref<2x8x512xf32, #tpu.memory_space<hbm>>
        tpu.enqueue_dma source(%dma_start3A_585 : memref<2x8x512xf32, #tpu.memory_space<hbm>>) target(%dma_start3A_581 : memref<2x8x512xf32, #tpu.memory_space<vmem>>) target_semaphore(%dma_start3A_576 : memref<!tpu.dma_semaphore, #tpu.memory_space<semaphore_mem>>)
        %dma_start3A_586 = arith.constant 1 : i32
        %dma_start3A_587 = arith.constant 1 : i32
        %dma_start3A_588 = arith.constant 1 : i32
        %dma_start3A_589 = arith.constant 0 : i32
        %dma_start3A_590 = arith.constant 0 : i32
        %dma_start3A_591 = arith.constant 0 : i32
        %dma_start3A_592 = tpu.memref_slice %arg8[%dma_start3A_586, %dma_start3A_587, %dma_start3A_589, %dma_start3A_590, %dma_start3A_591] : memref<4x2x2x8x512xf32, #tpu.memory_space<vmem>> -> memref<1x1x2x8x512xf32, #tpu.memory_space<vmem>>
        %dma_start3A_593 = tpu.memref_squeeze %dma_start3A_592 : memref<1x1x2x8x512xf32, #tpu.memory_space<vmem>> -> memref<2x8x512xf32, #tpu.memory_space<vmem>>
        %dma_start3A_594 = arith.constant 0 : i32
        %dma_start3A_595 = arith.constant 0 : i32
        %dma_start3A_596 = tpu.memref_slice %arg3[%arg1, %dma_start3A_594, %add3A_562, %dma_start3A_595] : memref<16x2x512x512xf32, #tpu.memory_space<hbm>> -> memref<1x2x8x512xf32, #tpu.memory_space<hbm>>
        %dma_start3A_597 = tpu.memref_squeeze %dma_start3A_596 : memref<1x2x8x512xf32, #tpu.memory_space<hbm>> -> memref<2x8x512xf32, #tpu.memory_space<hbm>>
        %dma_start3A_598 = tpu.memref_slice %arg11[%dma_start3A_588] : memref<4x!tpu.dma_semaphore, #tpu.memory_space<semaphore_mem>> -> memref<1x!tpu.dma_semaphore, #tpu.memory_space<semaphore_mem>>
        %dma_start3A_599 = tpu.memref_squeeze %dma_start3A_598 : memref<1x!tpu.dma_semaphore, #tpu.memory_space<semaphore_mem>> -> memref<!tpu.dma_semaphore, #tpu.memory_space<semaphore_mem>>
        %dma_start3A_600 = arith.constant 0 : i32
        %dma_start3A_601 = arith.constant 0 : i32
        %dma_start3A_602 = arith.constant 0 : i32
        %dma_start3A_603 = tpu.memref_slice %arg8[%dma_start3A_586, %dma_start3A_587, %dma_start3A_600, %dma_start3A_601, %dma_start3A_602] : memref<4x2x2x8x512xf32, #tpu.memory_space<vmem>> -> memref<1x1x2x8x512xf32, #tpu.memory_space<vmem>>
        %dma_start3A_604 = tpu.memref_squeeze %dma_start3A_603 : memref<1x1x2x8x512xf32, #tpu.memory_space<vmem>> -> memref<2x8x512xf32, #tpu.memory_space<vmem>>
        %dma_start3A_605 = arith.constant 0 : i32
        %dma_start3A_606 = arith.constant 0 : i32
        %dma_start3A_607 = tpu.memref_slice %arg3[%arg1, %dma_start3A_605, %add3A_562, %dma_start3A_606] : memref<16x2x512x512xf32, #tpu.memory_space<hbm>> -> memref<1x2x8x512xf32, #tpu.memory_space<hbm>>
        %dma_start3A_608 = tpu.memref_squeeze %dma_start3A_607 : memref<1x2x8x512xf32, #tpu.memory_space<hbm>> -> memref<2x8x512xf32, #tpu.memory_space<hbm>>
        tpu.enqueue_dma source(%dma_start3A_608 : memref<2x8x512xf32, #tpu.memory_space<hbm>>) target(%dma_start3A_604 : memref<2x8x512xf32, #tpu.memory_space<vmem>>) target_semaphore(%dma_start3A_599 : memref<!tpu.dma_semaphore, #tpu.memory_space<semaphore_mem>>)
        %dma_start3A_609 = arith.constant 0 : i32
        %dma_start3A_610 = arith.constant 1 : i32
        %dma_start3A_611 = arith.constant 1 : i32
        %dma_start3A_612 = arith.constant 0 : i32
        %dma_start3A_613 = arith.constant 0 : i32
        %dma_start3A_614 = tpu.memref_slice %arg9[%dma_start3A_610, %dma_start3A_612, %dma_start3A_613] : memref<4x8x512xi32, #tpu.memory_space<vmem>> -> memref<1x8x512xi32, #tpu.memory_space<vmem>>
        %dma_start3A_615 = tpu.memref_squeeze %dma_start3A_614 : memref<1x8x512xi32, #tpu.memory_space<vmem>> -> memref<8x512xi32, #tpu.memory_space<vmem>>
        %dma_start3A_616 = arith.constant 0 : i32
        %dma_start3A_617 = tpu.memref_slice %arg4[%arg1, %dma_start3A_609, %add3A_562, %dma_start3A_616] : memref<16x1x512x512xi32, #tpu.memory_space<hbm>> -> memref<1x1x8x512xi32, #tpu.memory_space<hbm>>
        %dma_start3A_618 = tpu.memref_squeeze %dma_start3A_617 : memref<1x1x8x512xi32, #tpu.memory_space<hbm>> -> memref<8x512xi32, #tpu.memory_space<hbm>>
        %dma_start3A_619 = tpu.memref_slice %arg11[%dma_start3A_611] : memref<4x!tpu.dma_semaphore, #tpu.memory_space<semaphore_mem>> -> memref<1x!tpu.dma_semaphore, #tpu.memory_space<semaphore_mem>>
        %dma_start3A_620 = tpu.memref_squeeze %dma_start3A_619 : memref<1x!tpu.dma_semaphore, #tpu.memory_space<semaphore_mem>> -> memref<!tpu.dma_semaphore, #tpu.memory_space<semaphore_mem>>
        %dma_start3A_621 = arith.constant 0 : i32
        %dma_start3A_622 = arith.constant 0 : i32
        %dma_start3A_623 = tpu.memref_slice %arg9[%dma_start3A_610, %dma_start3A_621, %dma_start3A_622] : memref<4x8x512xi32, #tpu.memory_space<vmem>> -> memref<1x8x512xi32, #tpu.memory_space<vmem>>
        %dma_start3A_624 = tpu.memref_squeeze %dma_start3A_623 : memref<1x8x512xi32, #tpu.memory_space<vmem>> -> memref<8x512xi32, #tpu.memory_space<vmem>>
        %dma_start3A_625 = arith.constant 0 : i32
        %dma_start3A_626 = tpu.memref_slice %arg4[%arg1, %dma_start3A_609, %add3A_562, %dma_start3A_625] : memref<16x1x512x512xi32, #tpu.memory_space<hbm>> -> memref<1x1x8x512xi32, #tpu.memory_space<hbm>>
        %dma_start3A_627 = tpu.memref_squeeze %dma_start3A_626 : memref<1x1x8x512xi32, #tpu.memory_space<hbm>> -> memref<8x512xi32, #tpu.memory_space<hbm>>
        tpu.enqueue_dma source(%dma_start3A_627 : memref<8x512xi32, #tpu.memory_space<hbm>>) target(%dma_start3A_624 : memref<8x512xi32, #tpu.memory_space<vmem>>) target_semaphore(%dma_start3A_620 : memref<!tpu.dma_semaphore, #tpu.memory_space<semaphore_mem>>)
      } else {
      }
      %mul3A_401 = arith.constant 8 : i32
      %mul3A_402 = arith.muli %add3A_391, %mul3A_401 : i32
      %add3A_403 = arith.addi %mul3A_14, %mul3A_402 : i32
      %dma_wait3A_404 = arith.constant 2 : i32
      %dma_wait3A_405 = arith.constant 0 : i32
      %dma_wait3A_406 = arith.constant 2 : i32
      %dma_wait3A_407 = arith.constant 0 : i32
      %dma_wait3A_408 = arith.constant 0 : i32
      %dma_wait3A_409 = arith.constant 0 : i32
      %dma_wait3A_410 = tpu.memref_slice %arg8[%dma_wait3A_404, %dma_wait3A_405, %dma_wait3A_407, %dma_wait3A_408, %dma_wait3A_409] : memref<4x2x2x8x512xf32, #tpu.memory_space<vmem>> -> memref<1x1x2x8x512xf32, #tpu.memory_space<vmem>>
      %dma_wait3A_411 = tpu.memref_squeeze %dma_wait3A_410 : memref<1x1x2x8x512xf32, #tpu.memory_space<vmem>> -> memref<2x8x512xf32, #tpu.memory_space<vmem>>
      %dma_wait3A_412 = arith.constant 0 : i32
      %dma_wait3A_413 = arith.constant 0 : i32
      %dma_wait3A_414 = tpu.memref_slice %arg2[%arg1, %dma_wait3A_412, %add3A_403, %dma_wait3A_413] : memref<16x2x512x512xf32, #tpu.memory_space<hbm>> -> memref<1x2x8x512xf32, #tpu.memory_space<hbm>>
      %dma_wait3A_415 = tpu.memref_squeeze %dma_wait3A_414 : memref<1x2x8x512xf32, #tpu.memory_space<hbm>> -> memref<2x8x512xf32, #tpu.memory_space<hbm>>
      %dma_wait3A_416 = tpu.memref_slice %arg11[%dma_wait3A_406] : memref<4x!tpu.dma_semaphore, #tpu.memory_space<semaphore_mem>> -> memref<1x!tpu.dma_semaphore, #tpu.memory_space<semaphore_mem>>
      %dma_wait3A_417 = tpu.memref_squeeze %dma_wait3A_416 : memref<1x!tpu.dma_semaphore, #tpu.memory_space<semaphore_mem>> -> memref<!tpu.dma_semaphore, #tpu.memory_space<semaphore_mem>>
      %dma_wait3A_418 = arith.constant 0 : i32
      %dma_wait3A_419 = arith.constant 0 : i32
      %dma_wait3A_420 = arith.constant 0 : i32
      %dma_wait3A_421 = tpu.memref_slice %arg8[%dma_wait3A_404, %dma_wait3A_405, %dma_wait3A_418, %dma_wait3A_419, %dma_wait3A_420] : memref<4x2x2x8x512xf32, #tpu.memory_space<vmem>> -> memref<1x1x2x8x512xf32, #tpu.memory_space<vmem>>
      %dma_wait3A_422 = tpu.memref_squeeze %dma_wait3A_421 : memref<1x1x2x8x512xf32, #tpu.memory_space<vmem>> -> memref<2x8x512xf32, #tpu.memory_space<vmem>>
      %dma_wait3A_423 = arith.constant 0 : i32
      %dma_wait3A_424 = arith.constant 0 : i32
      %dma_wait3A_425 = tpu.memref_slice %arg2[%arg1, %dma_wait3A_423, %add3A_403, %dma_wait3A_424] : memref<16x2x512x512xf32, #tpu.memory_space<hbm>> -> memref<1x2x8x512xf32, #tpu.memory_space<hbm>>
      %dma_wait3A_426 = tpu.memref_squeeze %dma_wait3A_425 : memref<1x2x8x512xf32, #tpu.memory_space<hbm>> -> memref<2x8x512xf32, #tpu.memory_space<hbm>>
      tpu.wait_dma2 semaphore(%dma_wait3A_417 : memref<!tpu.dma_semaphore, #tpu.memory_space<semaphore_mem>>) src(%dma_wait3A_426 : memref<2x8x512xf32, #tpu.memory_space<hbm>>) dst(%dma_wait3A_422 : memref<2x8x512xf32, #tpu.memory_space<vmem>>)
      %dma_wait3A_427 = arith.constant 2 : i32
      %dma_wait3A_428 = arith.constant 1 : i32
      %dma_wait3A_429 = arith.constant 2 : i32
      %dma_wait3A_430 = arith.constant 0 : i32
      %dma_wait3A_431 = arith.constant 0 : i32
      %dma_wait3A_432 = arith.constant 0 : i32
      %dma_wait3A_433 = tpu.memref_slice %arg8[%dma_wait3A_427, %dma_wait3A_428, %dma_wait3A_430, %dma_wait3A_431, %dma_wait3A_432] : memref<4x2x2x8x512xf32, #tpu.memory_space<vmem>> -> memref<1x1x2x8x512xf32, #tpu.memory_space<vmem>>
      %dma_wait3A_434 = tpu.memref_squeeze %dma_wait3A_433 : memref<1x1x2x8x512xf32, #tpu.memory_space<vmem>> -> memref<2x8x512xf32, #tpu.memory_space<vmem>>
      %dma_wait3A_435 = arith.constant 0 : i32
      %dma_wait3A_436 = arith.constant 0 : i32
      %dma_wait3A_437 = tpu.memref_slice %arg3[%arg1, %dma_wait3A_435, %add3A_403, %dma_wait3A_436] : memref<16x2x512x512xf32, #tpu.memory_space<hbm>> -> memref<1x2x8x512xf32, #tpu.memory_space<hbm>>
      %dma_wait3A_438 = tpu.memref_squeeze %dma_wait3A_437 : memref<1x2x8x512xf32, #tpu.memory_space<hbm>> -> memref<2x8x512xf32, #tpu.memory_space<hbm>>
      %dma_wait3A_439 = tpu.memref_slice %arg11[%dma_wait3A_429] : memref<4x!tpu.dma_semaphore, #tpu.memory_space<semaphore_mem>> -> memref<1x!tpu.dma_semaphore, #tpu.memory_space<semaphore_mem>>
      %dma_wait3A_440 = tpu.memref_squeeze %dma_wait3A_439 : memref<1x!tpu.dma_semaphore, #tpu.memory_space<semaphore_mem>> -> memref<!tpu.dma_semaphore, #tpu.memory_space<semaphore_mem>>
      %dma_wait3A_441 = arith.constant 0 : i32
      %dma_wait3A_442 = arith.constant 0 : i32
      %dma_wait3A_443 = arith.constant 0 : i32
      %dma_wait3A_444 = tpu.memref_slice %arg8[%dma_wait3A_427, %dma_wait3A_428, %dma_wait3A_441, %dma_wait3A_442, %dma_wait3A_443] : memref<4x2x2x8x512xf32, #tpu.memory_space<vmem>> -> memref<1x1x2x8x512xf32, #tpu.memory_space<vmem>>
      %dma_wait3A_445 = tpu.memref_squeeze %dma_wait3A_444 : memref<1x1x2x8x512xf32, #tpu.memory_space<vmem>> -> memref<2x8x512xf32, #tpu.memory_space<vmem>>
      %dma_wait3A_446 = arith.constant 0 : i32
      %dma_wait3A_447 = arith.constant 0 : i32
      %dma_wait3A_448 = tpu.memref_slice %arg3[%arg1, %dma_wait3A_446, %add3A_403, %dma_wait3A_447] : memref<16x2x512x512xf32, #tpu.memory_space<hbm>> -> memref<1x2x8x512xf32, #tpu.memory_space<hbm>>
      %dma_wait3A_449 = tpu.memref_squeeze %dma_wait3A_448 : memref<1x2x8x512xf32, #tpu.memory_space<hbm>> -> memref<2x8x512xf32, #tpu.memory_space<hbm>>
      tpu.wait_dma2 semaphore(%dma_wait3A_440 : memref<!tpu.dma_semaphore, #tpu.memory_space<semaphore_mem>>) src(%dma_wait3A_449 : memref<2x8x512xf32, #tpu.memory_space<hbm>>) dst(%dma_wait3A_445 : memref<2x8x512xf32, #tpu.memory_space<vmem>>)
      %dma_wait3A_450 = arith.constant 0 : i32
      %dma_wait3A_451 = arith.constant 2 : i32
      %dma_wait3A_452 = arith.constant 2 : i32
      %dma_wait3A_453 = arith.constant 0 : i32
      %dma_wait3A_454 = arith.constant 0 : i32
      %dma_wait3A_455 = tpu.memref_slice %arg9[%dma_wait3A_451, %dma_wait3A_453, %dma_wait3A_454] : memref<4x8x512xi32, #tpu.memory_space<vmem>> -> memref<1x8x512xi32, #tpu.memory_space<vmem>>
      %dma_wait3A_456 = tpu.memref_squeeze %dma_wait3A_455 : memref<1x8x512xi32, #tpu.memory_space<vmem>> -> memref<8x512xi32, #tpu.memory_space<vmem>>
      %dma_wait3A_457 = arith.constant 0 : i32
      %dma_wait3A_458 = tpu.memref_slice %arg4[%arg1, %dma_wait3A_450, %add3A_403, %dma_wait3A_457] : memref<16x1x512x512xi32, #tpu.memory_space<hbm>> -> memref<1x1x8x512xi32, #tpu.memory_space<hbm>>
      %dma_wait3A_459 = tpu.memref_squeeze %dma_wait3A_458 : memref<1x1x8x512xi32, #tpu.memory_space<hbm>> -> memref<8x512xi32, #tpu.memory_space<hbm>>
      %dma_wait3A_460 = tpu.memref_slice %arg11[%dma_wait3A_452] : memref<4x!tpu.dma_semaphore, #tpu.memory_space<semaphore_mem>> -> memref<1x!tpu.dma_semaphore, #tpu.memory_space<semaphore_mem>>
      %dma_wait3A_461 = tpu.memref_squeeze %dma_wait3A_460 : memref<1x!tpu.dma_semaphore, #tpu.memory_space<semaphore_mem>> -> memref<!tpu.dma_semaphore, #tpu.memory_space<semaphore_mem>>
      %dma_wait3A_462 = arith.constant 0 : i32
      %dma_wait3A_463 = arith.constant 0 : i32
      %dma_wait3A_464 = tpu.memref_slice %arg9[%dma_wait3A_451, %dma_wait3A_462, %dma_wait3A_463] : memref<4x8x512xi32, #tpu.memory_space<vmem>> -> memref<1x8x512xi32, #tpu.memory_space<vmem>>
      %dma_wait3A_465 = tpu.memref_squeeze %dma_wait3A_464 : memref<1x8x512xi32, #tpu.memory_space<vmem>> -> memref<8x512xi32, #tpu.memory_space<vmem>>
      %dma_wait3A_466 = arith.constant 0 : i32
      %dma_wait3A_467 = tpu.memref_slice %arg4[%arg1, %dma_wait3A_450, %add3A_403, %dma_wait3A_466] : memref<16x1x512x512xi32, #tpu.memory_space<hbm>> -> memref<1x1x8x512xi32, #tpu.memory_space<hbm>>
      %dma_wait3A_468 = tpu.memref_squeeze %dma_wait3A_467 : memref<1x1x8x512xi32, #tpu.memory_space<hbm>> -> memref<8x512xi32, #tpu.memory_space<hbm>>
      tpu.wait_dma2 semaphore(%dma_wait3A_461 : memref<!tpu.dma_semaphore, #tpu.memory_space<semaphore_mem>>) src(%dma_wait3A_468 : memref<8x512xi32, #tpu.memory_space<hbm>>) dst(%dma_wait3A_465 : memref<8x512xi32, #tpu.memory_space<vmem>>)
      %parallel_loop3A_469 = arith.constant 0 : i32
      %parallel_loop3A_470 = arith.constant 256 : i32
      %parallel_loop3A_471 = arith.constant 1 : i32
      scf.for %parallel_loop3A_556 = %parallel_loop3A_469 to %parallel_loop3A_470 step %parallel_loop3A_471  : i32 {
        %parallel_loop3A_557 = arith.constant 5 : i32
        %parallel_loop3A_558 = arith.shrui %parallel_loop3A_556, %parallel_loop3A_557 : i32
        %parallel_loop3A_559 = arith.constant 31 : i32
        %parallel_loop3A_560 = arith.andi %parallel_loop3A_556, %parallel_loop3A_559 : i32
        %parallel_loop3A_561 = arith.constant 16 : i32
        %parallel_loop3A_562 = arith.muli %parallel_loop3A_560, %parallel_loop3A_561 : i32
        %parallel_loop3A_563 = arith.constant 2 : i32
        %parallel_loop3A_564 = arith.constant 0 : i32
        %parallel_loop3A_565 = arith.constant 0 : i32
        %parallel_loop3A_566 = arith.index_cast %parallel_loop3A_563 : i32 to index
        %parallel_loop3A_567 = arith.index_cast %parallel_loop3A_564 : i32 to index
        %parallel_loop3A_568 = arith.index_cast %parallel_loop3A_565 : i32 to index
        %parallel_loop3A_569 = arith.index_cast %parallel_loop3A_558 : i32 to index
        %parallel_loop3A_570 = arith.index_cast %parallel_loop3A_562 : i32 to index
        %parallel_loop3A_571 = tpu.vector_load %arg8[%parallel_loop3A_566, %parallel_loop3A_567, %parallel_loop3A_568, %parallel_loop3A_569, %parallel_loop3A_570] {strides = array<i32>} : memref<4x2x2x8x512xf32, #tpu.memory_space<vmem>>, vector<16xf32>,
        %parallel_loop3A_572 = arith.constant 2 : i32
        %parallel_loop3A_573 = arith.constant 0 : i32
        %parallel_loop3A_574 = arith.constant 1 : i32
        %parallel_loop3A_575 = arith.index_cast %parallel_loop3A_572 : i32 to index
        %parallel_loop3A_576 = arith.index_cast %parallel_loop3A_573 : i32 to index
        %parallel_loop3A_577 = arith.index_cast %parallel_loop3A_574 : i32 to index
        %parallel_loop3A_578 = arith.index_cast %parallel_loop3A_558 : i32 to index
        %parallel_loop3A_579 = arith.index_cast %parallel_loop3A_562 : i32 to index
        %parallel_loop3A_580 = tpu.vector_load %arg8[%parallel_loop3A_575, %parallel_loop3A_576, %parallel_loop3A_577, %parallel_loop3A_578, %parallel_loop3A_579] {strides = array<i32>} : memref<4x2x2x8x512xf32, #tpu.memory_space<vmem>>, vector<16xf32>,
        %parallel_loop3A_581 = arith.constant 2 : i32
        %parallel_loop3A_582 = arith.constant 1 : i32
        %parallel_loop3A_583 = arith.constant 0 : i32
        %parallel_loop3A_584 = arith.index_cast %parallel_loop3A_581 : i32 to index
        %parallel_loop3A_585 = arith.index_cast %parallel_loop3A_582 : i32 to index
        %parallel_loop3A_586 = arith.index_cast %parallel_loop3A_583 : i32 to index
        %parallel_loop3A_587 = arith.index_cast %parallel_loop3A_558 : i32 to index
        %parallel_loop3A_588 = arith.index_cast %parallel_loop3A_562 : i32 to index
        %parallel_loop3A_589 = tpu.vector_load %arg8[%parallel_loop3A_584, %parallel_loop3A_585, %parallel_loop3A_586, %parallel_loop3A_587, %parallel_loop3A_588] {strides = array<i32>} : memref<4x2x2x8x512xf32, #tpu.memory_space<vmem>>, vector<16xf32>,
        %parallel_loop3A_590 = arith.constant 2 : i32
        %parallel_loop3A_591 = arith.constant 1 : i32
        %parallel_loop3A_592 = arith.constant 1 : i32
        %parallel_loop3A_593 = arith.index_cast %parallel_loop3A_590 : i32 to index
        %parallel_loop3A_594 = arith.index_cast %parallel_loop3A_591 : i32 to index
        %parallel_loop3A_595 = arith.index_cast %parallel_loop3A_592 : i32 to index
        %parallel_loop3A_596 = arith.index_cast %parallel_loop3A_558 : i32 to index
        %parallel_loop3A_597 = arith.index_cast %parallel_loop3A_562 : i32 to index
        %parallel_loop3A_598 = tpu.vector_load %arg8[%parallel_loop3A_593, %parallel_loop3A_594, %parallel_loop3A_595, %parallel_loop3A_596, %parallel_loop3A_597] {strides = array<i32>} : memref<4x2x2x8x512xf32, #tpu.memory_space<vmem>>, vector<16xf32>,
        %parallel_loop3A_599 = arith.constant 2 : i32
        %parallel_loop3A_600 = arith.index_cast %parallel_loop3A_599 : i32 to index
        %parallel_loop3A_601 = arith.index_cast %parallel_loop3A_558 : i32 to index
        %parallel_loop3A_602 = arith.index_cast %parallel_loop3A_562 : i32 to index
        %parallel_loop3A_603 = tpu.vector_load %arg9[%parallel_loop3A_600, %parallel_loop3A_601, %parallel_loop3A_602] {strides = array<i32>} : memref<4x8x512xi32, #tpu.memory_space<vmem>>, vector<16xi32>,
        %parallel_loop3A_604 = arith.subf %parallel_loop3A_571, %parallel_loop3A_589 : vector<16xf32>
        %parallel_loop3A_605 = arith.subf %parallel_loop3A_580, %parallel_loop3A_598 : vector<16xf32>
        %parallel_loop3A_606 = arith.mulf %parallel_loop3A_604, %parallel_loop3A_604 : vector<16xf32>
        %parallel_loop3A_607 = arith.mulf %parallel_loop3A_605, %parallel_loop3A_605 : vector<16xf32>
        %parallel_loop3A_608 = arith.addf %parallel_loop3A_606, %parallel_loop3A_607 : vector<16xf32>
        %parallel_loop3A_609 = vector.bitcast %parallel_loop3A_608 : vector<16xf32> to vector<16xi32>
        %parallel_loop3A_610 = arith.constant 19 : i32
        %parallel_loop3A_611 = vector.broadcast %parallel_loop3A_610 : i32 to vector<16xi32>
        %parallel_loop3A_612 = arith.shrui %parallel_loop3A_609, %parallel_loop3A_611 : vector<16xi32>
        %parallel_loop3A_613 = arith.constant 1768 : i32
        %parallel_loop3A_614 = vector.broadcast %parallel_loop3A_613 : i32 to vector<16xi32>
        %parallel_loop3A_615 = arith.subi %parallel_loop3A_612, %parallel_loop3A_614 : vector<16xi32>
        %parallel_loop3A_616 = arith.constant 8 : i32
        %parallel_loop3A_617 = vector.broadcast %parallel_loop3A_616 : i32 to vector<16xi32>
        %parallel_loop3A_618 = arith.maxsi %parallel_loop3A_615, %parallel_loop3A_617 : vector<16xi32>
        %parallel_loop3A_619 = arith.constant 519 : i32
        %parallel_loop3A_620 = vector.broadcast %parallel_loop3A_619 : i32 to vector<16xi32>
        %parallel_loop3A_621 = arith.minsi %parallel_loop3A_618, %parallel_loop3A_620 : vector<16xi32>
        %parallel_loop3A_622 = arith.constant 0 : i32
        %parallel_loop3A_623 = vector.broadcast %parallel_loop3A_622 : i32 to vector<16xi32>
        %parallel_loop3A_624 = arith.cmpi eq, %parallel_loop3A_603, %parallel_loop3A_623 : vector<16xi32>
        %parallel_loop3A_625 = arith.select %parallel_loop3A_624, %parallel_loop3A_621, %parallel_loop3A_603 : vector<16xi1>, vector<16xi32>
        %parallel_loop3A_626 = arith.constant 4 : i32
        %parallel_loop3A_627 = vector.broadcast %parallel_loop3A_626 : i32 to vector<16xi32>
        %parallel_loop3A_628 = arith.shli %parallel_loop3A_625, %parallel_loop3A_627 : vector<16xi32>
        %parallel_loop3A_629 = arith.addi %parallel_loop3A_628, %iota3A : vector<16xi32>
        tpu.vector_store_idx %arg6[%parallel_loop3A_629], %broadcast_in_dim3A_1 {add = true} : memref<8448xf32, #tpu.memory_space<vmem>>[vector<16xi32>], vector<16xf32>,
        tpu.vector_store_idx %arg7[%parallel_loop3A_629], %parallel_loop3A_608 {add = true} : memref<8448xf32, #tpu.memory_space<vmem>>[vector<16xi32>], vector<16xf32>,
      } {sc.loop_unroll_factor = 8 : i64, sc.parallel_access}
      %mul3A_472 = arith.constant 4 : i32
      %mul3A_473 = arith.muli %mul3A_472, %scan3A_225 : i32
      %add3A_474 = arith.constant 3 : i32
      %add3A_475 = arith.addi %mul3A_473, %add3A_474 : i32
      %add3A_476 = arith.constant 4 : i32
      %add3A_477 = arith.addi %add3A_475, %add3A_476 : i32
      %sub3A_478 = arith.constant 1 : i32
      %sub3A_479 = arith.subi %add3A_477, %sub3A_478 : i32
      %lt3A_480 = arith.constant 32 : i32
      %lt3A_481 = arith.cmpi slt, %sub3A_479, %lt3A_480 : i32
      %convert_element_type3A_482 = arith.extui %lt3A_481 : i1 to i32
      %cond3A_483 = arith.constant 0 : i32
      %cond3A_484 = arith.cmpi ne, %convert_element_type3A_482, %cond3A_483 : i32
      scf.if %cond3A_484 {
        %add3A_556 = arith.constant 4 : i32
        %add3A_557 = arith.addi %add3A_475, %add3A_556 : i32
        %sub3A_558 = arith.constant 1 : i32
        %sub3A_559 = arith.subi %add3A_557, %sub3A_558 : i32
        %mul3A_560 = arith.constant 8 : i32
        %mul3A_561 = arith.muli %sub3A_559, %mul3A_560 : i32
        %add3A_562 = arith.addi %mul3A_14, %mul3A_561 : i32
        %dma_start3A_563 = arith.constant 2 : i32
        %dma_start3A_564 = arith.constant 0 : i32
        %dma_start3A_565 = arith.constant 2 : i32
        %dma_start3A_566 = arith.constant 0 : i32
        %dma_start3A_567 = arith.constant 0 : i32
        %dma_start3A_568 = arith.constant 0 : i32
        %dma_start3A_569 = tpu.memref_slice %arg8[%dma_start3A_563, %dma_start3A_564, %dma_start3A_566, %dma_start3A_567, %dma_start3A_568] : memref<4x2x2x8x512xf32, #tpu.memory_space<vmem>> -> memref<1x1x2x8x512xf32, #tpu.memory_space<vmem>>
        %dma_start3A_570 = tpu.memref_squeeze %dma_start3A_569 : memref<1x1x2x8x512xf32, #tpu.memory_space<vmem>> -> memref<2x8x512xf32, #tpu.memory_space<vmem>>
        %dma_start3A_571 = arith.constant 0 : i32
        %dma_start3A_572 = arith.constant 0 : i32
        %dma_start3A_573 = tpu.memref_slice %arg2[%arg1, %dma_start3A_571, %add3A_562, %dma_start3A_572] : memref<16x2x512x512xf32, #tpu.memory_space<hbm>> -> memref<1x2x8x512xf32, #tpu.memory_space<hbm>>
        %dma_start3A_574 = tpu.memref_squeeze %dma_start3A_573 : memref<1x2x8x512xf32, #tpu.memory_space<hbm>> -> memref<2x8x512xf32, #tpu.memory_space<hbm>>
        %dma_start3A_575 = tpu.memref_slice %arg11[%dma_start3A_565] : memref<4x!tpu.dma_semaphore, #tpu.memory_space<semaphore_mem>> -> memref<1x!tpu.dma_semaphore, #tpu.memory_space<semaphore_mem>>
        %dma_start3A_576 = tpu.memref_squeeze %dma_start3A_575 : memref<1x!tpu.dma_semaphore, #tpu.memory_space<semaphore_mem>> -> memref<!tpu.dma_semaphore, #tpu.memory_space<semaphore_mem>>
        %dma_start3A_577 = arith.constant 0 : i32
        %dma_start3A_578 = arith.constant 0 : i32
        %dma_start3A_579 = arith.constant 0 : i32
        %dma_start3A_580 = tpu.memref_slice %arg8[%dma_start3A_563, %dma_start3A_564, %dma_start3A_577, %dma_start3A_578, %dma_start3A_579] : memref<4x2x2x8x512xf32, #tpu.memory_space<vmem>> -> memref<1x1x2x8x512xf32, #tpu.memory_space<vmem>>
        %dma_start3A_581 = tpu.memref_squeeze %dma_start3A_580 : memref<1x1x2x8x512xf32, #tpu.memory_space<vmem>> -> memref<2x8x512xf32, #tpu.memory_space<vmem>>
        %dma_start3A_582 = arith.constant 0 : i32
        %dma_start3A_583 = arith.constant 0 : i32
        %dma_start3A_584 = tpu.memref_slice %arg2[%arg1, %dma_start3A_582, %add3A_562, %dma_start3A_583] : memref<16x2x512x512xf32, #tpu.memory_space<hbm>> -> memref<1x2x8x512xf32, #tpu.memory_space<hbm>>
        %dma_start3A_585 = tpu.memref_squeeze %dma_start3A_584 : memref<1x2x8x512xf32, #tpu.memory_space<hbm>> -> memref<2x8x512xf32, #tpu.memory_space<hbm>>
        tpu.enqueue_dma source(%dma_start3A_585 : memref<2x8x512xf32, #tpu.memory_space<hbm>>) target(%dma_start3A_581 : memref<2x8x512xf32, #tpu.memory_space<vmem>>) target_semaphore(%dma_start3A_576 : memref<!tpu.dma_semaphore, #tpu.memory_space<semaphore_mem>>)
        %dma_start3A_586 = arith.constant 2 : i32
        %dma_start3A_587 = arith.constant 1 : i32
        %dma_start3A_588 = arith.constant 2 : i32
        %dma_start3A_589 = arith.constant 0 : i32
        %dma_start3A_590 = arith.constant 0 : i32
        %dma_start3A_591 = arith.constant 0 : i32
        %dma_start3A_592 = tpu.memref_slice %arg8[%dma_start3A_586, %dma_start3A_587, %dma_start3A_589, %dma_start3A_590, %dma_start3A_591] : memref<4x2x2x8x512xf32, #tpu.memory_space<vmem>> -> memref<1x1x2x8x512xf32, #tpu.memory_space<vmem>>
        %dma_start3A_593 = tpu.memref_squeeze %dma_start3A_592 : memref<1x1x2x8x512xf32, #tpu.memory_space<vmem>> -> memref<2x8x512xf32, #tpu.memory_space<vmem>>
        %dma_start3A_594 = arith.constant 0 : i32
        %dma_start3A_595 = arith.constant 0 : i32
        %dma_start3A_596 = tpu.memref_slice %arg3[%arg1, %dma_start3A_594, %add3A_562, %dma_start3A_595] : memref<16x2x512x512xf32, #tpu.memory_space<hbm>> -> memref<1x2x8x512xf32, #tpu.memory_space<hbm>>
        %dma_start3A_597 = tpu.memref_squeeze %dma_start3A_596 : memref<1x2x8x512xf32, #tpu.memory_space<hbm>> -> memref<2x8x512xf32, #tpu.memory_space<hbm>>
        %dma_start3A_598 = tpu.memref_slice %arg11[%dma_start3A_588] : memref<4x!tpu.dma_semaphore, #tpu.memory_space<semaphore_mem>> -> memref<1x!tpu.dma_semaphore, #tpu.memory_space<semaphore_mem>>
        %dma_start3A_599 = tpu.memref_squeeze %dma_start3A_598 : memref<1x!tpu.dma_semaphore, #tpu.memory_space<semaphore_mem>> -> memref<!tpu.dma_semaphore, #tpu.memory_space<semaphore_mem>>
        %dma_start3A_600 = arith.constant 0 : i32
        %dma_start3A_601 = arith.constant 0 : i32
        %dma_start3A_602 = arith.constant 0 : i32
        %dma_start3A_603 = tpu.memref_slice %arg8[%dma_start3A_586, %dma_start3A_587, %dma_start3A_600, %dma_start3A_601, %dma_start3A_602] : memref<4x2x2x8x512xf32, #tpu.memory_space<vmem>> -> memref<1x1x2x8x512xf32, #tpu.memory_space<vmem>>
        %dma_start3A_604 = tpu.memref_squeeze %dma_start3A_603 : memref<1x1x2x8x512xf32, #tpu.memory_space<vmem>> -> memref<2x8x512xf32, #tpu.memory_space<vmem>>
        %dma_start3A_605 = arith.constant 0 : i32
        %dma_start3A_606 = arith.constant 0 : i32
        %dma_start3A_607 = tpu.memref_slice %arg3[%arg1, %dma_start3A_605, %add3A_562, %dma_start3A_606] : memref<16x2x512x512xf32, #tpu.memory_space<hbm>> -> memref<1x2x8x512xf32, #tpu.memory_space<hbm>>
        %dma_start3A_608 = tpu.memref_squeeze %dma_start3A_607 : memref<1x2x8x512xf32, #tpu.memory_space<hbm>> -> memref<2x8x512xf32, #tpu.memory_space<hbm>>
        tpu.enqueue_dma source(%dma_start3A_608 : memref<2x8x512xf32, #tpu.memory_space<hbm>>) target(%dma_start3A_604 : memref<2x8x512xf32, #tpu.memory_space<vmem>>) target_semaphore(%dma_start3A_599 : memref<!tpu.dma_semaphore, #tpu.memory_space<semaphore_mem>>)
        %dma_start3A_609 = arith.constant 0 : i32
        %dma_start3A_610 = arith.constant 2 : i32
        %dma_start3A_611 = arith.constant 2 : i32
        %dma_start3A_612 = arith.constant 0 : i32
        %dma_start3A_613 = arith.constant 0 : i32
        %dma_start3A_614 = tpu.memref_slice %arg9[%dma_start3A_610, %dma_start3A_612, %dma_start3A_613] : memref<4x8x512xi32, #tpu.memory_space<vmem>> -> memref<1x8x512xi32, #tpu.memory_space<vmem>>
        %dma_start3A_615 = tpu.memref_squeeze %dma_start3A_614 : memref<1x8x512xi32, #tpu.memory_space<vmem>> -> memref<8x512xi32, #tpu.memory_space<vmem>>
        %dma_start3A_616 = arith.constant 0 : i32
        %dma_start3A_617 = tpu.memref_slice %arg4[%arg1, %dma_start3A_609, %add3A_562, %dma_start3A_616] : memref<16x1x512x512xi32, #tpu.memory_space<hbm>> -> memref<1x1x8x512xi32, #tpu.memory_space<hbm>>
        %dma_start3A_618 = tpu.memref_squeeze %dma_start3A_617 : memref<1x1x8x512xi32, #tpu.memory_space<hbm>> -> memref<8x512xi32, #tpu.memory_space<hbm>>
        %dma_start3A_619 = tpu.memref_slice %arg11[%dma_start3A_611] : memref<4x!tpu.dma_semaphore, #tpu.memory_space<semaphore_mem>> -> memref<1x!tpu.dma_semaphore, #tpu.memory_space<semaphore_mem>>
        %dma_start3A_620 = tpu.memref_squeeze %dma_start3A_619 : memref<1x!tpu.dma_semaphore, #tpu.memory_space<semaphore_mem>> -> memref<!tpu.dma_semaphore, #tpu.memory_space<semaphore_mem>>
        %dma_start3A_621 = arith.constant 0 : i32
        %dma_start3A_622 = arith.constant 0 : i32
        %dma_start3A_623 = tpu.memref_slice %arg9[%dma_start3A_610, %dma_start3A_621, %dma_start3A_622] : memref<4x8x512xi32, #tpu.memory_space<vmem>> -> memref<1x8x512xi32, #tpu.memory_space<vmem>>
        %dma_start3A_624 = tpu.memref_squeeze %dma_start3A_623 : memref<1x8x512xi32, #tpu.memory_space<vmem>> -> memref<8x512xi32, #tpu.memory_space<vmem>>
        %dma_start3A_625 = arith.constant 0 : i32
        %dma_start3A_626 = tpu.memref_slice %arg4[%arg1, %dma_start3A_609, %add3A_562, %dma_start3A_625] : memref<16x1x512x512xi32, #tpu.memory_space<hbm>> -> memref<1x1x8x512xi32, #tpu.memory_space<hbm>>
        %dma_start3A_627 = tpu.memref_squeeze %dma_start3A_626 : memref<1x1x8x512xi32, #tpu.memory_space<hbm>> -> memref<8x512xi32, #tpu.memory_space<hbm>>
        tpu.enqueue_dma source(%dma_start3A_627 : memref<8x512xi32, #tpu.memory_space<hbm>>) target(%dma_start3A_624 : memref<8x512xi32, #tpu.memory_space<vmem>>) target_semaphore(%dma_start3A_620 : memref<!tpu.dma_semaphore, #tpu.memory_space<semaphore_mem>>)
      } else {
      }
      %mul3A_485 = arith.constant 8 : i32
      %mul3A_486 = arith.muli %add3A_475, %mul3A_485 : i32
      %add3A_487 = arith.addi %mul3A_14, %mul3A_486 : i32
      %dma_wait3A_488 = arith.constant 3 : i32
      %dma_wait3A_489 = arith.constant 0 : i32
      %dma_wait3A_490 = arith.constant 3 : i32
      %dma_wait3A_491 = arith.constant 0 : i32
      %dma_wait3A_492 = arith.constant 0 : i32
      %dma_wait3A_493 = arith.constant 0 : i32
      %dma_wait3A_494 = tpu.memref_slice %arg8[%dma_wait3A_488, %dma_wait3A_489, %dma_wait3A_491, %dma_wait3A_492, %dma_wait3A_493] : memref<4x2x2x8x512xf32, #tpu.memory_space<vmem>> -> memref<1x1x2x8x512xf32, #tpu.memory_space<vmem>>
      %dma_wait3A_495 = tpu.memref_squeeze %dma_wait3A_494 : memref<1x1x2x8x512xf32, #tpu.memory_space<vmem>> -> memref<2x8x512xf32, #tpu.memory_space<vmem>>
      %dma_wait3A_496 = arith.constant 0 : i32
      %dma_wait3A_497 = arith.constant 0 : i32
      %dma_wait3A_498 = tpu.memref_slice %arg2[%arg1, %dma_wait3A_496, %add3A_487, %dma_wait3A_497] : memref<16x2x512x512xf32, #tpu.memory_space<hbm>> -> memref<1x2x8x512xf32, #tpu.memory_space<hbm>>
      %dma_wait3A_499 = tpu.memref_squeeze %dma_wait3A_498 : memref<1x2x8x512xf32, #tpu.memory_space<hbm>> -> memref<2x8x512xf32, #tpu.memory_space<hbm>>
      %dma_wait3A_500 = tpu.memref_slice %arg11[%dma_wait3A_490] : memref<4x!tpu.dma_semaphore, #tpu.memory_space<semaphore_mem>> -> memref<1x!tpu.dma_semaphore, #tpu.memory_space<semaphore_mem>>
      %dma_wait3A_501 = tpu.memref_squeeze %dma_wait3A_500 : memref<1x!tpu.dma_semaphore, #tpu.memory_space<semaphore_mem>> -> memref<!tpu.dma_semaphore, #tpu.memory_space<semaphore_mem>>
      %dma_wait3A_502 = arith.constant 0 : i32
      %dma_wait3A_503 = arith.constant 0 : i32
      %dma_wait3A_504 = arith.constant 0 : i32
      %dma_wait3A_505 = tpu.memref_slice %arg8[%dma_wait3A_488, %dma_wait3A_489, %dma_wait3A_502, %dma_wait3A_503, %dma_wait3A_504] : memref<4x2x2x8x512xf32, #tpu.memory_space<vmem>> -> memref<1x1x2x8x512xf32, #tpu.memory_space<vmem>>
      %dma_wait3A_506 = tpu.memref_squeeze %dma_wait3A_505 : memref<1x1x2x8x512xf32, #tpu.memory_space<vmem>> -> memref<2x8x512xf32, #tpu.memory_space<vmem>>
      %dma_wait3A_507 = arith.constant 0 : i32
      %dma_wait3A_508 = arith.constant 0 : i32
      %dma_wait3A_509 = tpu.memref_slice %arg2[%arg1, %dma_wait3A_507, %add3A_487, %dma_wait3A_508] : memref<16x2x512x512xf32, #tpu.memory_space<hbm>> -> memref<1x2x8x512xf32, #tpu.memory_space<hbm>>
      %dma_wait3A_510 = tpu.memref_squeeze %dma_wait3A_509 : memref<1x2x8x512xf32, #tpu.memory_space<hbm>> -> memref<2x8x512xf32, #tpu.memory_space<hbm>>
      tpu.wait_dma2 semaphore(%dma_wait3A_501 : memref<!tpu.dma_semaphore, #tpu.memory_space<semaphore_mem>>) src(%dma_wait3A_510 : memref<2x8x512xf32, #tpu.memory_space<hbm>>) dst(%dma_wait3A_506 : memref<2x8x512xf32, #tpu.memory_space<vmem>>)
      %dma_wait3A_511 = arith.constant 3 : i32
      %dma_wait3A_512 = arith.constant 1 : i32
      %dma_wait3A_513 = arith.constant 3 : i32
      %dma_wait3A_514 = arith.constant 0 : i32
      %dma_wait3A_515 = arith.constant 0 : i32
      %dma_wait3A_516 = arith.constant 0 : i32
      %dma_wait3A_517 = tpu.memref_slice %arg8[%dma_wait3A_511, %dma_wait3A_512, %dma_wait3A_514, %dma_wait3A_515, %dma_wait3A_516] : memref<4x2x2x8x512xf32, #tpu.memory_space<vmem>> -> memref<1x1x2x8x512xf32, #tpu.memory_space<vmem>>
      %dma_wait3A_518 = tpu.memref_squeeze %dma_wait3A_517 : memref<1x1x2x8x512xf32, #tpu.memory_space<vmem>> -> memref<2x8x512xf32, #tpu.memory_space<vmem>>
      %dma_wait3A_519 = arith.constant 0 : i32
      %dma_wait3A_520 = arith.constant 0 : i32
      %dma_wait3A_521 = tpu.memref_slice %arg3[%arg1, %dma_wait3A_519, %add3A_487, %dma_wait3A_520] : memref<16x2x512x512xf32, #tpu.memory_space<hbm>> -> memref<1x2x8x512xf32, #tpu.memory_space<hbm>>
      %dma_wait3A_522 = tpu.memref_squeeze %dma_wait3A_521 : memref<1x2x8x512xf32, #tpu.memory_space<hbm>> -> memref<2x8x512xf32, #tpu.memory_space<hbm>>
      %dma_wait3A_523 = tpu.memref_slice %arg11[%dma_wait3A_513] : memref<4x!tpu.dma_semaphore, #tpu.memory_space<semaphore_mem>> -> memref<1x!tpu.dma_semaphore, #tpu.memory_space<semaphore_mem>>
      %dma_wait3A_524 = tpu.memref_squeeze %dma_wait3A_523 : memref<1x!tpu.dma_semaphore, #tpu.memory_space<semaphore_mem>> -> memref<!tpu.dma_semaphore, #tpu.memory_space<semaphore_mem>>
      %dma_wait3A_525 = arith.constant 0 : i32
      %dma_wait3A_526 = arith.constant 0 : i32
      %dma_wait3A_527 = arith.constant 0 : i32
      %dma_wait3A_528 = tpu.memref_slice %arg8[%dma_wait3A_511, %dma_wait3A_512, %dma_wait3A_525, %dma_wait3A_526, %dma_wait3A_527] : memref<4x2x2x8x512xf32, #tpu.memory_space<vmem>> -> memref<1x1x2x8x512xf32, #tpu.memory_space<vmem>>
      %dma_wait3A_529 = tpu.memref_squeeze %dma_wait3A_528 : memref<1x1x2x8x512xf32, #tpu.memory_space<vmem>> -> memref<2x8x512xf32, #tpu.memory_space<vmem>>
      %dma_wait3A_530 = arith.constant 0 : i32
      %dma_wait3A_531 = arith.constant 0 : i32
      %dma_wait3A_532 = tpu.memref_slice %arg3[%arg1, %dma_wait3A_530, %add3A_487, %dma_wait3A_531] : memref<16x2x512x512xf32, #tpu.memory_space<hbm>> -> memref<1x2x8x512xf32, #tpu.memory_space<hbm>>
      %dma_wait3A_533 = tpu.memref_squeeze %dma_wait3A_532 : memref<1x2x8x512xf32, #tpu.memory_space<hbm>> -> memref<2x8x512xf32, #tpu.memory_space<hbm>>
      tpu.wait_dma2 semaphore(%dma_wait3A_524 : memref<!tpu.dma_semaphore, #tpu.memory_space<semaphore_mem>>) src(%dma_wait3A_533 : memref<2x8x512xf32, #tpu.memory_space<hbm>>) dst(%dma_wait3A_529 : memref<2x8x512xf32, #tpu.memory_space<vmem>>)
      %dma_wait3A_534 = arith.constant 0 : i32
      %dma_wait3A_535 = arith.constant 3 : i32
      %dma_wait3A_536 = arith.constant 3 : i32
      %dma_wait3A_537 = arith.constant 0 : i32
      %dma_wait3A_538 = arith.constant 0 : i32
      %dma_wait3A_539 = tpu.memref_slice %arg9[%dma_wait3A_535, %dma_wait3A_537, %dma_wait3A_538] : memref<4x8x512xi32, #tpu.memory_space<vmem>> -> memref<1x8x512xi32, #tpu.memory_space<vmem>>
      %dma_wait3A_540 = tpu.memref_squeeze %dma_wait3A_539 : memref<1x8x512xi32, #tpu.memory_space<vmem>> -> memref<8x512xi32, #tpu.memory_space<vmem>>
      %dma_wait3A_541 = arith.constant 0 : i32
      %dma_wait3A_542 = tpu.memref_slice %arg4[%arg1, %dma_wait3A_534, %add3A_487, %dma_wait3A_541] : memref<16x1x512x512xi32, #tpu.memory_space<hbm>> -> memref<1x1x8x512xi32, #tpu.memory_space<hbm>>
      %dma_wait3A_543 = tpu.memref_squeeze %dma_wait3A_542 : memref<1x1x8x512xi32, #tpu.memory_space<hbm>> -> memref<8x512xi32, #tpu.memory_space<hbm>>
      %dma_wait3A_544 = tpu.memref_slice %arg11[%dma_wait3A_536] : memref<4x!tpu.dma_semaphore, #tpu.memory_space<semaphore_mem>> -> memref<1x!tpu.dma_semaphore, #tpu.memory_space<semaphore_mem>>
      %dma_wait3A_545 = tpu.memref_squeeze %dma_wait3A_544 : memref<1x!tpu.dma_semaphore, #tpu.memory_space<semaphore_mem>> -> memref<!tpu.dma_semaphore, #tpu.memory_space<semaphore_mem>>
      %dma_wait3A_546 = arith.constant 0 : i32
      %dma_wait3A_547 = arith.constant 0 : i32
      %dma_wait3A_548 = tpu.memref_slice %arg9[%dma_wait3A_535, %dma_wait3A_546, %dma_wait3A_547] : memref<4x8x512xi32, #tpu.memory_space<vmem>> -> memref<1x8x512xi32, #tpu.memory_space<vmem>>
      %dma_wait3A_549 = tpu.memref_squeeze %dma_wait3A_548 : memref<1x8x512xi32, #tpu.memory_space<vmem>> -> memref<8x512xi32, #tpu.memory_space<vmem>>
      %dma_wait3A_550 = arith.constant 0 : i32
      %dma_wait3A_551 = tpu.memref_slice %arg4[%arg1, %dma_wait3A_534, %add3A_487, %dma_wait3A_550] : memref<16x1x512x512xi32, #tpu.memory_space<hbm>> -> memref<1x1x8x512xi32, #tpu.memory_space<hbm>>
      %dma_wait3A_552 = tpu.memref_squeeze %dma_wait3A_551 : memref<1x1x8x512xi32, #tpu.memory_space<hbm>> -> memref<8x512xi32, #tpu.memory_space<hbm>>
      tpu.wait_dma2 semaphore(%dma_wait3A_545 : memref<!tpu.dma_semaphore, #tpu.memory_space<semaphore_mem>>) src(%dma_wait3A_552 : memref<8x512xi32, #tpu.memory_space<hbm>>) dst(%dma_wait3A_549 : memref<8x512xi32, #tpu.memory_space<vmem>>)
      %parallel_loop3A_553 = arith.constant 0 : i32
      %parallel_loop3A_554 = arith.constant 256 : i32
      %parallel_loop3A_555 = arith.constant 1 : i32
      scf.for %parallel_loop3A_556 = %parallel_loop3A_553 to %parallel_loop3A_554 step %parallel_loop3A_555  : i32 {
        %parallel_loop3A_557 = arith.constant 5 : i32
        %parallel_loop3A_558 = arith.shrui %parallel_loop3A_556, %parallel_loop3A_557 : i32
        %parallel_loop3A_559 = arith.constant 31 : i32
        %parallel_loop3A_560 = arith.andi %parallel_loop3A_556, %parallel_loop3A_559 : i32
        %parallel_loop3A_561 = arith.constant 16 : i32
        %parallel_loop3A_562 = arith.muli %parallel_loop3A_560, %parallel_loop3A_561 : i32
        %parallel_loop3A_563 = arith.constant 3 : i32
        %parallel_loop3A_564 = arith.constant 0 : i32
        %parallel_loop3A_565 = arith.constant 0 : i32
        %parallel_loop3A_566 = arith.index_cast %parallel_loop3A_563 : i32 to index
        %parallel_loop3A_567 = arith.index_cast %parallel_loop3A_564 : i32 to index
        %parallel_loop3A_568 = arith.index_cast %parallel_loop3A_565 : i32 to index
        %parallel_loop3A_569 = arith.index_cast %parallel_loop3A_558 : i32 to index
        %parallel_loop3A_570 = arith.index_cast %parallel_loop3A_562 : i32 to index
        %parallel_loop3A_571 = tpu.vector_load %arg8[%parallel_loop3A_566, %parallel_loop3A_567, %parallel_loop3A_568, %parallel_loop3A_569, %parallel_loop3A_570] {strides = array<i32>} : memref<4x2x2x8x512xf32, #tpu.memory_space<vmem>>, vector<16xf32>,
        %parallel_loop3A_572 = arith.constant 3 : i32
        %parallel_loop3A_573 = arith.constant 0 : i32
        %parallel_loop3A_574 = arith.constant 1 : i32
        %parallel_loop3A_575 = arith.index_cast %parallel_loop3A_572 : i32 to index
        %parallel_loop3A_576 = arith.index_cast %parallel_loop3A_573 : i32 to index
        %parallel_loop3A_577 = arith.index_cast %parallel_loop3A_574 : i32 to index
        %parallel_loop3A_578 = arith.index_cast %parallel_loop3A_558 : i32 to index
        %parallel_loop3A_579 = arith.index_cast %parallel_loop3A_562 : i32 to index
        %parallel_loop3A_580 = tpu.vector_load %arg8[%parallel_loop3A_575, %parallel_loop3A_576, %parallel_loop3A_577, %parallel_loop3A_578, %parallel_loop3A_579] {strides = array<i32>} : memref<4x2x2x8x512xf32, #tpu.memory_space<vmem>>, vector<16xf32>,
        %parallel_loop3A_581 = arith.constant 3 : i32
        %parallel_loop3A_582 = arith.constant 1 : i32
        %parallel_loop3A_583 = arith.constant 0 : i32
        %parallel_loop3A_584 = arith.index_cast %parallel_loop3A_581 : i32 to index
        %parallel_loop3A_585 = arith.index_cast %parallel_loop3A_582 : i32 to index
        %parallel_loop3A_586 = arith.index_cast %parallel_loop3A_583 : i32 to index
        %parallel_loop3A_587 = arith.index_cast %parallel_loop3A_558 : i32 to index
        %parallel_loop3A_588 = arith.index_cast %parallel_loop3A_562 : i32 to index
        %parallel_loop3A_589 = tpu.vector_load %arg8[%parallel_loop3A_584, %parallel_loop3A_585, %parallel_loop3A_586, %parallel_loop3A_587, %parallel_loop3A_588] {strides = array<i32>} : memref<4x2x2x8x512xf32, #tpu.memory_space<vmem>>, vector<16xf32>,
        %parallel_loop3A_590 = arith.constant 3 : i32
        %parallel_loop3A_591 = arith.constant 1 : i32
        %parallel_loop3A_592 = arith.constant 1 : i32
        %parallel_loop3A_593 = arith.index_cast %parallel_loop3A_590 : i32 to index
        %parallel_loop3A_594 = arith.index_cast %parallel_loop3A_591 : i32 to index
        %parallel_loop3A_595 = arith.index_cast %parallel_loop3A_592 : i32 to index
        %parallel_loop3A_596 = arith.index_cast %parallel_loop3A_558 : i32 to index
        %parallel_loop3A_597 = arith.index_cast %parallel_loop3A_562 : i32 to index
        %parallel_loop3A_598 = tpu.vector_load %arg8[%parallel_loop3A_593, %parallel_loop3A_594, %parallel_loop3A_595, %parallel_loop3A_596, %parallel_loop3A_597] {strides = array<i32>} : memref<4x2x2x8x512xf32, #tpu.memory_space<vmem>>, vector<16xf32>,
        %parallel_loop3A_599 = arith.constant 3 : i32
        %parallel_loop3A_600 = arith.index_cast %parallel_loop3A_599 : i32 to index
        %parallel_loop3A_601 = arith.index_cast %parallel_loop3A_558 : i32 to index
        %parallel_loop3A_602 = arith.index_cast %parallel_loop3A_562 : i32 to index
        %parallel_loop3A_603 = tpu.vector_load %arg9[%parallel_loop3A_600, %parallel_loop3A_601, %parallel_loop3A_602] {strides = array<i32>} : memref<4x8x512xi32, #tpu.memory_space<vmem>>, vector<16xi32>,
        %parallel_loop3A_604 = arith.subf %parallel_loop3A_571, %parallel_loop3A_589 : vector<16xf32>
        %parallel_loop3A_605 = arith.subf %parallel_loop3A_580, %parallel_loop3A_598 : vector<16xf32>
        %parallel_loop3A_606 = arith.mulf %parallel_loop3A_604, %parallel_loop3A_604 : vector<16xf32>
        %parallel_loop3A_607 = arith.mulf %parallel_loop3A_605, %parallel_loop3A_605 : vector<16xf32>
        %parallel_loop3A_608 = arith.addf %parallel_loop3A_606, %parallel_loop3A_607 : vector<16xf32>
        %parallel_loop3A_609 = vector.bitcast %parallel_loop3A_608 : vector<16xf32> to vector<16xi32>
        %parallel_loop3A_610 = arith.constant 19 : i32
        %parallel_loop3A_611 = vector.broadcast %parallel_loop3A_610 : i32 to vector<16xi32>
        %parallel_loop3A_612 = arith.shrui %parallel_loop3A_609, %parallel_loop3A_611 : vector<16xi32>
        %parallel_loop3A_613 = arith.constant 1768 : i32
        %parallel_loop3A_614 = vector.broadcast %parallel_loop3A_613 : i32 to vector<16xi32>
        %parallel_loop3A_615 = arith.subi %parallel_loop3A_612, %parallel_loop3A_614 : vector<16xi32>
        %parallel_loop3A_616 = arith.constant 8 : i32
        %parallel_loop3A_617 = vector.broadcast %parallel_loop3A_616 : i32 to vector<16xi32>
        %parallel_loop3A_618 = arith.maxsi %parallel_loop3A_615, %parallel_loop3A_617 : vector<16xi32>
        %parallel_loop3A_619 = arith.constant 519 : i32
        %parallel_loop3A_620 = vector.broadcast %parallel_loop3A_619 : i32 to vector<16xi32>
        %parallel_loop3A_621 = arith.minsi %parallel_loop3A_618, %parallel_loop3A_620 : vector<16xi32>
        %parallel_loop3A_622 = arith.constant 0 : i32
        %parallel_loop3A_623 = vector.broadcast %parallel_loop3A_622 : i32 to vector<16xi32>
        %parallel_loop3A_624 = arith.cmpi eq, %parallel_loop3A_603, %parallel_loop3A_623 : vector<16xi32>
        %parallel_loop3A_625 = arith.select %parallel_loop3A_624, %parallel_loop3A_621, %parallel_loop3A_603 : vector<16xi1>, vector<16xi32>
        %parallel_loop3A_626 = arith.constant 4 : i32
        %parallel_loop3A_627 = vector.broadcast %parallel_loop3A_626 : i32 to vector<16xi32>
        %parallel_loop3A_628 = arith.shli %parallel_loop3A_625, %parallel_loop3A_627 : vector<16xi32>
        %parallel_loop3A_629 = arith.addi %parallel_loop3A_628, %iota3A : vector<16xi32>
        tpu.vector_store_idx %arg6[%parallel_loop3A_629], %broadcast_in_dim3A_1 {add = true} : memref<8448xf32, #tpu.memory_space<vmem>>[vector<16xi32>], vector<16xf32>,
        tpu.vector_store_idx %arg7[%parallel_loop3A_629], %parallel_loop3A_608 {add = true} : memref<8448xf32, #tpu.memory_space<vmem>>[vector<16xi32>], vector<16xf32>,
      } {sc.loop_unroll_factor = 8 : i64, sc.parallel_access}
    }
    %scan3A_219 = arith.constant 8 : i32
    %scan3A_220 = arith.constant 0 : i32
    %scan3A_221 = arith.constant 33 : i32
    %scan3A_222 = arith.addi %scan3A_220, %scan3A_221 : i32
    %scan3A_223 = arith.constant 1 : i32
    scf.for %scan3A_225 = %scan3A_220 to %scan3A_222 step %scan3A_223  : i32 {
      %mul3A_226 = arith.constant 256 : i32
      %mul3A_227 = arith.muli %scan3A_225, %mul3A_226 : i32
      %mul3A_228 = arith.constant 16 : i32
      %mul3A_229 = vector.broadcast %mul3A_228 : i32 to vector<16xi32>
      %mul3A_230 = arith.muli %iota3A, %mul3A_229 : vector<16xi32>
      %add3A_231 = vector.broadcast %mul3A_227 : i32 to vector<16xi32>
      %add3A_232 = arith.addi %add3A_231, %mul3A_230 : vector<16xi32>
      %add3A_233 = arith.constant 0 : i32
      %add3A_234 = vector.broadcast %add3A_233 : i32 to vector<16xi32>
      %add3A_235 = arith.addi %iota3A, %add3A_234 : vector<16xi32>
      %and3A = arith.constant 15 : i32
      %and3A_236 = vector.broadcast %and3A : i32 to vector<16xi32>
      %and3A_237 = arith.andi %add3A_235, %and3A_236 : vector<16xi32>
      %add3A_238 = arith.addi %add3A_232, %and3A_237 : vector<16xi32>
      %gather3A = tpu.vector_load_idx %arg6[%add3A_238] : memref<8448xf32, #tpu.memory_space<vmem>>[vector<16xi32>], vector<16xf32>,
      %add3A_239 = arith.addf %broadcast_in_dim3A_3, %gather3A : vector<16xf32>
      %gather3A_240 = tpu.vector_load_idx %arg7[%add3A_238] : memref<8448xf32, #tpu.memory_space<vmem>>[vector<16xi32>], vector<16xf32>,
      %add3A_241 = arith.addf %broadcast_in_dim3A_3, %gather3A_240 : vector<16xf32>
      %mul3A_242 = arith.constant 16 : i32
      %mul3A_243 = vector.broadcast %mul3A_242 : i32 to vector<16xi32>
      %mul3A_244 = arith.muli %iota3A, %mul3A_243 : vector<16xi32>
      %add3A_245 = vector.broadcast %mul3A_227 : i32 to vector<16xi32>
      %add3A_246 = arith.addi %add3A_245, %mul3A_244 : vector<16xi32>
      %add3A_247 = arith.constant 1 : i32
      %add3A_248 = vector.broadcast %add3A_247 : i32 to vector<16xi32>
      %add3A_249 = arith.addi %iota3A, %add3A_248 : vector<16xi32>
      %and3A_250 = arith.constant 15 : i32
      %and3A_251 = vector.broadcast %and3A_250 : i32 to vector<16xi32>
      %and3A_252 = arith.andi %add3A_249, %and3A_251 : vector<16xi32>
      %add3A_253 = arith.addi %add3A_246, %and3A_252 : vector<16xi32>
      %gather3A_254 = tpu.vector_load_idx %arg6[%add3A_253] : memref<8448xf32, #tpu.memory_space<vmem>>[vector<16xi32>], vector<16xf32>,
      %add3A_255 = arith.addf %add3A_239, %gather3A_254 : vector<16xf32>
      %gather3A_256 = tpu.vector_load_idx %arg7[%add3A_253] : memref<8448xf32, #tpu.memory_space<vmem>>[vector<16xi32>], vector<16xf32>,
      %add3A_257 = arith.addf %add3A_241, %gather3A_256 : vector<16xf32>
      %mul3A_258 = arith.constant 16 : i32
      %mul3A_259 = vector.broadcast %mul3A_258 : i32 to vector<16xi32>
      %mul3A_260 = arith.muli %iota3A, %mul3A_259 : vector<16xi32>
      %add3A_261 = vector.broadcast %mul3A_227 : i32 to vector<16xi32>
      %add3A_262 = arith.addi %add3A_261, %mul3A_260 : vector<16xi32>
      %add3A_263 = arith.constant 2 : i32
      %add3A_264 = vector.broadcast %add3A_263 : i32 to vector<16xi32>
      %add3A_265 = arith.addi %iota3A, %add3A_264 : vector<16xi32>
      %and3A_266 = arith.constant 15 : i32
      %and3A_267 = vector.broadcast %and3A_266 : i32 to vector<16xi32>
      %and3A_268 = arith.andi %add3A_265, %and3A_267 : vector<16xi32>
      %add3A_269 = arith.addi %add3A_262, %and3A_268 : vector<16xi32>
      %gather3A_270 = tpu.vector_load_idx %arg6[%add3A_269] : memref<8448xf32, #tpu.memory_space<vmem>>[vector<16xi32>], vector<16xf32>,
      %add3A_271 = arith.addf %add3A_255, %gather3A_270 : vector<16xf32>
      %gather3A_272 = tpu.vector_load_idx %arg7[%add3A_269] : memref<8448xf32, #tpu.memory_space<vmem>>[vector<16xi32>], vector<16xf32>,
      %add3A_273 = arith.addf %add3A_257, %gather3A_272 : vector<16xf32>
      %mul3A_274 = arith.constant 16 : i32
      %mul3A_275 = vector.broadcast %mul3A_274 : i32 to vector<16xi32>
      %mul3A_276 = arith.muli %iota3A, %mul3A_275 : vector<16xi32>
      %add3A_277 = vector.broadcast %mul3A_227 : i32 to vector<16xi32>
      %add3A_278 = arith.addi %add3A_277, %mul3A_276 : vector<16xi32>
      %add3A_279 = arith.constant 3 : i32
      %add3A_280 = vector.broadcast %add3A_279 : i32 to vector<16xi32>
      %add3A_281 = arith.addi %iota3A, %add3A_280 : vector<16xi32>
      %and3A_282 = arith.constant 15 : i32
      %and3A_283 = vector.broadcast %and3A_282 : i32 to vector<16xi32>
      %and3A_284 = arith.andi %add3A_281, %and3A_283 : vector<16xi32>
      %add3A_285 = arith.addi %add3A_278, %and3A_284 : vector<16xi32>
      %gather3A_286 = tpu.vector_load_idx %arg6[%add3A_285] : memref<8448xf32, #tpu.memory_space<vmem>>[vector<16xi32>], vector<16xf32>,
      %add3A_287 = arith.addf %add3A_271, %gather3A_286 : vector<16xf32>
      %gather3A_288 = tpu.vector_load_idx %arg7[%add3A_285] : memref<8448xf32, #tpu.memory_space<vmem>>[vector<16xi32>], vector<16xf32>,
      %add3A_289 = arith.addf %add3A_273, %gather3A_288 : vector<16xf32>
      %mul3A_290 = arith.constant 16 : i32
      %mul3A_291 = vector.broadcast %mul3A_290 : i32 to vector<16xi32>
      %mul3A_292 = arith.muli %iota3A, %mul3A_291 : vector<16xi32>
      %add3A_293 = vector.broadcast %mul3A_227 : i32 to vector<16xi32>
      %add3A_294 = arith.addi %add3A_293, %mul3A_292 : vector<16xi32>
      %add3A_295 = arith.constant 4 : i32
      %add3A_296 = vector.broadcast %add3A_295 : i32 to vector<16xi32>
      %add3A_297 = arith.addi %iota3A, %add3A_296 : vector<16xi32>
      %and3A_298 = arith.constant 15 : i32
      %and3A_299 = vector.broadcast %and3A_298 : i32 to vector<16xi32>
      %and3A_300 = arith.andi %add3A_297, %and3A_299 : vector<16xi32>
      %add3A_301 = arith.addi %add3A_294, %and3A_300 : vector<16xi32>
      %gather3A_302 = tpu.vector_load_idx %arg6[%add3A_301] : memref<8448xf32, #tpu.memory_space<vmem>>[vector<16xi32>], vector<16xf32>,
      %add3A_303 = arith.addf %add3A_287, %gather3A_302 : vector<16xf32>
      %gather3A_304 = tpu.vector_load_idx %arg7[%add3A_301] : memref<8448xf32, #tpu.memory_space<vmem>>[vector<16xi32>], vector<16xf32>,
      %add3A_305 = arith.addf %add3A_289, %gather3A_304 : vector<16xf32>
      %mul3A_306 = arith.constant 16 : i32
      %mul3A_307 = vector.broadcast %mul3A_306 : i32 to vector<16xi32>
      %mul3A_308 = arith.muli %iota3A, %mul3A_307 : vector<16xi32>
      %add3A_309 = vector.broadcast %mul3A_227 : i32 to vector<16xi32>
      %add3A_310 = arith.addi %add3A_309, %mul3A_308 : vector<16xi32>
      %add3A_311 = arith.constant 5 : i32
      %add3A_312 = vector.broadcast %add3A_311 : i32 to vector<16xi32>
      %add3A_313 = arith.addi %iota3A, %add3A_312 : vector<16xi32>
      %and3A_314 = arith.constant 15 : i32
      %and3A_315 = vector.broadcast %and3A_314 : i32 to vector<16xi32>
      %and3A_316 = arith.andi %add3A_313, %and3A_315 : vector<16xi32>
      %add3A_317 = arith.addi %add3A_310, %and3A_316 : vector<16xi32>
      %gather3A_318 = tpu.vector_load_idx %arg6[%add3A_317] : memref<8448xf32, #tpu.memory_space<vmem>>[vector<16xi32>], vector<16xf32>,
      %add3A_319 = arith.addf %add3A_303, %gather3A_318 : vector<16xf32>
      %gather3A_320 = tpu.vector_load_idx %arg7[%add3A_317] : memref<8448xf32, #tpu.memory_space<vmem>>[vector<16xi32>], vector<16xf32>,
      %add3A_321 = arith.addf %add3A_305, %gather3A_320 : vector<16xf32>
      %mul3A_322 = arith.constant 16 : i32
      %mul3A_323 = vector.broadcast %mul3A_322 : i32 to vector<16xi32>
      %mul3A_324 = arith.muli %iota3A, %mul3A_323 : vector<16xi32>
      %add3A_325 = vector.broadcast %mul3A_227 : i32 to vector<16xi32>
      %add3A_326 = arith.addi %add3A_325, %mul3A_324 : vector<16xi32>
      %add3A_327 = arith.constant 6 : i32
      %add3A_328 = vector.broadcast %add3A_327 : i32 to vector<16xi32>
      %add3A_329 = arith.addi %iota3A, %add3A_328 : vector<16xi32>
      %and3A_330 = arith.constant 15 : i32
      %and3A_331 = vector.broadcast %and3A_330 : i32 to vector<16xi32>
      %and3A_332 = arith.andi %add3A_329, %and3A_331 : vector<16xi32>
      %add3A_333 = arith.addi %add3A_326, %and3A_332 : vector<16xi32>
      %gather3A_334 = tpu.vector_load_idx %arg6[%add3A_333] : memref<8448xf32, #tpu.memory_space<vmem>>[vector<16xi32>], vector<16xf32>,
      %add3A_335 = arith.addf %add3A_319, %gather3A_334 : vector<16xf32>
      %gather3A_336 = tpu.vector_load_idx %arg7[%add3A_333] : memref<8448xf32, #tpu.memory_space<vmem>>[vector<16xi32>], vector<16xf32>,
      %add3A_337 = arith.addf %add3A_321, %gather3A_336 : vector<16xf32>
      %mul3A_338 = arith.constant 16 : i32
      %mul3A_339 = vector.broadcast %mul3A_338 : i32 to vector<16xi32>
      %mul3A_340 = arith.muli %iota3A, %mul3A_339 : vector<16xi32>
      %add3A_341 = vector.broadcast %mul3A_227 : i32 to vector<16xi32>
      %add3A_342 = arith.addi %add3A_341, %mul3A_340 : vector<16xi32>
      %add3A_343 = arith.constant 7 : i32
      %add3A_344 = vector.broadcast %add3A_343 : i32 to vector<16xi32>
      %add3A_345 = arith.addi %iota3A, %add3A_344 : vector<16xi32>
      %and3A_346 = arith.constant 15 : i32
      %and3A_347 = vector.broadcast %and3A_346 : i32 to vector<16xi32>
      %and3A_348 = arith.andi %add3A_345, %and3A_347 : vector<16xi32>
      %add3A_349 = arith.addi %add3A_342, %and3A_348 : vector<16xi32>
      %gather3A_350 = tpu.vector_load_idx %arg6[%add3A_349] : memref<8448xf32, #tpu.memory_space<vmem>>[vector<16xi32>], vector<16xf32>,
      %add3A_351 = arith.addf %add3A_335, %gather3A_350 : vector<16xf32>
      %gather3A_352 = tpu.vector_load_idx %arg7[%add3A_349] : memref<8448xf32, #tpu.memory_space<vmem>>[vector<16xi32>], vector<16xf32>,
      %add3A_353 = arith.addf %add3A_337, %gather3A_352 : vector<16xf32>
      %mul3A_354 = arith.constant 16 : i32
      %mul3A_355 = vector.broadcast %mul3A_354 : i32 to vector<16xi32>
      %mul3A_356 = arith.muli %iota3A, %mul3A_355 : vector<16xi32>
      %add3A_357 = vector.broadcast %mul3A_227 : i32 to vector<16xi32>
      %add3A_358 = arith.addi %add3A_357, %mul3A_356 : vector<16xi32>
      %add3A_359 = arith.constant 8 : i32
      %add3A_360 = vector.broadcast %add3A_359 : i32 to vector<16xi32>
      %add3A_361 = arith.addi %iota3A, %add3A_360 : vector<16xi32>
      %and3A_362 = arith.constant 15 : i32
      %and3A_363 = vector.broadcast %and3A_362 : i32 to vector<16xi32>
      %and3A_364 = arith.andi %add3A_361, %and3A_363 : vector<16xi32>
      %add3A_365 = arith.addi %add3A_358, %and3A_364 : vector<16xi32>
      %gather3A_366 = tpu.vector_load_idx %arg6[%add3A_365] : memref<8448xf32, #tpu.memory_space<vmem>>[vector<16xi32>], vector<16xf32>,
      %add3A_367 = arith.addf %add3A_351, %gather3A_366 : vector<16xf32>
      %gather3A_368 = tpu.vector_load_idx %arg7[%add3A_365] : memref<8448xf32, #tpu.memory_space<vmem>>[vector<16xi32>], vector<16xf32>,
      %add3A_369 = arith.addf %add3A_353, %gather3A_368 : vector<16xf32>
      %mul3A_370 = arith.constant 16 : i32
      %mul3A_371 = vector.broadcast %mul3A_370 : i32 to vector<16xi32>
      %mul3A_372 = arith.muli %iota3A, %mul3A_371 : vector<16xi32>
      %add3A_373 = vector.broadcast %mul3A_227 : i32 to vector<16xi32>
      %add3A_374 = arith.addi %add3A_373, %mul3A_372 : vector<16xi32>
      %add3A_375 = arith.constant 9 : i32
      %add3A_376 = vector.broadcast %add3A_375 : i32 to vector<16xi32>
      %add3A_377 = arith.addi %iota3A, %add3A_376 : vector<16xi32>
      %and3A_378 = arith.constant 15 : i32
      %and3A_379 = vector.broadcast %and3A_378 : i32 to vector<16xi32>
      %and3A_380 = arith.andi %add3A_377, %and3A_379 : vector<16xi32>
      %add3A_381 = arith.addi %add3A_374, %and3A_380 : vector<16xi32>
      %gather3A_382 = tpu.vector_load_idx %arg6[%add3A_381] : memref<8448xf32, #tpu.memory_space<vmem>>[vector<16xi32>], vector<16xf32>,
      %add3A_383 = arith.addf %add3A_367, %gather3A_382 : vector<16xf32>
      %gather3A_384 = tpu.vector_load_idx %arg7[%add3A_381] : memref<8448xf32, #tpu.memory_space<vmem>>[vector<16xi32>], vector<16xf32>,
      %add3A_385 = arith.addf %add3A_369, %gather3A_384 : vector<16xf32>
      %mul3A_386 = arith.constant 16 : i32
      %mul3A_387 = vector.broadcast %mul3A_386 : i32 to vector<16xi32>
      %mul3A_388 = arith.muli %iota3A, %mul3A_387 : vector<16xi32>
      %add3A_389 = vector.broadcast %mul3A_227 : i32 to vector<16xi32>
      %add3A_390 = arith.addi %add3A_389, %mul3A_388 : vector<16xi32>
      %add3A_391 = arith.constant 10 : i32
      %add3A_392 = vector.broadcast %add3A_391 : i32 to vector<16xi32>
      %add3A_393 = arith.addi %iota3A, %add3A_392 : vector<16xi32>
      %and3A_394 = arith.constant 15 : i32
      %and3A_395 = vector.broadcast %and3A_394 : i32 to vector<16xi32>
      %and3A_396 = arith.andi %add3A_393, %and3A_395 : vector<16xi32>
      %add3A_397 = arith.addi %add3A_390, %and3A_396 : vector<16xi32>
      %gather3A_398 = tpu.vector_load_idx %arg6[%add3A_397] : memref<8448xf32, #tpu.memory_space<vmem>>[vector<16xi32>], vector<16xf32>,
      %add3A_399 = arith.addf %add3A_383, %gather3A_398 : vector<16xf32>
      %gather3A_400 = tpu.vector_load_idx %arg7[%add3A_397] : memref<8448xf32, #tpu.memory_space<vmem>>[vector<16xi32>], vector<16xf32>,
      %add3A_401 = arith.addf %add3A_385, %gather3A_400 : vector<16xf32>
      %mul3A_402 = arith.constant 16 : i32
      %mul3A_403 = vector.broadcast %mul3A_402 : i32 to vector<16xi32>
      %mul3A_404 = arith.muli %iota3A, %mul3A_403 : vector<16xi32>
      %add3A_405 = vector.broadcast %mul3A_227 : i32 to vector<16xi32>
      %add3A_406 = arith.addi %add3A_405, %mul3A_404 : vector<16xi32>
      %add3A_407 = arith.constant 11 : i32
      %add3A_408 = vector.broadcast %add3A_407 : i32 to vector<16xi32>
      %add3A_409 = arith.addi %iota3A, %add3A_408 : vector<16xi32>
      %and3A_410 = arith.constant 15 : i32
      %and3A_411 = vector.broadcast %and3A_410 : i32 to vector<16xi32>
      %and3A_412 = arith.andi %add3A_409, %and3A_411 : vector<16xi32>
      %add3A_413 = arith.addi %add3A_406, %and3A_412 : vector<16xi32>
      %gather3A_414 = tpu.vector_load_idx %arg6[%add3A_413] : memref<8448xf32, #tpu.memory_space<vmem>>[vector<16xi32>], vector<16xf32>,
      %add3A_415 = arith.addf %add3A_399, %gather3A_414 : vector<16xf32>
      %gather3A_416 = tpu.vector_load_idx %arg7[%add3A_413] : memref<8448xf32, #tpu.memory_space<vmem>>[vector<16xi32>], vector<16xf32>,
      %add3A_417 = arith.addf %add3A_401, %gather3A_416 : vector<16xf32>
      %mul3A_418 = arith.constant 16 : i32
      %mul3A_419 = vector.broadcast %mul3A_418 : i32 to vector<16xi32>
      %mul3A_420 = arith.muli %iota3A, %mul3A_419 : vector<16xi32>
      %add3A_421 = vector.broadcast %mul3A_227 : i32 to vector<16xi32>
      %add3A_422 = arith.addi %add3A_421, %mul3A_420 : vector<16xi32>
      %add3A_423 = arith.constant 12 : i32
      %add3A_424 = vector.broadcast %add3A_423 : i32 to vector<16xi32>
      %add3A_425 = arith.addi %iota3A, %add3A_424 : vector<16xi32>
      %and3A_426 = arith.constant 15 : i32
      %and3A_427 = vector.broadcast %and3A_426 : i32 to vector<16xi32>
      %and3A_428 = arith.andi %add3A_425, %and3A_427 : vector<16xi32>
      %add3A_429 = arith.addi %add3A_422, %and3A_428 : vector<16xi32>
      %gather3A_430 = tpu.vector_load_idx %arg6[%add3A_429] : memref<8448xf32, #tpu.memory_space<vmem>>[vector<16xi32>], vector<16xf32>,
      %add3A_431 = arith.addf %add3A_415, %gather3A_430 : vector<16xf32>
      %gather3A_432 = tpu.vector_load_idx %arg7[%add3A_429] : memref<8448xf32, #tpu.memory_space<vmem>>[vector<16xi32>], vector<16xf32>,
      %add3A_433 = arith.addf %add3A_417, %gather3A_432 : vector<16xf32>
      %mul3A_434 = arith.constant 16 : i32
      %mul3A_435 = vector.broadcast %mul3A_434 : i32 to vector<16xi32>
      %mul3A_436 = arith.muli %iota3A, %mul3A_435 : vector<16xi32>
      %add3A_437 = vector.broadcast %mul3A_227 : i32 to vector<16xi32>
      %add3A_438 = arith.addi %add3A_437, %mul3A_436 : vector<16xi32>
      %add3A_439 = arith.constant 13 : i32
      %add3A_440 = vector.broadcast %add3A_439 : i32 to vector<16xi32>
      %add3A_441 = arith.addi %iota3A, %add3A_440 : vector<16xi32>
      %and3A_442 = arith.constant 15 : i32
      %and3A_443 = vector.broadcast %and3A_442 : i32 to vector<16xi32>
      %and3A_444 = arith.andi %add3A_441, %and3A_443 : vector<16xi32>
      %add3A_445 = arith.addi %add3A_438, %and3A_444 : vector<16xi32>
      %gather3A_446 = tpu.vector_load_idx %arg6[%add3A_445] : memref<8448xf32, #tpu.memory_space<vmem>>[vector<16xi32>], vector<16xf32>,
      %add3A_447 = arith.addf %add3A_431, %gather3A_446 : vector<16xf32>
      %gather3A_448 = tpu.vector_load_idx %arg7[%add3A_445] : memref<8448xf32, #tpu.memory_space<vmem>>[vector<16xi32>], vector<16xf32>,
      %add3A_449 = arith.addf %add3A_433, %gather3A_448 : vector<16xf32>
      %mul3A_450 = arith.constant 16 : i32
      %mul3A_451 = vector.broadcast %mul3A_450 : i32 to vector<16xi32>
      %mul3A_452 = arith.muli %iota3A, %mul3A_451 : vector<16xi32>
      %add3A_453 = vector.broadcast %mul3A_227 : i32 to vector<16xi32>
      %add3A_454 = arith.addi %add3A_453, %mul3A_452 : vector<16xi32>
      %add3A_455 = arith.constant 14 : i32
      %add3A_456 = vector.broadcast %add3A_455 : i32 to vector<16xi32>
      %add3A_457 = arith.addi %iota3A, %add3A_456 : vector<16xi32>
      %and3A_458 = arith.constant 15 : i32
      %and3A_459 = vector.broadcast %and3A_458 : i32 to vector<16xi32>
      %and3A_460 = arith.andi %add3A_457, %and3A_459 : vector<16xi32>
      %add3A_461 = arith.addi %add3A_454, %and3A_460 : vector<16xi32>
      %gather3A_462 = tpu.vector_load_idx %arg6[%add3A_461] : memref<8448xf32, #tpu.memory_space<vmem>>[vector<16xi32>], vector<16xf32>,
      %add3A_463 = arith.addf %add3A_447, %gather3A_462 : vector<16xf32>
      %gather3A_464 = tpu.vector_load_idx %arg7[%add3A_461] : memref<8448xf32, #tpu.memory_space<vmem>>[vector<16xi32>], vector<16xf32>,
      %add3A_465 = arith.addf %add3A_449, %gather3A_464 : vector<16xf32>
      %mul3A_466 = arith.constant 16 : i32
      %mul3A_467 = vector.broadcast %mul3A_466 : i32 to vector<16xi32>
      %mul3A_468 = arith.muli %iota3A, %mul3A_467 : vector<16xi32>
      %add3A_469 = vector.broadcast %mul3A_227 : i32 to vector<16xi32>
      %add3A_470 = arith.addi %add3A_469, %mul3A_468 : vector<16xi32>
      %add3A_471 = arith.constant 15 : i32
      %add3A_472 = vector.broadcast %add3A_471 : i32 to vector<16xi32>
      %add3A_473 = arith.addi %iota3A, %add3A_472 : vector<16xi32>
      %and3A_474 = arith.constant 15 : i32
      %and3A_475 = vector.broadcast %and3A_474 : i32 to vector<16xi32>
      %and3A_476 = arith.andi %add3A_473, %and3A_475 : vector<16xi32>
      %add3A_477 = arith.addi %add3A_470, %and3A_476 : vector<16xi32>
      %gather3A_478 = tpu.vector_load_idx %arg6[%add3A_477] : memref<8448xf32, #tpu.memory_space<vmem>>[vector<16xi32>], vector<16xf32>,
      %add3A_479 = arith.addf %add3A_463, %gather3A_478 : vector<16xf32>
      %gather3A_480 = tpu.vector_load_idx %arg7[%add3A_477] : memref<8448xf32, #tpu.memory_space<vmem>>[vector<16xi32>], vector<16xf32>,
      %add3A_481 = arith.addf %add3A_465, %gather3A_480 : vector<16xf32>
      %mul3A_482 = arith.constant 16 : i32
      %mul3A_483 = arith.muli %scan3A_225, %mul3A_482 : i32
      %swap3A = arith.index_cast %mul3A_483 : i32 to index
      %swap3A_484 = tpu.vector_load %arg10[%swap3A] {strides = array<i32>} : memref<1152xf32, #tpu.memory_space<vmem>>, vector<16xf32>,
      tpu.vector_store %arg10[%swap3A], %add3A_479 {strides = array<i32>} : memref<1152xf32, #tpu.memory_space<vmem>>, vector<16xf32>,
      %mul3A_485 = arith.constant 16 : i32
      %mul3A_486 = arith.muli %scan3A_225, %mul3A_485 : i32
      %add3A_487 = arith.constant 576 : i32
      %add3A_488 = arith.addi %add3A_487, %mul3A_486 : i32
      %swap3A_489 = arith.index_cast %add3A_488 : i32 to index
      %swap3A_490 = tpu.vector_load %arg10[%swap3A_489] {strides = array<i32>} : memref<1152xf32, #tpu.memory_space<vmem>>, vector<16xf32>,
      tpu.vector_store %arg10[%swap3A_489], %add3A_481 {strides = array<i32>} : memref<1152xf32, #tpu.memory_space<vmem>>, vector<16xf32>,
    }
    %scan3A_224 = arith.constant 33 : i32
    "tpu.region"() ({
      %run_scoped3A = tpu.sem_alloc : memref<!tpu.dma_semaphore, #tpu.memory_space<semaphore_mem>>
      %dma_start3A_225 = arith.constant 0 : i32
      %dma_start3A_226 = tpu.memref_slice %arg5[%add3A, %dma_start3A_225] : memref<32x1152xf32, #tpu.memory_space<hbm>> -> memref<1x1152xf32, #tpu.memory_space<hbm>>
      %dma_start3A_227 = tpu.memref_squeeze %dma_start3A_226 : memref<1x1152xf32, #tpu.memory_space<hbm>> -> memref<1152xf32, #tpu.memory_space<hbm>>
      %dma_start3A_228 = arith.constant 0 : i32
      %dma_start3A_229 = tpu.memref_slice %arg5[%add3A, %dma_start3A_228] : memref<32x1152xf32, #tpu.memory_space<hbm>> -> memref<1x1152xf32, #tpu.memory_space<hbm>>
      %dma_start3A_230 = tpu.memref_squeeze %dma_start3A_229 : memref<1x1152xf32, #tpu.memory_space<hbm>> -> memref<1152xf32, #tpu.memory_space<hbm>>
      tpu.enqueue_dma source(%arg10 : memref<1152xf32, #tpu.memory_space<vmem>>) target(%dma_start3A_230 : memref<1152xf32, #tpu.memory_space<hbm>>) target_semaphore(%run_scoped3A : memref<!tpu.dma_semaphore, #tpu.memory_space<semaphore_mem>>)
      %dma_wait3A = arith.constant 0 : i32
      %dma_wait3A_231 = tpu.memref_slice %arg5[%add3A, %dma_wait3A] : memref<32x1152xf32, #tpu.memory_space<hbm>> -> memref<1x1152xf32, #tpu.memory_space<hbm>>
      %dma_wait3A_232 = tpu.memref_squeeze %dma_wait3A_231 : memref<1x1152xf32, #tpu.memory_space<hbm>> -> memref<1152xf32, #tpu.memory_space<hbm>>
      %dma_wait3A_233 = arith.constant 0 : i32
      %dma_wait3A_234 = tpu.memref_slice %arg5[%add3A, %dma_wait3A_233] : memref<32x1152xf32, #tpu.memory_space<hbm>> -> memref<1x1152xf32, #tpu.memory_space<hbm>>
      %dma_wait3A_235 = tpu.memref_squeeze %dma_wait3A_234 : memref<1x1152xf32, #tpu.memory_space<hbm>> -> memref<1152xf32, #tpu.memory_space<hbm>>
      tpu.wait_dma2 semaphore(%run_scoped3A : memref<!tpu.dma_semaphore, #tpu.memory_space<semaphore_mem>>) src(%arg10 : memref<1152xf32, #tpu.memory_space<vmem>>) dst(%dma_wait3A_235 : memref<1152xf32, #tpu.memory_space<hbm>>)
      tpu.yield
    }) : () -> ()
    return
  }
}

module attributes {stable_mosaic.version = 14 : i64} {
  func.func @_tc_stage2_body(%arg0: memref<32x1152xf32, #tpu.memory_space<vmem>>, %arg1: memref<1x1xf32, #tpu.memory_space<vmem>>) attributes {dimension_semantics = [], scalar_prefetch = 0 : i64, scratch_operands = 0 : i64, tpu.core_type = #tpu.core_type<tc>} {
    %get3A = arith.constant 0 : index
    %get3A_0 = arith.constant 0 : index
    %get3A_1 = vector.load %arg0[%get3A, %get3A_0] : memref<32x1152xf32, #tpu.memory_space<vmem>>, vector<32x1152xf32>
    %reshape3A = vector.shape_cast %get3A_1 : vector<32x1152xf32> to vector<16x2x1152xf32>
    %reduce_sum3A = arith.constant dense<0.000000e+00> : vector<16x1152xf32>
    %reduce_sum3A_2 = vector.multi_reduction <add>, %reshape3A, %reduce_sum3A [1] : vector<16x2x1152xf32> to vector<16x1152xf32>
    %slice3A = vector.extract_strided_slice %reduce_sum3A_2 {offsets = [0, 0], sizes = [16, 576], strides = [1, 1]} : vector<16x1152xf32> to vector<16x576xf32>
    %slice3A_3 = vector.extract_strided_slice %reduce_sum3A_2 {offsets = [0, 576], sizes = [16, 576], strides = [1, 1]} : vector<16x1152xf32> to vector<16x576xf32>
    %slice3A_4 = vector.extract_strided_slice %slice3A {offsets = [0, 1], sizes = [16, 5], strides = [1, 1]} : vector<16x576xf32> to vector<16x5xf32>
    %slice3A_5 = vector.extract_strided_slice %slice3A_3 {offsets = [0, 1], sizes = [16, 5], strides = [1, 1]} : vector<16x576xf32> to vector<16x5xf32>
    %slice3A_6 = vector.extract_strided_slice %slice3A {offsets = [0, 8], sizes = [16, 512], strides = [1, 1]} : vector<16x576xf32> to vector<16x512xf32>
    %slice3A_7 = vector.extract_strided_slice %slice3A_3 {offsets = [0, 8], sizes = [16, 512], strides = [1, 1]} : vector<16x576xf32> to vector<16x512xf32>
    %reduce_sum3A_8 = arith.constant dense<0.000000e+00> : vector<16xf32>
    %reduce_sum3A_9 = vector.multi_reduction <add>, %slice3A_4, %reduce_sum3A_8 [1] : vector<16x5xf32> to vector<16xf32>
    %gt3A = arith.constant 0.000000e+00 : f32
    %gt3A_10 = vector.broadcast %gt3A : f32 to vector<16x5xf32>
    %gt3A_11 = arith.cmpf ogt, %slice3A_4, %gt3A_10 : vector<16x5xf32>
    %convert_element_type3A = arith.extui %gt3A_11 : vector<16x5xi1> to vector<16x5xi32>
    %convert_element_type3A_12 = arith.sitofp %convert_element_type3A : vector<16x5xi32> to vector<16x5xf32>
    %reduce_sum3A_13 = arith.constant dense<0.000000e+00> : vector<16xf32>
    %reduce_sum3A_14 = vector.multi_reduction <add>, %convert_element_type3A_12, %reduce_sum3A_13 [1] : vector<16x5xf32> to vector<16xf32>
    %max3A = arith.constant 1.000000e+00 : f32
    %max3A_15 = vector.broadcast %max3A : f32 to vector<16xf32>
    %max3A_16 = arith.maximumf %reduce_sum3A_14, %max3A_15 : vector<16xf32>
    %div3A = arith.divf %reduce_sum3A_9, %max3A_16 : vector<16xf32>
    %broadcast_in_dim3A = vector.shape_cast %div3A : vector<16xf32> to vector<16x1xf32>
    %max3A_17 = arith.constant 1.000000e+00 : f32
    %max3A_18 = vector.broadcast %max3A_17 : f32 to vector<16x5xf32>
    %max3A_19 = arith.maximumf %slice3A_4, %max3A_18 : vector<16x5xf32>
    %div3A_20 = vector.broadcast %broadcast_in_dim3A : vector<16x1xf32> to vector<16x5xf32>
    %div3A_21 = arith.divf %div3A_20, %max3A_19 : vector<16x5xf32>
    %jit3A = arith.constant 0.000000e+00 : f32
    %broadcast_in_dim3A_22 = vector.broadcast %jit3A : f32 to vector<16x5xf32>
    %select_n3A = arith.select %gt3A_11, %div3A_21, %broadcast_in_dim3A_22 : vector<16x5xi1>, vector<16x5xf32>
    %mul3A = arith.mulf %select_n3A, %slice3A_5 : vector<16x5xf32>
    %reduce_sum3A_23 = arith.constant dense<0.000000e+00> : vector<16xf32>
    %reduce_sum3A_24 = vector.multi_reduction <add>, %mul3A, %reduce_sum3A_23 [1] : vector<16x5xf32> to vector<16xf32>
    %reduce_sum3A_25 = arith.constant dense<0.000000e+00> : vector<16xf32>
    %reduce_sum3A_26 = vector.multi_reduction <add>, %slice3A_6, %reduce_sum3A_25 [1] : vector<16x512xf32> to vector<16xf32>
    %mul3A_27 = arith.constant 3.000000e+00 : f32
    %mul3A_28 = vector.broadcast %mul3A_27 : f32 to vector<16xf32>
    %mul3A_29 = arith.mulf %mul3A_28, %reduce_sum3A_9 : vector<16xf32>
    %min3A = arith.minimumf %mul3A_29, %reduce_sum3A_26 : vector<16xf32>
    %iota3A = tpu.iota {dimensions = array<i32: 0>} : vector<512x512xi32>
    %iota3A_30 = tpu.iota {dimensions = array<i32: 1>} : vector<512x512xi32>
    %gt3A_31 = arith.cmpi sgt, %iota3A, %iota3A_30 : vector<512x512xi32>
    %convert_element_type3A_32 = arith.extui %gt3A_31 : vector<512x512xi1> to vector<512x512xi32>
    %convert_element_type3A_33 = arith.sitofp %convert_element_type3A_32 : vector<512x512xi32> to vector<512x512xf32>
    %dot_general3A = arith.constant dense<0.000000e+00> : vector<16x512xf32>
    %dot_general3A_34 = tpu.matmul %slice3A_6, %convert_element_type3A_33, %dot_general3A {dimension_numbers = #tpu.dot_dimension_numbers<[1], [0], [0], [1], [0, 0, 1, 1], [], []>, precision = #tpu.contract_precision<fp32>, transpose_lhs_hint = false} : vector<16x512xf32>, vector<512x512xf32>, vector<16x512xf32> -> vector<16x512xf32>
    %dot_general3A_35 = arith.constant dense<0.000000e+00> : vector<16x512xf32>
    %dot_general3A_36 = tpu.matmul %slice3A_7, %convert_element_type3A_33, %dot_general3A_35 {dimension_numbers = #tpu.dot_dimension_numbers<[1], [0], [0], [1], [0, 0, 1, 1], [], []>, precision = #tpu.contract_precision<fp32>, transpose_lhs_hint = false} : vector<16x512xf32>, vector<512x512xf32>, vector<16x512xf32> -> vector<16x512xf32>
    %broadcast_in_dim3A_37 = vector.shape_cast %min3A : vector<16xf32> to vector<16x1xf32>
    %ge3A = vector.broadcast %broadcast_in_dim3A_37 : vector<16x1xf32> to vector<16x512xf32>
    %ge3A_38 = arith.cmpf oge, %dot_general3A_34, %ge3A : vector<16x512xf32>
    %convert_element_type3A_39 = arith.extui %ge3A_38 : vector<16x512xi1> to vector<16x512xi32>
    %convert_element_type3A_40 = arith.sitofp %convert_element_type3A_39 : vector<16x512xi32> to vector<16x512xf32>
    %reduce_sum3A_41 = arith.constant dense<0.000000e+00> : vector<16xf32>
    %reduce_sum3A_42 = vector.multi_reduction <add>, %convert_element_type3A_40, %reduce_sum3A_41 [1] : vector<16x512xf32> to vector<16xf32>
    %convert_element_type3A_43 = arith.fptosi %reduce_sum3A_42 : vector<16xf32> to vector<16xi32>
    %iota3A_44 = tpu.iota {dimensions = array<i32: 1>} : vector<16x512xi32>
    %broadcast_in_dim3A_45 = vector.shape_cast %convert_element_type3A_43 : vector<16xi32> to vector<16x1xi32>
    %eq3A = vector.broadcast %broadcast_in_dim3A_45 : vector<16x1xi32> to vector<16x512xi32>
    %eq3A_46 = arith.cmpi eq, %iota3A_44, %eq3A : vector<16x512xi32>
    %convert_element_type3A_47 = arith.extui %eq3A_46 : vector<16x512xi1> to vector<16x512xi32>
    %convert_element_type3A_48 = arith.sitofp %convert_element_type3A_47 : vector<16x512xi32> to vector<16x512xf32>
    %mul3A_49 = arith.mulf %dot_general3A_34, %convert_element_type3A_48 : vector<16x512xf32>
    %reduce_sum3A_50 = arith.constant dense<0.000000e+00> : vector<16xf32>
    %reduce_sum3A_51 = vector.multi_reduction <add>, %mul3A_49, %reduce_sum3A_50 [1] : vector<16x512xf32> to vector<16xf32>
    %mul3A_52 = arith.mulf %dot_general3A_36, %convert_element_type3A_48 : vector<16x512xf32>
    %reduce_sum3A_53 = arith.constant dense<0.000000e+00> : vector<16xf32>
    %reduce_sum3A_54 = vector.multi_reduction <add>, %mul3A_52, %reduce_sum3A_53 [1] : vector<16x512xf32> to vector<16xf32>
    %mul3A_55 = arith.mulf %slice3A_6, %convert_element_type3A_48 : vector<16x512xf32>
    %reduce_sum3A_56 = arith.constant dense<0.000000e+00> : vector<16xf32>
    %reduce_sum3A_57 = vector.multi_reduction <add>, %mul3A_55, %reduce_sum3A_56 [1] : vector<16x512xf32> to vector<16xf32>
    %mul3A_58 = arith.mulf %slice3A_7, %convert_element_type3A_48 : vector<16x512xf32>
    %reduce_sum3A_59 = arith.constant dense<0.000000e+00> : vector<16xf32>
    %reduce_sum3A_60 = vector.multi_reduction <add>, %mul3A_58, %reduce_sum3A_59 [1] : vector<16x512xf32> to vector<16xf32>
    %sub3A = arith.subf %min3A, %reduce_sum3A_51 : vector<16xf32>
    %mul3A_61 = arith.mulf %sub3A, %reduce_sum3A_60 : vector<16xf32>
    %max3A_62 = arith.constant 1.000000e+00 : f32
    %max3A_63 = vector.broadcast %max3A_62 : f32 to vector<16xf32>
    %max3A_64 = arith.maximumf %reduce_sum3A_57, %max3A_63 : vector<16xf32>
    %div3A_65 = arith.divf %mul3A_61, %max3A_64 : vector<16xf32>
    %add3A = arith.addf %reduce_sum3A_54, %div3A_65 : vector<16xf32>
    %ge3A_66 = arith.constant 1 : i32
    %ge3A_67 = vector.broadcast %ge3A_66 : i32 to vector<16xi32>
    %ge3A_68 = arith.cmpi sge, %convert_element_type3A_43, %ge3A_67 : vector<16xi32>
    %select_n3A_69 = arith.select %ge3A_68, %min3A, %reduce_sum3A_51 : vector<16xi1>, vector<16xf32>
    %reduce_sum3A_70 = arith.constant dense<0.000000e+00> : vector<16xf32>
    %reduce_sum3A_71 = vector.multi_reduction <add>, %slice3A_7, %reduce_sum3A_70 [1] : vector<16x512xf32> to vector<16xf32>
    %slice3A_72 = vector.extract_strided_slice %slice3A_6 {offsets = [0, 1], sizes = [16, 511], strides = [1, 1]} : vector<16x512xf32> to vector<16x511xf32>
    %reduce_sum3A_73 = arith.constant dense<0.000000e+00> : vector<16xf32>
    %reduce_sum3A_74 = vector.multi_reduction <add>, %slice3A_72, %reduce_sum3A_73 [1] : vector<16x511xf32> to vector<16xf32>
    %eq3A_75 = arith.constant 0.000000e+00 : f32
    %eq3A_76 = vector.broadcast %eq3A_75 : f32 to vector<16xf32>
    %eq3A_77 = arith.cmpf oeq, %min3A, %eq3A_76 : vector<16xf32>
    %select_n3A_78 = arith.select %eq3A_77, %reduce_sum3A_71, %add3A : vector<16xi1>, vector<16xf32>
    %select_n3A_79 = arith.select %eq3A_77, %reduce_sum3A_74, %select_n3A_69 : vector<16xi1>, vector<16xf32>
    %add3A_80 = arith.addf %reduce_sum3A_24, %select_n3A_78 : vector<16xf32>
    %reduce_sum3A_81 = vector.shape_cast %add3A_80 : vector<16xf32> to vector<1x16xf32>
    %reduce_sum3A_82 = arith.constant dense<0.000000e+00> : vector<1xf32>
    %reduce_sum3A_83 = vector.multi_reduction <add>, %reduce_sum3A_81, %reduce_sum3A_82 [1] : vector<1x16xf32> to vector<1xf32>
    %reduce_sum3A_84 = vector.shape_cast %reduce_sum3A_83 : vector<1xf32> to vector<1x1xf32>
    %reduce_sum3A_85 = vector.extract %reduce_sum3A_84[0, 0] : f32 from vector<1x1xf32>
    %add3A_86 = arith.addf %reduce_sum3A_9, %select_n3A_79 : vector<16xf32>
    %mul3A_87 = arith.constant 2.000000e+00 : f32
    %mul3A_88 = vector.broadcast %mul3A_87 : f32 to vector<16xf32>
    %mul3A_89 = arith.mulf %mul3A_88, %add3A_86 : vector<16xf32>
    %reduce_sum3A_90 = vector.shape_cast %mul3A_89 : vector<16xf32> to vector<1x16xf32>
    %reduce_sum3A_91 = arith.constant dense<0.000000e+00> : vector<1xf32>
    %reduce_sum3A_92 = vector.multi_reduction <add>, %reduce_sum3A_90, %reduce_sum3A_91 [1] : vector<1x16xf32> to vector<1xf32>
    %reduce_sum3A_93 = vector.shape_cast %reduce_sum3A_92 : vector<1xf32> to vector<1x1xf32>
    %reduce_sum3A_94 = vector.extract %reduce_sum3A_93[0, 0] : f32 from vector<1x1xf32>
    %div3A_95 = arith.constant 1.600000e+01 : f32
    %div3A_96 = arith.divf %reduce_sum3A_85, %div3A_95 : f32
    %div3A_97 = arith.constant 2.000000e+00 : f32
    %div3A_98 = arith.divf %div3A_96, %div3A_97 : f32
    %div3A_99 = arith.divf %div3A_98, %reduce_sum3A_94 : f32
    %reshape3A_100 = vector.broadcast %div3A_99 : f32 to vector<1x1xf32>
    %swap3A = arith.constant 0 : index
    %swap3A_101 = arith.constant 0 : index
    %swap3A_102 = vector.load %arg1[%swap3A, %swap3A_101] : memref<1x1xf32, #tpu.memory_space<vmem>>, vector<1x1xf32>
    tpu.vector_store %arg1[%swap3A, %swap3A_101], %reshape3A_100 {strides = array<i32>} : memref<1x1xf32, #tpu.memory_space<vmem>>, vector<1x1xf32>,
    return
  }
}

</mosaic_0001>

<sc_bundles>
// kernel: kernel.4.cloned.1.call-start
scs
__scs_entry_jumppad:
0x0: {  	(pc) =	sbr.rel $0x88, $3  }
0x1: {  	(tag) =	ssettag $0x0;
	lr =	simm.s32 $0x1  }
0x2: {  	[smem:$0x3F9E] =	sst lr;
	_ =	strace $0xD0000000  }
0x3: {  	_ = 	snop  }
0x4: {  	_ = 	snop  }
0x5: {  	_ = 	snop  }
0x6: {  	_ = 	snop  }
0x7: {  	_ = 	snop  }
__scs_overlays_trampoline_lowered:
0x8: {  	[smem:$0x3FAD] =	sst s0  }
0x9: {  	[smem:$0x3FAE] =	sst s1  }
0xa: {  	[smem:$0x3FAF] =	sst s2  }
0xb: {  	[smem:$0x3FB0] =	sst s3  }
0xc: {  	[smem:$0x3FB1] =	sst s4  }
0xd: {  	[smem:$0x3FB2] =	sst s5  }
0xe: {  	[smem:$0x3FB3] =	sst s6  }
0xf: {  	[smem:$0x3FB4] =	sst s7  }
0x10: {  	[smem:$0x3FB5] =	sst s8  }
0x11: {  	[smem:$0x3FB6] =	sst s9;
	s0 =	simm.s32 @!p0 $0x0  }
0x12: {  	s1 =	sld [smem:$0x3F9C];
	s0 =	simm.s32 @p0 $0x1  }
0x13: {  	[smem:$0x3FB7] =	sst s0;
	s0 =	simm.s32 @!p1 $0x0  }
0x14: {  	s2 =	sld [smem:$0x3F9B];
	s0 =	simm.s32 @p1 $0x1  }
0x15: {  	[smem:$0x3FB8] =	sst s0;
	s0 =	simm.s32 @!p2 $0x0  }
0x16: {  	s3 =	sld [smem:$0x3FDB];
	s0 =	simm.s32 @p2 $0x1  }
0x17: {  	s4 =	simm.s32 $0x1BF5;
	[smem:$0x3FBA] =	sst s0  }
0x18: {  	s0 =	sld [smem:$0x3F9D];
	_ =	swait.ge [sflag:s4], $0x0  }
0x19: {  	s7 =	sld [smem:$0x3F9E]  }
0x1a: {  	s8 =	sadd.s32 $0xFFFFE003, lr  }
0x1b: {  	s9 =	sadd.s32 $0xFFFFFEF7, lr;
	s5 =	simm.s32 $0xFFFFFFFF;
	p2 =	slt.u32 s8, $0xFFFFF086  }
0x1c: {  	p1 =	slt.u32 s9, $0xF7A;
	s5 =	simm.s32 @!p2 $0x0  }
0x1d: {  	s5 =	simm.s32 @p1 $0x1;
	p0 =	seq.s32 s7, s2  }
0x1e: {  	s7 =	smul.u32 @!p0 $0xF7A, s2;
	p2 =	seq.s32 @!p0 s5, $0x0  }
0x1f: {  	s9 =	smul.u32 $0xF7A, s1;
	s8 =	simm.s32 @!p0 $0x1BF5;
	p2 =	por !p2, p0  }
0x20: {  	[sflag:s8] =	ssyncset.s32 @!p0 $0xFFFFF086;
	s6 =	sadd.s32 @!p0 s3, s7;
	s7 =	simm.s32 @!p0 $0x108  }
0x21: {  	s3 =	sadd.s32 s3, s9;
	s6 =	sadd.s32 @!p0 $0x88, s6;
	s7 =	simm.s32 @p2 $0x1082  }
0x22: {  	[simem:s7], [sflag:s8] =	dma.local @!p0 [hbm:s6], $0xF7A  }
0x23: {  	s9 =	sor.u32 $0xD0000000, s2;
	s6 =	simm.s32 $0x108;
	_ =	swait.ge @!p0 [sflag:s8], $0x0  }
0x24: {  	s3 =	sadd.s32 $0x88, s3;
	s6 =	simm.s32 @!p1 $0x1082;
	[sflag:s4] =	ssyncset.s32 $0xFFFFF086  }
0x25: {  	[simem:s6], [sflag:s4] =	dma.local [hbm:s3], $0xF7A  }
0x26: {  	[smem:$0x3F9E] =	sst s1;
	(tag) =	ssettag s2;
	_ =	strace s9  }
0x27: {  	s1 =	sld [smem:$0x3FAE]  }
0x28: {  	s2 =	sld [smem:$0x3FAF]  }
0x29: {  	s4 =	sld [smem:$0x3FB1]  }
0x2a: {  	p0 =	seq.s32 s5, $0x0;
	s5 =	sld [smem:$0x3FB2]  }
0x2b: {  	s6 =	sld [smem:$0x3FB3]  }
0x2c: {  	s7 =	sld [smem:$0x3FB4]  }
0x2d: {  	s3 =	simm.s32 $0x108;
	s8 =	sld [smem:$0x3FB5]  }
0x2e: {  	s3 =	simm.s32 @!p0 $0x1082;
	s9 =	sld [smem:$0x3FB6]  }
0x2f: {  	lr =	sadd.s32 s0, s3;
	s0 =	sld [smem:$0x3FAD]  }
0x30: {  	s3 =	sld [smem:$0x3FB0]  }
0x31: {  	[smem:$0x3FB9] =	sst s10  }
0x32: {  	s10 =	sld [smem:$0x3FB7];
	_ =	sdelay $0x3  }
0x33: {  	p0 =	seq.s32 s10, $0x1;
	s10 =	sld [smem:$0x3FB9];
	_ =	sdelay $0x3  }
0x34: {  	[smem:$0x3FB9] =	sst s10  }
0x35: {  	s10 =	sld [smem:$0x3FB8];
	_ =	sdelay $0x3  }
0x36: {  	p1 =	seq.s32 s10, $0x1;
	s10 =	sld [smem:$0x3FB9];
	_ =	sdelay $0x3  }
0x37: {  	[smem:$0x3FB9] =	sst s10  }
0x38: {  	s10 =	sld [smem:$0x3FBA]  }
0x39: {  	_ = 	snop;
	(pc) =	sbr.ind lr, $3  }
0x3a: {  	_ = 	snop  }
0x3b: {  	_ = 	snop  }
0x3c: {  	p2 =	seq.s32 s10, $0x1;
	s10 =	sld [smem:$0x3FB9]  }
0x3d: {  	_ =	shalt  }
0x3e: {  	_ =	shalt  }
0x3f: {  	_ =	shalt  }
0x40: {  	_ =	shalt  }
0x41: {  	_ =	shalt  }
0x42: {  	_ =	shalt  }
0x43: {  	_ =	shalt  }
0x44: {  	_ =	shalt  }
0x45: {  	_ =	shalt  }
0x46: {  	_ =	shalt  }
0x47: {  	_ =	shalt  }
0x48: {  	_ =	shalt  }
0x49: {  	_ =	shalt  }
0x4a: {  	_ =	shalt  }
0x4b: {  	_ =	shalt  }
0x4c: {  	_ =	shalt  }
0x4d: {  	_ =	shalt  }
0x4e: {  	_ =	shalt  }
0x4f: {  	_ =	shalt  }
0x50: {  	_ =	shalt  }
0x51: {  	_ =	shalt  }
0x52: {  	_ =	shalt  }
0x53: {  	_ =	shalt  }
0x54: {  	_ =	shalt  }
0x55: {  	_ =	shalt  }
0x56: {  	_ =	shalt  }
0x57: {  	_ =	shalt  }
0x58: {  	_ =	shalt  }
0x59: {  	_ =	shalt  }
0x5a: {  	_ =	shalt  }
0x5b: {  	_ =	shalt  }
0x5c: {  	_ =	shalt  }
0x5d: {  	_ =	shalt  }
0x5e: {  	_ =	shalt  }
0x5f: {  	_ =	shalt  }
0x60: {  	_ =	shalt  }
0x61: {  	_ =	shalt  }
0x62: {  	_ =	shalt  }
0x63: {  	_ =	shalt  }
0x64: {  	_ =	shalt  }
0x65: {  	_ =	shalt  }
0x66: {  	_ =	shalt  }
0x67: {  	_ =	shalt  }
0x68: {  	_ =	shalt  }
0x69: {  	_ =	shalt  }
0x6a: {  	_ =	shalt  }
0x6b: {  	_ =	shalt  }
0x6c: {  	_ =	shalt  }
0x6d: {  	_ =	shalt  }
0x6e: {  	_ =	shalt  }
0x6f: {  	_ =	shalt  }
0x70: {  	_ =	shalt  }
0x71: {  	_ =	shalt  }
0x72: {  	_ =	shalt  }
0x73: {  	_ =	shalt  }
0x74: {  	_ =	shalt  }
0x75: {  	_ =	shalt  }
0x76: {  	_ =	shalt  }
0x77: {  	_ =	shalt  }
0x78: {  	_ =	shalt  }
0x79: {  	_ =	shalt  }
0x7a: {  	_ =	shalt  }
0x7b: {  	_ =	shalt  }
0x7c: {  	_ =	shalt  }
0x7d: {  	_ =	shalt  }
0x7e: {  	_ =	shalt  }
0x7f: {  	_ =	shalt  }
0x80: {  	_ =	shalt  }
0x81: {  	_ =	shalt  }
0x82: {  	_ =	shalt  }
0x83: {  	_ =	shalt  }
0x84: {  	_ =	shalt  }
0x85: {  	_ =	shalt  }
0x86: {  	_ =	shalt  }
0x87: {  	_ =	shalt  }
.Lfunc_end0:
.L_simem_size_0:
called_computation_lowered:
.L_overlay_start_0:
0x88: {  	s2 =	sld [smem:$0x3FD9]  }
0x89: {  	s3 =	sld [smem:$0x3FFE];
	_ =	sdelay $0x1  }
0x8a: {  	s1 =	srdreg.scid  }
0x8b: {  	s0 =	sand.u32 $0x1, s1  }
0x8c: {  	s17 =	sshll.u32 s0, $0xA;
	s2 =	sadd.s32 s3, s2  }
0x8d: {  	s2 =	sadd.s32 s2, s17  }
0x8e: {  	[smem:$0x3FC5] =	sst s2  }
0x8f: {  	_ = 	snop  }
0x90: {  	s2 =	sld [smem:$0x3FC9]  }
0x91: {  	s18 =	sld [smem:$0x3FC8]  }
0x92: {  	s4 =	sld [smem:$0x3FC7];
	(tm) =	ssettm $0x1  }
0x93: {  	s5 =	sld [smem:$0x3FFB];
	_ =	sdelay $0x3  }
0x94: {  	_ =	strace s5  }
0x95: {  	s5 =	sld [smem:$0x3FFC];
	_ =	sdelay $0x3  }
0x96: {  	_ =	strace s5  }
0x97: {  	s5 =	sld [smem:$0x3FFD];
	_ =	sdelay $0x3  }
0x98: {  	_ =	strace s5  }
0x99: {  	_ =	strace $0x8FFFFFFF  }
0x9a: {  	s19 =	sld [smem:$0x3FDB];
	_ =	sdelay $0x1  }
0x9b: {  	s6 =	simm.s32 $_scs_section_size  }
0x9c: {  	s7 =	simm.s32 $_size__tile_overlayer_lowered;
	s8 =	simm.s32 $_tile_overlayer_lowered  }
0x9d: {  	s22 =	simm.s32 $0x1BFF;
	s21 =	sshll.u32 s8, $0x1;
	s5 =	sadd.s32 s6, s19  }
0x9e: {  	s9 =	simm.s32 $0x0;
	s20 =	sshll.u32 s7, $0x1;
	s7 =	sadd.s32 s21, s5  }
0x9f: {  	[timem:s9], [sflag:s22] =	dma.local [hbm:s7], s20  }
0xa0: {  	_ =	swait.ge [sflag:s22], s20  }
0xa1: {  	s6 =	ssub.s32 $0x0, s20;
	[sflag:s22] =	ssyncset.done $0x0  }
0xa2: {  	[sflag:s22] =	ssyncadd.s32 s6;
	_ =	sdelay $0x1  }
0xa3: {  	s23 =	simm.s32 $0x1B8B  }
0xa4: {  	_ =	swait.ge [sflag:s23], $0x1  }
0xa5: {  	[sflag:s23] =	ssyncset.done $0x0  }
0xa6: {  	s25 =	simm.s32 $0x1B8E;
	s24 =	sld [smem:$0x3FFE];
	[sflag:s23] =	ssyncadd.s32 $0xFFFFFFFF  }
0xa7: {  	s26 =	simm.s32 $execute0_lowered;
	[smem:$0x3FD2] =	sst s25  }
0xa8: {  	s7 =	sshll.u32 s26, $0x1;
	_ =	strace $0x80000046;
	[dreg:$0x1] =	wrdreg $0xFFFFFFFF  }
0xa9: {  	s28 =	simm.s32 $_size_execute0_lowered;
	s5 =	sadd.s32 s5, s7;
	[dreg:$0x0] =	wrdreg $0x0  }
0xaa: {  	s7 =	sshll.u32 s28, $0x1;
	[dreg:$0x2] =	wrdreg s5  }
0xab: {  	[dreg:$0x3] =	wrdreg s7  }
0xac: {  	[dreg:$0x4] =	wrdreg $0xC0  }
0xad: {  	_ =	task [dreg:s9], $0x5FFFF  }
0xae: {  	[dreg:$0x1] =	wrdreg $0xFFFFFFFF  }
0xaf: {  	[dreg:$0x0] =	wrdreg $0x60  }
0xb0: {  	[dreg:$0x2] =	wrdreg s2  }
0xb1: {  	[dreg:$0x3] =	wrdreg s18  }
0xb2: {  	[dreg:$0x4] =	wrdreg s4  }
0xb3: {  	[dreg:$0x5] =	wrdreg s24  }
0xb4: {  	[dreg:$0x6] =	wrdreg $0x9  }
0xb5: {  	_ =	task.clear_ibuf [dreg:s9], $0x7FFFF;
	_ =	strace $0x90000046  }
0xb6: {  	s29 =	simm.s32 $0x9;
	_ =	strace $0x80000048  }
0xb7: {  	_ =	swait.ge [sflag:s29], $0x1  }
0xb8: {  	[sflag:s29] =	ssyncadd.s32 $0xFFFFFFFF  }
0xb9: {  	_ =	strace $0x90000048  }
0xba: {  	_ =	sfence  }
0xbb: {  	s30 =	sld [smem:$0x0];
	_ =	sdelay $0x2  }
0xbc: {  	s31 =	sshll.u32 s1, $0xD;
	s1 =	sshrl.u32 s1, $0x2  }
0xbd: {  	s3 =	sand.u32 $0x4000, s31;
	s1 =	sadd.s32 s1, s30  }
0xbe: {  	s0 =	sor.u32 s3, s0;
	s1 =	sshll.u32 s1, $0x11  }
0xbf: {  	s0 =	sor.u32 s1, s0  }
0xc0: {  	s0 =	sadd.s32 $0x8F2B, s0  }
0xc1: {  	[sflag:s0] =	ssyncadd.remote.s32 $0x1  }
0xc2: {  	_ =	sfence.sel $0xFFFF  }
0xc3: {  	[dreg:$0x0] =	wrdreg $0xFFFFFFFF;
	(pc) =	sbr.abs _section_cstart, $3  }
0xc4: {  	[dreg:$0x1] =	wrdreg $0xFFFFFFFF  }
0xc5: {  	_ =	task.clear_ibuf [dreg:s9], $0x2FFFF;
	_ =	strace $0x9FFFFFFF  }
0xc6: {  	(tm) =	ssettm $0x7FFFFFFF  }
0xc7: {  	_ =	shalt  }
tec
execute0_lowered:
.L_overlay_start_1:
0x0: {  	(tag) =	ssettag $0x1  }
0x1: {  	v0 =	vimm.s32 $0xBCAB9A89  }
0x2: {  	v1 =	vimm.s32 $0xF0EFDECD;
	vm0 =	vcmask $0x1F10;
	v2 =	vimm.s32 $0x78675645  }
0x3: {  	v3 =	vimm.s32 $0xBDAC9B8A;
	v5 =	vimm.s32 $0x35241302;
	v8 =	vimm.s32 $0xF2E1D0CF  }
0x4: {  	v9 =	vimm.s32 $0x39281706;
	v12 =	vimm.s32 $0xF6E5D4C3;
	v13 =	vimm.s32 $0x706F5E4D  }
0x5: {  	v14 =	vimm.s32 $0xB5A49382;
	v16 =	vimm.s32 $0x3D2C1B0A;
	v17 =	vimm.s32 $0x71605F4E  }
0x6: {  	v20 =	vimm.s32 $0x76655443;
	v0 =	vunpack.c.0.s8.s32 v0;
	v1 =	vunpack.c.0.s8.s32 v1  }
0x7: {  	v2 =	vunpack.c.0.s8.s32 v2;
	v4 =	vunpack.c.0.s8.s32 v3;
	v3 =	vimm.s32 $0xF1E0DFCE  }
0x8: {  	v5 =	vunpack.c.0.s8.s32 v5;
	v8 =	vunpack.c.0.s8.s32 v8;
	v9 =	vunpack.c.0.s8.s32 v9  }
0x9: {  	v12 =	vunpack.c.0.s8.s32 v12;
	v0 =	vsel vm0, v1, v0;
	v1 =	vimm.s32 $0x34231201  }
0xa: {  	v13 =	vunpack.c.0.s8.s32 v13;
	v14 =	vunpack.c.0.s8.s32 v14;
	v1 =	vunpack.c.0.s8.s32 v1  }
0xb: {  	v16 =	vunpack.c.0.s8.s32 v16;
	v6 =	vunpack.c.0.s8.s32 v3;
	v3 =	vimm.s32 $0x79685746  }
0xc: {  	v7 =	vunpack.c.0.s8.s32 v3;
	v3 =	vimm.s32 $0xBEAD9C8B;
	v1 =	vsel vm0, v2, v1  }
0xd: {  	v17 =	vunpack.c.0.s8.s32 v17;
	v2 =	vunpack.c.0.s8.s32 v3;
	v3 =	vcombine.low v1, v0  }
0xe: {  	v0 =	vsel vm0, v6, v4;
	v1 =	vsel vm0, v7, v5;
	v5 =	vimm.s32 $0xBFAE9D8C  }
0xf: {  	v6 =	vimm.s32 $0xF3E2D1C0;
	v4 =	vcombine.low v1, v0;
	v0 =	vsel vm0, v8, v2  }
0x10: {  	v1 =	vimm.s32 $0x36251403;
	v2 =	vimm.s32 $0x7A695847;
	v5 =	vunpack.c.0.s8.s32 v5  }
0x11: {  	v6 =	vunpack.c.0.s8.s32 v6;
	v1 =	vunpack.c.0.s8.s32 v1;
	v2 =	vunpack.c.0.s8.s32 v2  }
0x12: {  	v20 =	vunpack.c.0.s8.s32 v20;
	v7 =	vimm.s32 $0x37261504;
	v8 =	vimm.s32 $0x7B6A5948  }
0x13: {  	v3 =	vand.u32 $0xFF, v3;
	v6 =	vsel vm0, v6, v5;
	v1 =	vsel vm0, v2, v1  }
0x14: {  	v2 =	vunpack.c.0.s8.s32 v7;
	v7 =	vunpack.c.0.s8.s32 v8;
	v8 =	vimm.s32 $0xF4E3D2C1  }
0x15: {  	v5 =	vimm.s32 $0xB0AF9E8D;
	v4 =	vand.u32 $0xFF, v4;
	v8 =	vunpack.c.0.s8.s32 v8  }
0x16: {  	v2 =	vsel vm0, v7, v2;
	v7 =	vunpack.c.0.s8.s32 v5;
	v5 =	vcombine.low v1, v0  }
0x17: {  	v1 =	vimm.s32 $0x38271605;
	v6 =	vcombine.low v2, v6;
	v2 =	vimm.s32 $0x7C6B5A49  }
0x18: {  	v1 =	vunpack.c.0.s8.s32 v1;
	v0 =	vsel vm0, v8, v7;
	v7 =	vimm.s32 $0xB1A09F8E  }
0x19: {  	v2 =	vunpack.c.0.s8.s32 v2;
	v8 =	vunpack.c.0.s8.s32 v7;
	v7 =	vimm.s32 $0xF5E4D3C2  }
0x1a: {  	v5 =	vand.u32 $0xFF, v5;
	v10 =	vunpack.c.0.s8.s32 v7;
	v7 =	vimm.s32 $0x7D6C5B4A  }
0x1b: {  	v1 =	vsel vm0, v2, v1;
	v11 =	vunpack.c.0.s8.s32 v7;
	v7 =	vimm.s32 $0xB2A1908F  }
0x1c: {  	v6 =	vand.u32 $0xFF, v6;
	v2 =	vunpack.c.0.s8.s32 v7;
	v7 =	vcombine.low v1, v0  }
0x1d: {  	v0 =	vsel vm0, v10, v8;
	v10 =	vimm.s32 $0xF7E6D5C4;
	v1 =	vsel vm0, v11, v9  }
0x1e: {  	v9 =	vimm.s32 $0xB3A29180;
	v10 =	vunpack.c.0.s8.s32 v10;
	v8 =	vcombine.low v1, v0  }
0x1f: {  	v0 =	vsel vm0, v12, v2;
	v1 =	vimm.s32 $0x3A291807;
	v2 =	vimm.s32 $0x7E6D5C4B  }
0x20: {  	v11 =	vimm.s32 $0x3B2A1908;
	v1 =	vunpack.c.0.s8.s32 v1;
	v2 =	vunpack.c.0.s8.s32 v2  }
0x21: {  	v9 =	vunpack.c.0.s8.s32 v9;
	v12 =	vimm.s32 $0x7F6E5D4C;
	v7 =	vand.u32 $0xFF, v7  }
0x22: {  	v1 =	vsel vm0, v2, v1;
	v2 =	vunpack.c.0.s8.s32 v11;
	v11 =	vunpack.c.0.s8.s32 v12  }
0x23: {  	v10 =	vsel vm0, v10, v9;
	v9 =	vimm.s32 $0xB4A39281;
	v12 =	vimm.s32 $0xF8E7D6C5  }
0x24: {  	s0 =	rddreg [dreg:$0x0];
	v2 =	vsel vm0, v11, v2;
	v11 =	vunpack.c.0.s8.s32 v9;
	v9 =	vimm.s32 $0x3C2B1A09  }
0x25: {  	s1 =	rddreg [dreg:$0x1];
	v12 =	vunpack.c.0.s8.s32 v12;
	v15 =	vunpack.c.0.s8.s32 v9;
	v9 =	vimm.s32 $0xF9E8D7C6  }
0x26: {  	s2 =	rddreg [dreg:$0x2];
	s3 =	srdreg.scid;
	v8 =	vand.u32 $0xFF, v8;
	v10 =	vcombine.low v2, v10;
	v18 =	vunpack.c.0.s8.s32 v9  }
0x27: {  	s28 =	simm.s32 $0x12200;
	s29 =	simm.s32 $0x17200;
	s31 =	simm.s32 $0x2100;
	v9 =	vcombine.low v1, v0;
	v0 =	vsel vm0, v12, v11;
	v11 =	vsel vm0, v17, v16  }
0x28: {  	s10 =	stileid.u32;
	s7 =	rddreg [dreg:$0x3];
	s30 =	simm.s32 $0x1;
	v12 =	vimm.s32 $0xB6A59483;
	v16 =	vimm.s32 $0xB7A69584;
	v17 =	vimm.s32 $0xFBEAD9C8  }
0x29: {  	s4 =	sand.u32 $0x1, s3;
	s14 =	sshrl.u32 s10, $0x2;
	s5 =	sshll.u32 s10, $0x8;
	v1 =	vsel vm0, v13, v15;
	v13 =	vimm.s32 $0xFAE9D8C7;
	v12 =	vunpack.c.0.s8.s32 v12  }
0x2a: {  	s3 =	smul.u32 $0x2400, s14;
	s6 =	sshll.u32 s4, $0x7;
	s5 =	sand.u32 $0x300, s5;
	v15 =	vimm.s32 $0x7261504F;
	v16 =	vunpack.c.0.s8.s32 v16;
	v17 =	vunpack.c.0.s8.s32 v17  }
0x2b: {  	s15 =	ssub.s32 $0x2, s4;
	s4 =	sshll.u32 s4, $0x11;
	s6 =	sor.u32 s6, s5;
	v10 =	vand.u32 $0xFF, v10;
	v2 =	vsel vm0, v18, v14;
	v14 =	vimm.s32 $0x3E2D1C0B  }
0x2c: {  	s5 =	simm.s32 $0x0;
	s16 =	sshrl.u32 s15, $0x1;
	s17 =	sor.u32 $0x1000, s4;
	v13 =	vunpack.c.0.s8.s32 v13;
	v15 =	vunpack.c.0.s8.s32 v15;
	v18 =	vcombine.low v1, v0  }
0x2d: {  	s22 =	sor.u32 $0x2000, s4;
	s14 =	sor.u32 $0x4000, s4;
	s3 =	sor.u32 s3, s6;
	v9 =	vand.u32 $0xFF, v9;
	v14 =	vunpack.c.0.s8.s32 v14;
	v19 =	vcombine.low v11, v2  }
0x2e: {  	[smem:$0x7FF] =	sst s5;
	s8 =	ssub.s32 s15, s16;
	s6 =	sshll.u32 s10, $0x13;
	v2 =	vsel vm0, v17, v16;
	v11 =	vimm.s32 $0x3F2E1D0C;
	v16 =	vimm.s32 $0x74635241  }
0x2f: {  	s15 =	sor.u32 $0x5000, s4;
	s16 =	sor.u32 $0x6000, s4;
	s3 =	sshrl.u32 s3, $0x3;
	v0 =	vsel vm0, v13, v12;
	v11 =	vunpack.c.0.s8.s32 v11;
	v12 =	vimm.s32 $0x73625140  }
0x30: {  	_ =	strace $0x80000047;
	s9 =	sor.u32 s4, s6;
	s12 =	sor.u32 s6, s17;
	v13 =	vimm.s32 $0xB8A79685;
	v1 =	vsel vm0, v15, v14;
	v12 =	vunpack.c.0.s8.s32 v12  }
0x31: {  	s23 =	sor.u32 s6, s22;
	s26 =	smax.u32 s8, $0x1;
	s3 =	sadd.s32 s3, s7;
	v13 =	vunpack.c.0.s8.s32 v13;
	v14 =	vimm.s32 $0xFCEBDAC9;
	v15 =	vimm.s32 $0x302F1E0D  }
0x32: {  	s7 =	sshll.u32 s10, $0x12;
	s9 =	sshrl.u32 s9, $0x3;
	s12 =	sshrl.u32 s12, $0x3;
	v14 =	vunpack.c.0.s8.s32 v14;
	v11 =	vsel vm0, v12, v11;
	v12 =	vunpack.c.0.s8.s32 v15  }
0x33: {  	s24 =	sshrl.u32 s23, $0x3;
	[dreg:$0xf] =	wrdreg s26;
	s23 =	simm.s32 $0x1000;
	v15 =	vunpack.c.0.s8.s32 v16;
	v16 =	vcombine.low v1, v0;
	v17 =	vcombine.low v11, v2  }
0x34: {  	s26 =	simm.s32 $0x10200;
	s11 =	sor.u32 s4, s7;
	s13 =	sadd.s32 s0, s9;
	v0 =	vsel vm0, v14, v13;
	v2 =	vimm.s32 $0xB9A89786;
	v11 =	vimm.s32 $0xFDECDBCA  }
0x35: {  	s9 =	sadd.s32 s1, s9;
	s19 =	sadd.s32 s0, s12;
	[dreg:$0x5] =	wrdreg s13;
	v13 =	vimm.s32 $0xFEEDDCCB;
	v14 =	vimm.s32 $0x3221100F;
	v1 =	vsel vm0, v15, v12  }
0x36: {  	s20 =	sadd.s32 s1, s12;
	s21 =	sor.u32 s7, s17;
	[dreg:$0x6] =	wrdreg s9;
	v12 =	vimm.s32 $0xBAA99887;
	v13 =	vunpack.c.0.s8.s32 v13;
	v14 =	vunpack.c.0.s8.s32 v14  }
0x37: {  	s10 =	sor.u32 s7, s22;
	s3 =	sadd.s32 $0x600, s3;
	[dreg:$0x8] =	wrdreg s19;
	v15 =	vcombine.low v1, v0;
	v0 =	vunpack.c.0.s8.s32 v2;
	v1 =	vunpack.c.0.s8.s32 v11  }
0x38: {  	s22 =	sor.u32 $0x3000, s4;
	s11 =	sshrl.u32 s11, $0x3;
	[dreg:$0x9] =	wrdreg s20;
	v2 =	vimm.s32 $0x31201F0E;
	v11 =	vimm.s32 $0x75645342;
	v12 =	vunpack.c.0.s8.s32 v12  }
0x39: {  	s9 =	sshrl.u32 s21, $0x3;
	[dreg:$0xe] =	wrdreg s3;
	s18 =	sadd.s32 s2, s11;
	v2 =	vunpack.c.0.s8.s32 v2;
	v11 =	vunpack.c.0.s8.s32 v11;
	v21 =	vsel vm0, v1, v0  }
0x3a: {  	s4 =	simm.s32 $0x2;
	s9 =	sadd.s32 s2, s9;
	[dreg:$0x7] =	wrdreg s18;
	v0 =	vimm.f32 $0.0e+00;
	v12 =	vsel vm0, v13, v12;
	v1 =	vlaneseq.u32  }
0x3b: {  	s10 =	sshrl.u32 s10, $0x3;
	s11 =	sadd.s32 s0, s24;
	[dreg:$0xa] =	wrdreg s9;
	v13 =	vsel vm0, v20, v14;
	v14 =	vand.u32 $0xFF, v17;
	v22 =	vsel vm0, v11, v2  }
0x3c: {  	s3 =	simm.s32 $0x3;
	s25 =	sadd.s32 s2, s10;
	[dreg:$0xb] =	wrdreg s11;
	v11 =	vand.u32 $0xFF, v18;
	v20 =	vcombine.low v13, v12;
	v18 =	vcombine.low v22, v21  }
0x3d: {  	s9 =	sadd.s32 s1, s24;
	[dreg:$0xd] =	wrdreg s25;
	s24 =	simm.s32 $0x40000;
	v15 =	vand.u32 $0xFF, v15;
	v2 =	vimm.f32 $1.000000000e+00;
	v12 =	vand.u32 $0xFF, v19  }
0x3e: {  	s25 =	simm.s32 $0x4;
	[dreg:$0xc] =	wrdreg s9;
	s9 =	simm.s32 $0x0;
	v13 =	vand.u32 $0xFF, v16;
	v17 =	vand.u32 $0xFF, v20;
	v16 =	vand.u32 $0xFF, v18  }
.LBB2_1:
0x3f: {  	s10 =	simm.s32 $0x0  }
.LBB2_2:
0x40: {  	p0 =	sne.s32 s10, $0x83C0  }
.Ltmp0:
0x41: {  	_ = 	snop;
	(pc) =	sbr.rel @p0 .LBB2_2-.Ltmp0, $4  }
0x42: {  	_ = 	snop  }
0x43: {  	s11 =	sshra.s32 s10, $0x2  }
0x44: {  	[tilespmem:s11+$0x0] =	vst v0  }
0x45: {  	s10 =	sadd.s32 $0x40, s10;
	[tilespmem:s11+$0x2100] =	vst v0  }
0x46: {  	s10 =	simm.s32 $0x40;
	s11 =	simm.s32 $0x0  }
.LBB2_4:
0x47: {  	p0 =	sne.s32 s10, $0x11C0;
	[tilespmem:s11+$0x18200] =	vst v0;
	s11 =	smov.u32 s10;
	s10 =	sadd.s32 $0x40, s10  }
.Ltmp1:
0x48: {  	(pc) =	sbr.rel @p0 .LBB2_4-.Ltmp1, $2  }
0x49: {  	_ =	sdelay $0x2  }
0x4a: {  	s11 =	sshra.s32 s11, $0x2  }
0x4b: {  	[tilespmem:s11+$0x18200] =	vst v0;
	s8 =	rddreg [dreg:$0x5];
	s10 =	simm.s32 $0x4200  }
0x4c: {  	[tilespmem:s10], [sflag:$0x1] =	stream.strided.gather [hbm4b:s8+s23], $0x2000, s24, s23, $0x38;
	[tilespmem:$0x18680] =	vst v63  }
0x4d: {  	s11 =	rddreg [dreg:$0x6];
	s12 =	simm.s32 $0x6200  }
0x4e: {  	[tilespmem:s12], [sflag:$0x1] =	stream.strided.gather [hbm4b:s11+s23], $0x2000, s24, s23, $0x38;
	[tilespmem:$0x18680] =	vst v63  }
0x4f: {  	s13 =	rddreg [dreg:$0x7];
	s17 =	simm.s32 $0x14200;
	s10 =	simm.s32 $0x0  }
0x50: {  	[tilespmem:s17], [sflag:$0x1] =	stream.linear.gather [hbm4b:s13+s10], $0x1000, $0x38;
	[tilespmem:$0x18680] =	vst v63  }
0x51: {  	s18 =	rddreg [dreg:$0x8];
	s19 =	simm.s32 $0x8200  }
0x52: {  	[tilespmem:s19], [sflag:$0x2] =	stream.strided.gather [hbm4b:s18+s23], $0x2000, s24, s23, $0x38;
	[tilespmem:$0x18680] =	vst v63  }
0x53: {  	s20 =	rddreg [dreg:$0x9];
	s21 =	simm.s32 $0xA200  }
0x54: {  	[tilespmem:s21], [sflag:$0x2] =	stream.strided.gather [hbm4b:s20+s23], $0x2000, s24, s23, $0x38;
	[tilespmem:$0x18680] =	vst v63  }
0x55: {  	s11 =	rddreg [dreg:$0xa];
	s12 =	simm.s32 $0x15200  }
0x56: {  	[tilespmem:s12], [sflag:$0x2] =	stream.linear.gather [hbm4b:s11+s10], $0x1000, $0x38;
	[tilespmem:$0x18680] =	vst v63  }
0x57: {  	s13 =	rddreg [dreg:$0xb];
	s17 =	simm.s32 $0xC200  }
0x58: {  	[tilespmem:s17], [sflag:$0x3] =	stream.strided.gather [hbm4b:s13+s23], $0x2000, s24, s23, $0x38;
	[tilespmem:$0x18680] =	vst v63  }
0x59: {  	s18 =	rddreg [dreg:$0xc];
	s19 =	simm.s32 $0xE200  }
0x5a: {  	[tilespmem:s19], [sflag:$0x3] =	stream.strided.gather [hbm4b:s18+s23], $0x2000, s24, s23, $0x38;
	[tilespmem:$0x18680] =	vst v63  }
0x5b: {  	s20 =	rddreg [dreg:$0xd];
	s21 =	simm.s32 $0x16200;
	s11 =	simm.s32 $0x0  }
0x5c: {  	[tilespmem:s21], [sflag:$0x3] =	stream.linear.gather [hbm4b:s20+s10], $0x1000, $0x38;
	[tilespmem:$0x18680] =	vst v63  }
.LBB2_6:
0x5d: {  	s12 =	sshll.u32 s11, $0xE  }
0x5e: {  	s13 =	sor.u32 s22, s12  }
0x5f: {  	s17 =	sor.u32 s6, s13  }
0x60: {  	s17 =	sshrl.u32 s17, $0x3  }
0x61: {  	s13 =	sor.u32 s7, s13;
	s18 =	sadd.s32 s0, s17  }
0x62: {  	[tilespmem:s26], [sflag:$0x4] =	stream.strided.gather [hbm4b:s18+s23], $0x2000, s24, s23, $0x38;
	[tilespmem:$0x18680] =	vst v63  }
0x63: {  	s13 =	sshrl.u32 s13, $0x3;
	s17 =	sadd.s32 s1, s17  }
0x64: {  	[tilespmem:s28], [sflag:$0x4] =	stream.strided.gather [hbm4b:s17+s23], $0x2000, s24, s23, $0x38;
	[tilespmem:$0x18680] =	vst v63  }
0x65: {  	s13 =	sadd.s32 s2, s13  }
0x66: {  	[tilespmem:s29], [sflag:$0x4] =	stream.linear.gather [hbm4b:s13+s10], $0x1000, $0x38;
	[tilespmem:$0x18680] =	vst v63  }
0x67: {  	_ =	swait.ge [sflag:s30], $0x2000  }
0x68: {  	[sflag:s30] =	ssyncset.done $0x0  }
0x69: {  	[sflag:s30] =	ssyncadd.s32 $0xFFFFE000  }
0x6a: {  	_ =	swait.ge [sflag:s30], $0x2000  }
0x6b: {  	[sflag:s30] =	ssyncset.done $0x0  }
0x6c: {  	[sflag:s30] =	ssyncadd.s32 $0xFFFFE000  }
0x6d: {  	_ =	swait.ge [sflag:s30], $0x1000  }
0x6e: {  	s18 =	sand.u32 $0x380, s10;
	s17 =	sand.u32 $0xC00, s10;
	[sflag:s30] =	ssyncset.done $0x0  }
0x6f: {  	s19 =	sand.u32 $0x3, s10;
	s13 =	sor.u32 s18, s17;
	[sflag:s30] =	ssyncadd.s32 $0xFFFFF000  }
0x70: {  	s20 =	sshll.u32 s19, $0xA;
	v18 =	vld [tilespmem:s13+$0x5270]  }
0x71: {  	s17 =	sadd.s32 $0x0, s20;
	v19 =	vld [tilespmem:s13+$0x6270]  }
0x72: {  	s21 =	sor.u32 $0x70, s17;
	v20 =	vld [tilespmem:s13+$0x7270]  }
0x73: {  	s17 =	sor.u32 $0x60, s17;
	v21 =	vld [tilespmem:s21+$0x4200]  }
0x74: {  	v23 =	vld [tilespmem:s17+$0x4200]  }
0x75: {  	v22 =	vld [tilespmem:s13+$0x4200]  }
0x76: {  	v24 =	vld [tilespmem:s13+$0x5200]  }
0x77: {  	v25 =	vld [tilespmem:s13+$0x6200]  }
0x78: {  	v26 =	vld [tilespmem:s13+$0x7200]  }
0x79: {  	v27 =	vld [tilespmem:s13+$0x4210]  }
0x7a: {  	v28 =	vld [tilespmem:s13+$0x5210]  }
0x7b: {  	v29 =	vld [tilespmem:s13+$0x6210]  }
0x7c: {  	v30 =	vld [tilespmem:s21+$0x14200]  }
0x7d: {  	v31 =	vld [tilespmem:s13+$0x5220]  }
0x7e: {  	v32 =	vld [tilespmem:s13+$0x6220]  }
0x7f: {  	v34 =	vld [tilespmem:s13+$0x6230]  }
0x80: {  	v35 =	vld [tilespmem:s13+$0x7240]  }
0x81: {  	v19 =	vsub.f32 v21, v19;
	v18 =	vsub.f32 v18, v20;
	v20 =	vld [tilespmem:s13+$0x7210]  }
0x82: {  	v21 =	vld [tilespmem:s13+$0x4220]  }
0x83: {  	v24 =	vsub.f32 v24, v26;
	v26 =	vld [tilespmem:s13+$0x5230];
	v19 =	vmul.f32 v19, v19;
	v18 =	vmul.f32 v18, v18  }
0x84: {  	v27 =	vsub.f32 v27, v29;
	v29 =	vld [tilespmem:s13+$0x7230]  }
0x85: {  	v51 =	vld [tilespmem:s13+$0x5250];
	v33 =	vadd.f32 v18, v19  }
0x86: {  	v19 =	vld [tilespmem:s13+$0x7220];
	v18 =	vsub.f32 v22, v25  }
0x87: {  	vm0 =	veq.s32 v30, $0x0;
	v24 =	vmul.f32 v24, v24;
	v22 =	vld [tilespmem:s13+$0x4230];
	v25 =	vshrl.u32 v33, $0x13  }
0x88: {  	v20 =	vsub.f32 v28, v20;
	v28 =	vld [tilespmem:s13+$0x4240];
	v18 =	vmul.f32 v18, v18;
	v25 =	vmax.u32 v25, $0x6F0  }
0x89: {  	v21 =	vsub.f32 v21, v32;
	v26 =	vsub.f32 v26, v29;
	v29 =	vld [tilespmem:s13+$0x7250];
	v25 =	vmin.u32 v25, $0x8EF  }
0x8a: {  	v18 =	vadd.f32 v24, v18;
	v24 =	vmul.f32 v27, v27;
	v27 =	vld [tilespmem:s13+$0x5240];
	v25 =	vadd.s32 $0xFFFF918, v25  }
0x8b: {  	v20 =	vmul.f32 v20, v20;
	v25 =	vsel vm0, v25, v30;
	v30 =	vsub.f32 v31, v19;
	v31 =	vld [tilespmem:s13+$0x6240]  }
0x8c: {  	v52 =	vld [tilespmem:s13+$0x6250];
	v26 =	vmul.f32 v26, v26;
	v22 =	vsub.f32 v22, v34;
	v50 =	vshrl.u32 v18, $0x13  }
0x8d: {  	v37 =	vld [tilespmem:s13+$0x5260];
	v19 =	vadd.f32 v20, v24;
	v20 =	vmul.f32 v21, v21;
	v21 =	vmul.f32 v30, v30  }
0x8e: {  	v24 =	vld [tilespmem:s13+$0x4250];
	v29 =	vsub.f32 v51, v29;
	v22 =	vmul.f32 v22, v22;
	v30 =	vmax.u32 v50, $0x6F0  }
0x8f: {  	v55 =	vld [tilespmem:s13+$0x7260];
	v36 =	vshrl.u32 v19, $0x13;
	v27 =	vsub.f32 v27, v35;
	v20 =	vadd.f32 v21, v20  }
0x90: {  	v21 =	vmin.u32 v30, $0x8EF;
	v30 =	vmax.u32 v36, $0x6F0;
	v28 =	vsub.f32 v28, v31;
	v31 =	vld [tilespmem:s13+$0x6260]  }
0x91: {  	v56 =	vld [tilespmem:s13+$0x14200];
	v30 =	vmin.u32 v30, $0x8EF;
	v54 =	vadd.s32 $0xFFFF918, v21;
	v21 =	vadd.f32 v26, v22  }
0x92: {  	v26 =	vmul.f32 v27, v27;
	v53 =	vshrl.u32 v20, $0x13;
	v22 =	vmul.f32 v28, v28  }
0x93: {  	v57 =	vld [tilespmem:s13+$0x14210];
	v24 =	vsub.f32 v24, v52;
	v38 =	vadd.s32 $0xFFFF918, v30;
	v30 =	vmax.u32 v53, $0x6F0  }
0x94: {  	v39 =	vld [tilespmem:s13+$0x14220];
	v27 =	vmin.u32 v30, $0x8EF;
	v30 =	vshrl.u32 v21, $0x13;
	v22 =	vadd.f32 v26, v22  }
0x95: {  	v58 =	vld [tilespmem:s13+$0x14230];
	v26 =	vmax.u32 v30, $0x6F0;
	v30 =	vsub.f32 v23, v31;
	v31 =	vsub.f32 v37, v55  }
0x96: {  	vm12 =	veq.s32 v56, $0x0;
	v29 =	vmul.f32 v29, v29;
	v28 =	vld [tilespmem:s17+$0x14200];
	v24 =	vmul.f32 v24, v24  }
0x97: {  	v23 =	vshrl.u32 v22, $0x13;
	v30 =	vmul.f32 v30, v30;
	v31 =	vmul.f32 v31, v31  }
0x98: {  	vm1 =	veq.s32 v57, $0x0;
	v59 =	vmax.u32 v23, $0x6F0;
	v23 =	vadd.f32 v29, v24;
	v24 =	vld [tilespmem:s13+$0x14240]  }
0x99: {  	vm2 =	veq.s32 v39, $0x0;
	v25 =	vshll.u32 v25, $0x4;
	v30 =	vadd.f32 v31, v30;
	v31 =	vld [tilespmem:s13+$0x14250]  }
0x9a: {  	vm3 =	veq.s32 v58, $0x0;
	v25 =	vor.u32 v1, v25;
	v32 =	vsel vm12, v54, v56  }
0x9b: {  	vm13 =	veq.s32 v28, $0x0;
	v29 =	vmin.u32 v59, $0x8EF;
	v60 =	vshrl.u32 v23, $0x13  }
0x9c: {  	v29 =	vadd.s32 $0xFFFF918, v29;
	v35 =	vmax.u32 v60, $0x6F0;
	v61 =	vshrl.u32 v30, $0x13  }
0x9d: {  	v35 =	vmin.u32 v35, $0x8EF;
	vm14 =	veq.s32 v24, $0x0;
	v37 =	vmax.u32 v61, $0x6F0  }
0x9e: {  	v35 =	vadd.s32 $0xFFFF918, v35;
	v62 =	vmin.u32 v37, $0x8EF;
	vm15 =	veq.s32 v31, $0x0  }
0x9f: {  	v24 =	vsel vm14, v29, v24;
	v29 =	vsel vm15, v35, v31;
	v31 =	vadd.s32 $0xFFFF918, v62  }
0xa0: {  	v34 =	vsel vm1, v38, v57;
	v32 =	vshll.u32 v32, $0x4;
	v28 =	vsel vm13, v31, v28  }
0xa1: {  	v27 =	vadd.s32 $0xFFFF918, v27;
	v26 =	vmin.u32 v26, $0x8EF;
	v28 =	vshll.u32 v28, $0x4  }
0xa2: {  	v27 =	vsel vm2, v27, v39;
	v26 =	vadd.s32 $0xFFFF918, v26;
	v31 =	vor.u32 v1, v28  }
0xa3: {  	v34 =	vshll.u32 v34, $0x4;
	v27 =	vshll.u32 v27, $0x4;
	v26 =	vsel vm3, v26, v58  }
0xa4: {  	[tilespmem:v25+s5+$0x0] =	vst.idx.add.f32.msk $0xffff, v2;
	v27 =	vor.u32 v1, v27;
	v26 =	vshll.u32 v26, $0x4;
	v24 =	vshll.u32 v24, $0x4  }
0xa5: {  	s19 =	simm.s32 $0x0;
	[tilespmem:v25+s31+$0x0] =	vst.idx.add.f32.msk $0xffff, v33;
	v26 =	vor.u32 v1, v26;
	v25 =	vor.u32 v1, v24;
	v63 =	vshll.u32 v29, $0x4  }
0xa6: {  	s18 =	simm.s32 $0x400;
	s17 =	simm.s32 $0x20;
	s13 =	simm.s32 $0x0;
	v29 =	vor.u32 v1, v32;
	v24 =	vor.u32 v1, v63;
	v28 =	vor.u32 v1, v34  }
.LBB2_7:
0xa7: {  	s20 =	sand.u32 $0xC00, s18;
	s21 =	sand.u32 $0x380, s17;
	[tilespmem:v31+s5+$0x0] =	vst.idx.add.f32.msk $0xffff, v2;
	s19 =	sadd.s32 $0x1, s19  }
0xa8: {  	s8 =	sand.u32 $0x3, s19;
	s20 =	sor.u32 s21, s20;
	[tilespmem:v31+s31+$0x0] =	vst.idx.add.f32.msk $0xffff, v30  }
0xa9: {  	s13 =	sadd.s32 $0x8, s13;
	s8 =	sshll.u32 s8, $0xA;
	v30 =	vld [tilespmem:s20+$0x5270]  }
0xaa: {  	p0 =	slt.u32 s13, $0xF8;
	s8 =	sadd.s32 s8, s17;
	v31 =	vld [tilespmem:s20+$0x6270]  }
0xab: {  	s21 =	sor.u32 $0x60, s8;
	s8 =	sor.u32 $0x70, s8;
	v32 =	vld [tilespmem:s20+$0x7270]  }
0xac: {  	v33 =	vld [tilespmem:s8+$0x4200]  }
0xad: {  	v34 =	vld [tilespmem:s21+$0x4200]  }
0xae: {  	v35 =	vld [tilespmem:s20+$0x4200]  }
0xaf: {  	v36 =	vld [tilespmem:s20+$0x5200]  }
0xb0: {  	v37 =	vld [tilespmem:s20+$0x6200]  }
0xb1: {  	v30 =	vsub.f32 v30, v32;
	v38 =	vld [tilespmem:s20+$0x7200];
	v31 =	vsub.f32 v33, v31  }
0xb2: {  	v32 =	vld [tilespmem:s20+$0x4210]  }
0xb3: {  	v30 =	vmul.f32 v30, v30;
	v33 =	vld [tilespmem:s20+$0x5210];
	v31 =	vmul.f32 v31, v31  }
0xb4: {  	v39 =	vld [tilespmem:s20+$0x6210]  }
0xb5: {  	v35 =	vsub.f32 v35, v37;
	v37 =	vld [tilespmem:s8+$0x14200];
	v30 =	vadd.f32 v30, v31  }
0xb6: {  	v31 =	vsub.f32 v36, v38;
	v36 =	vld [tilespmem:s20+$0x7210]  }
0xb7: {  	v35 =	vmul.f32 v35, v35;
	v38 =	vld [tilespmem:s20+$0x4220];
	v40 =	vshrl.u32 v30, $0x13  }
0xb8: {  	v31 =	vmul.f32 v31, v31;
	v41 =	vld [tilespmem:s20+$0x5220];
	v40 =	vmax.u32 v40, $0x6F0  }
0xb9: {  	v32 =	vsub.f32 v32, v39;
	v39 =	vld [tilespmem:s20+$0x6220];
	v40 =	vmin.u32 v40, $0x8EF  }
0xba: {  	v31 =	vadd.f32 v31, v35;
	v35 =	vld [tilespmem:s20+$0x7220];
	v40 =	vadd.s32 $0xFFFF918, v40;
	vm0 =	veq.s32 v37, $0x0  }
0xbb: {  	v33 =	vsub.f32 v33, v36;
	v32 =	vmul.f32 v32, v32;
	v36 =	vld [tilespmem:s20+$0x4230];
	v37 =	vsel vm0, v40, v37  }
0xbc: {  	v40 =	vshrl.u32 v31, $0x13;
	v42 =	vld [tilespmem:s20+$0x5230];
	v37 =	vshll.u32 v37, $0x4  }
0xbd: {  	v40 =	vmax.u32 v40, $0x6F0;
	v33 =	vmul.f32 v33, v33;
	v43 =	vld [tilespmem:s20+$0x6230];
	v37 =	vor.u32 v1, v37  }
0xbe: {  	v40 =	vmin.u32 v40, $0x8EF;
	v38 =	vsub.f32 v38, v39;
	v39 =	vld [tilespmem:s20+$0x7230]  }
0xbf: {  	v40 =	vadd.s32 $0xFFFF918, v40;
	v32 =	vadd.f32 v33, v32;
	v33 =	vsub.f32 v41, v35;
	v35 =	vld [tilespmem:s20+$0x4240]  }
0xc0: {  	v38 =	vmul.f32 v38, v38;
	v41 =	vld [tilespmem:s20+$0x5240]  }
0xc1: {  	v44 =	vshrl.u32 v32, $0x13;
	v33 =	vmul.f32 v33, v33;
	v45 =	vld [tilespmem:s20+$0x6240]  }
0xc2: {  	v44 =	vmax.u32 v44, $0x6F0;
	v36 =	vsub.f32 v36, v43;
	[tilespmem:v37+s5+$0x0] =	vst.idx.add.f32.msk $0xffff, v2  }
0xc3: {  	v43 =	vmin.u32 v44, $0x8EF;
	v33 =	vadd.f32 v33, v38;
	v38 =	vsub.f32 v42, v39;
	[tilespmem:v37+s31+$0x0] =	vst.idx.add.f32.msk $0xffff, v30  }
0xc4: {  	v37 =	vadd.s32 $0xFFFF918, v43;
	v30 =	vmul.f32 v36, v36;
	v36 =	vld [tilespmem:s20+$0x7240]  }
0xc5: {  	v39 =	vshrl.u32 v33, $0x13;
	v38 =	vmul.f32 v38, v38;
	v42 =	vld [tilespmem:s20+$0x4250]  }
0xc6: {  	v39 =	vmax.u32 v39, $0x6F0;
	v35 =	vsub.f32 v35, v45;
	v43 =	vld [tilespmem:s20+$0x5250]  }
0xc7: {  	v39 =	vmin.u32 v39, $0x8EF;
	v38 =	vadd.f32 v38, v30;
	v30 =	vld [tilespmem:s20+$0x6250]  }
0xc8: {  	v39 =	vadd.s32 $0xFFFF918, v39;
	v35 =	vmul.f32 v35, v35;
	v44 =	vld [tilespmem:s20+$0x7250]  }
0xc9: {  	v45 =	vshrl.u32 v38, $0x13;
	v36 =	vsub.f32 v41, v36;
	v41 =	vld [tilespmem:s20+$0x5260]  }
0xca: {  	v45 =	vmax.u32 v45, $0x6F0;
	v46 =	vld [tilespmem:s20+$0x6260]  }
0xcb: {  	v45 =	vmin.u32 v45, $0x8EF;
	v36 =	vmul.f32 v36, v36;
	v47 =	vld [tilespmem:s20+$0x7260]  }
0xcc: {  	v45 =	vadd.s32 $0xFFFF918, v45;
	v30 =	vsub.f32 v42, v30;
	v42 =	vld [tilespmem:s21+$0x14200]  }
0xcd: {  	v48 =	vld [tilespmem:s20+$0x14200];
	v35 =	vadd.f32 v36, v35;
	v36 =	vsub.f32 v43, v44  }
0xce: {  	v43 =	vld [tilespmem:s20+$0x14210];
	v30 =	vmul.f32 v30, v30  }
0xcf: {  	v44 =	vld [tilespmem:s20+$0x14220];
	v49 =	vshrl.u32 v35, $0x13;
	v36 =	vmul.f32 v36, v36;
	v34 =	vsub.f32 v34, v46  }
0xd0: {  	v46 =	vld [tilespmem:s20+$0x14230];
	v49 =	vmax.u32 v49, $0x6F0;
	v41 =	vsub.f32 v41, v47  }
0xd1: {  	v47 =	vld [tilespmem:s20+$0x14240];
	v49 =	vmin.u32 v49, $0x8EF;
	v36 =	vadd.f32 v36, v30;
	v30 =	vmul.f32 v34, v34  }
0xd2: {  	vm0 =	veq.s32 v42, $0x0;
	v34 =	vadd.s32 $0xFFFF918, v49;
	v49 =	vld [tilespmem:s20+$0x14250];
	v41 =	vmul.f32 v41, v41  }
0xd3: {  	vm1 =	veq.s32 v48, $0x0;
	vm2 =	veq.s32 v43, $0x0;
	v50 =	vshrl.u32 v36, $0x13;
	[tilespmem:v29+s5+$0x0] =	vst.idx.add.f32.msk $0xffff, v2  }
0xd4: {  	vm3 =	veq.s32 v44, $0x0;
	v50 =	vmax.u32 v50, $0x6F0;
	v30 =	vadd.f32 v41, v30;
	[tilespmem:v29+s31+$0x0] =	vst.idx.add.f32.msk $0xffff, v18;
	v18 =	vmovc v31  }
0xd5: {  	v29 =	vsel vm1, v40, v48;
	vm1 =	veq.s32 v46, $0x0;
	v31 =	vmin.u32 v50, $0x8EF;
	[tilespmem:v28+s5+$0x0] =	vst.idx.add.f32.msk $0xffff, v2  }
0xd6: {  	vm4 =	veq.s32 v47, $0x0;
	v31 =	vadd.s32 $0xFFFF918, v31;
	v40 =	vshrl.u32 v30, $0x13;
	[tilespmem:v28+s31+$0x0] =	vst.idx.add.f32.msk $0xffff, v19;
	v19 =	vmovc v32  }
0xd7: {  	v28 =	vsel vm2, v37, v43;
	vm2 =	veq.s32 v49, $0x0;
	v32 =	vmax.u32 v40, $0x6F0;
	[tilespmem:v27+s5+$0x0] =	vst.idx.add.f32.msk $0xffff, v2  }
0xd8: {  	v37 =	vsel vm3, v39, v44;
	v39 =	vsel vm1, v45, v46;
	v32 =	vmin.u32 v32, $0x8EF;
	[tilespmem:v27+s31+$0x0] =	vst.idx.add.f32.msk $0xffff, v20  }
0xd9: {  	v27 =	vsel vm4, v34, v47;
	v31 =	vsel vm2, v31, v49;
	v34 =	vadd.s32 $0xFFFF918, v32;
	[tilespmem:v26+s5+$0x0] =	vst.idx.add.f32.msk $0xffff, v2  }
0xda: {  	v29 =	vshll.u32 v29, $0x4;
	v28 =	vshll.u32 v28, $0x4;
	v20 =	vmovc v33;
	v32 =	vsel vm0, v34, v42;
	[tilespmem:v26+s31+$0x0] =	vst.idx.add.f32.msk $0xffff, v21  }
0xdb: {  	v33 =	vshll.u32 v39, $0x4;
	v26 =	vshll.u32 v37, $0x4;
	v21 =	vmovc v38;
	v32 =	vshll.u32 v32, $0x4;
	[tilespmem:v25+s5+$0x0] =	vst.idx.add.f32.msk $0xffff, v2  }
.Ltmp2:
0xdc: {  	v34 =	vshll.u32 v27, $0x4;
	v37 =	vshll.u32 v31, $0x4;
	v31 =	vor.u32 v1, v32;
	[tilespmem:v25+s31+$0x0] =	vst.idx.add.f32.msk $0xffff, v22;
	v22 =	vmovc v35;
	(pc) =	sbr.rel @p0 .LBB2_7-.Ltmp2, $4  }
0xdd: {  	v29 =	vor.u32 v1, v29;
	v28 =	vor.u32 v1, v28;
	v27 =	vor.u32 v1, v26  }
0xde: {  	v26 =	vor.u32 v1, v33;
	v25 =	vor.u32 v1, v34;
	v32 =	vor.u32 v1, v37  }
0xdf: {  	[tilespmem:v24+s5+$0x0] =	vst.idx.add.f32.msk $0xffff, v2  }
0xe0: {  	s18 =	sadd.s32 $0x400, s18;
	s17 =	sadd.s32 $0x20, s17;
	[tilespmem:v24+s31+$0x0] =	vst.idx.add.f32.msk $0xffff, v23;
	v23 =	vmov v36;
	v24 =	vmov v32  }
0xe1: {  	_ =	sdelay $0x3  }
0xe2: {  	[tilespmem:v31+s5+$0x0] =	vst.idx.add.f32.msk $0xffff, v2  }
0xe3: {  	[tilespmem:v29+s5+$0x0] =	vst.idx.add.f32.msk $0xffff, v2  }
0xe4: {  	[tilespmem:v28+s5+$0x0] =	vst.idx.add.f32.msk $0xffff, v2  }
0xe5: {  	[tilespmem:v27+s5+$0x0] =	vst.idx.add.f32.msk $0xffff, v2  }
0xe6: {  	[tilespmem:v26+s5+$0x0] =	vst.idx.add.f32.msk $0xffff, v2  }
0xe7: {  	[tilespmem:v25+s5+$0x0] =	vst.idx.add.f32.msk $0xffff, v2  }
0xe8: {  	[tilespmem:v24+s5+$0x0] =	vst.idx.add.f32.msk $0xffff, v2  }
0xe9: {  	[tilespmem:v31+s31+$0x0] =	vst.idx.add.f32.msk $0xffff, v30  }
0xea: {  	[tilespmem:v29+s31+$0x0] =	vst.idx.add.f32.msk $0xffff, v18  }
0xeb: {  	p0 =	seq.s32 s11, $0x7;
	[tilespmem:v28+s31+$0x0] =	vst.idx.add.f32.msk $0xffff, v19  }
0xec: {  	[tilespmem:v27+s31+$0x0] =	vst.idx.add.f32.msk $0xffff, v20;
	s8 =	sadd.s32 @!p0 s12, s14  }
0xed: {  	[tilespmem:v26+s31+$0x0] =	vst.idx.add.f32.msk $0xffff, v21;
	s13 =	sor.u32 @!p0 s6, s8  }
0xee: {  	[tilespmem:v25+s31+$0x0] =	vst.idx.add.f32.msk $0xffff, v22;
	s18 =	simm.s32 @!p0 $0x1000;
	s19 =	simm.s32 @!p0 $0x40000;
	s13 =	sshrl.u32 @!p0 s13, $0x3  }
0xef: {  	[tilespmem:v24+s31+$0x0] =	vst.idx.add.f32.msk $0xffff, v23;
	s20 =	simm.s32 @!p0 $0x4200;
	s8 =	sadd.s32 @!p0 s7, s8;
	s17 =	sadd.s32 @!p0 s0, s13  }
0xf0: {  	[tilespmem:s20], [sflag:$0x1] =	stream.strided.gather @!p0 [hbm4b:s17+s18], $0x2000, s19, s18, $0x38;
	[tilespmem:$0x18680] =	vst v63  }
0xf1: {  	s8 =	sshrl.u32 @!p0 s8, $0x3;
	s13 =	sadd.s32 @!p0 s1, s13;
	s17 =	simm.s32 @!p0 $0x6200  }
0xf2: {  	[tilespmem:s17], [sflag:$0x1] =	stream.strided.gather @!p0 [hbm4b:s13+s18], $0x2000, s19, s18, $0x38;
	[tilespmem:$0x18680] =	vst v63  }
0xf3: {  	s8 =	sadd.s32 @!p0 s2, s8;
	s13 =	simm.s32 @!p0 $0x0;
	s17 =	simm.s32 @!p0 $0x14200  }
0xf4: {  	[tilespmem:s17], [sflag:$0x1] =	stream.linear.gather @!p0 [hbm4b:s8+s13], $0x1000, $0x38;
	[tilespmem:$0x18680] =	vst v63  }
0xf5: {  	_ =	swait.ge [sflag:s4], $0x2000  }
0xf6: {  	[sflag:s4] =	ssyncset.done $0x0  }
0xf7: {  	[sflag:s4] =	ssyncadd.s32 $0xFFFFE000  }
0xf8: {  	_ =	swait.ge [sflag:s4], $0x2000  }
0xf9: {  	[sflag:s4] =	ssyncset.done $0x0  }
0xfa: {  	[sflag:s4] =	ssyncadd.s32 $0xFFFFE000  }
0xfb: {  	s19 =	simm.s32 $0x0;
	_ =	swait.ge [sflag:s4], $0x1000  }
0xfc: {  	s20 =	sand.u32 $0xC00, s19;
	s8 =	sand.u32 $0x380, s19;
	[sflag:s4] =	ssyncset.done $0x0  }
0xfd: {  	s13 =	sor.u32 s8, s20;
	[sflag:s4] =	ssyncadd.s32 $0xFFFFF000  }
0xfe: {  	v18 =	vld [tilespmem:s13+$0x8270]  }
0xff: {  	v19 =	vld [tilespmem:s13+$0x9270]  }
0x100: {  	v20 =	vld [tilespmem:s13+$0xA270]  }
0x101: {  	v21 =	vld [tilespmem:s13+$0xB270]  }
0x102: {  	v22 =	vld [tilespmem:s13+$0x8200]  }
0x103: {  	v23 =	vld [tilespmem:s13+$0x9200]  }
0x104: {  	v24 =	vld [tilespmem:s13+$0xA200]  }
0x105: {  	v25 =	vld [tilespmem:s13+$0xB200]  }
0x106: {  	v26 =	vld [tilespmem:s13+$0x8210]  }
0x107: {  	v27 =	vld [tilespmem:s13+$0x9210]  }
0x108: {  	s21 =	sadd.s32 $0x14200, s13;
	v28 =	vld [tilespmem:s13+$0xA210]  }
0x109: {  	v30 =	vld [tilespmem:s21+$0x1070]  }
0x10a: {  	v31 =	vld [tilespmem:s13+$0xA220]  }
0x10b: {  	v38 =	vld [tilespmem:s21+$0x1010]  }
0x10c: {  	v55 =	vld [tilespmem:s21+$0x1030]  }
0x10d: {  	v56 =	vld [tilespmem:s13+$0x15200]  }
0x10e: {  	v57 =	vld [tilespmem:s21+$0x1060]  }
0x10f: {  	v18 =	vsub.f32 v18, v20;
	v20 =	vld [tilespmem:s13+$0x8220]  }
0x110: {  	v19 =	vsub.f32 v19, v21;
	v21 =	vld [tilespmem:s13+$0x9220]  }
0x111: {  	v22 =	vsub.f32 v22, v24;
	v24 =	vld [tilespmem:s13+$0xB220]  }
0x112: {  	v29 =	vld [tilespmem:s13+$0xB210];
	v23 =	vsub.f32 v23, v25;
	v26 =	vsub.f32 v26, v28  }
0x113: {  	v32 =	vld [tilespmem:s13+$0x9230];
	vm0 =	veq.s32 v30, $0x0;
	v18 =	vmul.f32 v18, v18;
	v19 =	vmul.f32 v19, v19  }
0x114: {  	v33 =	vld [tilespmem:s13+$0xA230];
	vm11 =	veq.s32 v38, $0x0;
	vm12 =	veq.s32 v55, $0x0;
	vm14 =	veq.s32 v56, $0x0  }
0x115: {  	v25 =	vadd.f32 v19, v18;
	v19 =	vld [tilespmem:s13+$0x8230];
	v18 =	vmul.f32 v22, v22;
	v22 =	vmul.f32 v23, v23  }
0x116: {  	vm15 =	veq.s32 v57, $0x0;
	v20 =	vsub.f32 v20, v31;
	v21 =	vsub.f32 v21, v24;
	v24 =	vld [tilespmem:s13+$0xB240]  }
0x117: {  	v23 =	vshrl.u32 v25, $0x13;
	v22 =	vadd.f32 v22, v18;
	v18 =	vsub.f32 v27, v29;
	v29 =	vld [tilespmem:s13+$0x9240]  }
0x118: {  	v28 =	vld [tilespmem:s13+$0xB230];
	v26 =	vmul.f32 v26, v26;
	v23 =	vmax.u32 v23, $0x6F0;
	v20 =	vmul.f32 v20, v20  }
0x119: {  	v35 =	vld [tilespmem:s13+$0xA240];
	v21 =	vmul.f32 v21, v21;
	v23 =	vmin.u32 v23, $0x8EF;
	v18 =	vmul.f32 v18, v18  }
0x11a: {  	v27 =	vld [tilespmem:s13+$0x8240];
	v34 =	vshrl.u32 v22, $0x13;
	v23 =	vadd.s32 $0xFFFF918, v23;
	v31 =	vsub.f32 v19, v33  }
0x11b: {  	v49 =	vld [tilespmem:s13+$0x9250];
	v23 =	vsel vm0, v23, v30;
	v30 =	vmax.u32 v34, $0x6F0;
	v18 =	vadd.f32 v18, v26  }
0x11c: {  	v26 =	vld [tilespmem:s13+$0x8250];
	v23 =	vshll.u32 v23, $0x4;
	v24 =	vsub.f32 v29, v24;
	v29 =	vmin.u32 v30, $0x8EF  }
0x11d: {  	v50 =	vor.u32 v1, v23;
	v19 =	vshrl.u32 v18, $0x13;
	v23 =	vsub.f32 v32, v28;
	v28 =	vld [tilespmem:s13+$0xA250]  }
0x11e: {  	v51 =	vmax.u32 v19, $0x6F0;
	v19 =	vadd.f32 v21, v20;
	v20 =	vmul.f32 v31, v31;
	v31 =	vld [tilespmem:s13+$0xB250]  }
0x11f: {  	v53 =	vld [tilespmem:s13+$0x9260];
	v29 =	vadd.s32 $0xFFFF918, v29;
	v21 =	vmul.f32 v23, v23;
	v23 =	vsub.f32 v27, v35  }
0x120: {  	v29 =	vsel vm14, v29, v56;
	v27 =	vld [tilespmem:s13+$0x8260];
	v30 =	vmin.u32 v51, $0x8EF;
	v52 =	vshrl.u32 v19, $0x13  }
0x121: {  	v20 =	vadd.f32 v21, v20;
	v21 =	vmul.f32 v23, v23;
	v23 =	vmul.f32 v24, v24;
	v24 =	vld [tilespmem:s13+$0xA260]  }
0x122: {  	v36 =	vld [tilespmem:s13+$0xB260];
	v29 =	vshll.u32 v29, $0x4;
	v30 =	vadd.s32 $0xFFFF918, v30;
	v32 =	vmax.u32 v52, $0x6F0  }
0x123: {  	v30 =	vsel vm11, v30, v38;
	v26 =	vsub.f32 v26, v28;
	v28 =	vsub.f32 v49, v31  }
0x124: {  	v32 =	vmin.u32 v32, $0x8EF;
	v37 =	vshrl.u32 v20, $0x13;
	v21 =	vadd.f32 v23, v21  }
0x125: {  	v31 =	vld [tilespmem:s21+$0x1020];
	v23 =	vmax.u32 v37, $0x6F0;
	v26 =	vmul.f32 v26, v26;
	v28 =	vmul.f32 v28, v28  }
0x126: {  	v30 =	vshll.u32 v30, $0x4;
	v23 =	vmin.u32 v23, $0x8EF;
	v24 =	vsub.f32 v27, v24  }
0x127: {  	v39 =	vadd.s32 $0xFFFF918, v23;
	v23 =	vadd.f32 v28, v26;
	v28 =	vsub.f32 v53, v36  }
0x128: {  	v32 =	vadd.s32 $0xFFFF918, v32;
	v30 =	vor.u32 v1, v30;
	v54 =	vshrl.u32 v21, $0x13  }
0x129: {  	v33 =	vmax.u32 v54, $0x6F0;
	v26 =	vld [tilespmem:s21+$0x1050];
	v24 =	vmul.f32 v24, v24;
	v28 =	vmul.f32 v28, v28  }
0x12a: {  	v27 =	vld [tilespmem:s21+$0x1040];
	v33 =	vmin.u32 v33, $0x8EF;
	v59 =	vsel vm12, v39, v55;
	vm1 =	veq.s32 v31, $0x0  }
0x12b: {  	v31 =	vsel vm1, v32, v31;
	v58 =	vshrl.u32 v23, $0x13;
	v24 =	vadd.f32 v28, v24  }
0x12c: {  	v33 =	vadd.s32 $0xFFFF918, v33;
	v32 =	vmax.u32 v58, $0x6F0;
	v62 =	vshll.u32 v31, $0x4  }
0x12d: {  	v31 =	vor.u32 v1, v29;
	v32 =	vmin.u32 v32, $0x8EF;
	v60 =	vshrl.u32 v24, $0x13  }
0x12e: {  	v28 =	vadd.s32 $0xFFFF918, v32;
	vm2 =	veq.s32 v26, $0x0;
	v61 =	vmax.u32 v60, $0x6F0  }
0x12f: {  	vm13 =	veq.s32 v27, $0x0;
	v26 =	vsel vm2, v28, v26;
	v28 =	vmin.u32 v61, $0x8EF  }
0x130: {  	v29 =	vor.u32 v1, v62;
	v27 =	vsel vm13, v33, v27;
	v28 =	vadd.s32 $0xFFFF918, v28  }
0x131: {  	[tilespmem:v50+s5+$0x0] =	vst.idx.add.f32.msk $0xffff, v2;
	v32 =	vshll.u32 v59, $0x4;
	v27 =	vshll.u32 v27, $0x4;
	v28 =	vsel vm15, v28, v57  }
0x132: {  	[tilespmem:v50+s31+$0x0] =	vst.idx.add.f32.msk $0xffff, v25;
	v25 =	vshll.u32 v26, $0x4;
	v27 =	vor.u32 v1, v27;
	v63 =	vshll.u32 v28, $0x4  }
0x133: {  	s18 =	simm.s32 $0x400;
	s17 =	simm.s32 $0x20;
	s13 =	simm.s32 $0x0;
	v26 =	vor.u32 v1, v25;
	v28 =	vor.u32 v1, v32;
	v25 =	vor.u32 v1, v63  }
.LBB2_9:
0x134: {  	s8 =	sand.u32 $0xC00, s18;
	s19 =	sand.u32 $0x380, s17;
	[tilespmem:v31+s5+$0x0] =	vst.idx.add.f32.msk $0xffff, v2  }
0x135: {  	s19 =	sor.u32 s19, s8;
	[tilespmem:v31+s31+$0x0] =	vst.idx.add.f32.msk $0xffff, v22  }
0x136: {  	v22 =	vld [tilespmem:s19+$0x8270]  }
0x137: {  	v31 =	vld [tilespmem:s19+$0x9270]  }
0x138: {  	s13 =	sadd.s32 $0x8, s13;
	v32 =	vld [tilespmem:s19+$0xA270]  }
0x139: {  	p1 =	slt.u32 s13, $0xF8;
	v33 =	vld [tilespmem:s19+$0xB270]  }
0x13a: {  	v34 =	vld [tilespmem:s19+$0x8200]  }
0x13b: {  	v35 =	vld [tilespmem:s19+$0x9200]  }
0x13c: {  	v36 =	vld [tilespmem:s19+$0xA200]  }
0x13d: {  	v37 =	vld [tilespmem:s19+$0xB200]  }
0x13e: {  	v22 =	vsub.f32 v22, v32;
	v38 =	vld [tilespmem:s19+$0x8210];
	v31 =	vsub.f32 v31, v33  }
0x13f: {  	v32 =	vld [tilespmem:s19+$0x9210]  }
0x140: {  	v22 =	vmul.f32 v22, v22;
	v33 =	vld [tilespmem:s19+$0xA210];
	v31 =	vmul.f32 v31, v31  }
0x141: {  	s20 =	sadd.s32 $0x14200, s19;
	v34 =	vsub.f32 v34, v36;
	v36 =	vld [tilespmem:s19+$0xB210]  }
0x142: {  	v35 =	vsub.f32 v35, v37;
	v37 =	vld [tilespmem:s20+$0x1070];
	v31 =	vadd.f32 v31, v22  }
0x143: {  	v22 =	vmul.f32 v34, v34;
	v34 =	vld [tilespmem:s19+$0x8220]  }
0x144: {  	v35 =	vmul.f32 v35, v35;
	v39 =	vld [tilespmem:s19+$0x9220];
	v40 =	vshrl.u32 v31, $0x13  }
0x145: {  	v33 =	vsub.f32 v38, v33;
	v38 =	vld [tilespmem:s19+$0xA220];
	v40 =	vmax.u32 v40, $0x6F0  }
0x146: {  	v22 =	vadd.f32 v35, v22;
	v32 =	vsub.f32 v32, v36;
	v35 =	vld [tilespmem:s19+$0xB220];
	v36 =	vmin.u32 v40, $0x8EF  }
0x147: {  	v33 =	vmul.f32 v33, v33;
	v40 =	vld [tilespmem:s19+$0x8230];
	v36 =	vadd.s32 $0xFFFF918, v36;
	vm0 =	veq.s32 v37, $0x0  }
0x148: {  	v41 =	vshrl.u32 v22, $0x13;
	v32 =	vmul.f32 v32, v32;
	v42 =	vld [tilespmem:s19+$0x9230];
	v36 =	vsel vm0, v36, v37  }
0x149: {  	v37 =	vmax.u32 v41, $0x6F0;
	v41 =	vld [tilespmem:s19+$0xA230];
	v36 =	vshll.u32 v36, $0x4  }
0x14a: {  	v32 =	vadd.f32 v32, v33;
	v33 =	vsub.f32 v34, v38;
	v34 =	vld [tilespmem:s19+$0xB230];
	v36 =	vor.u32 v1, v36  }
0x14b: {  	v37 =	vmin.u32 v37, $0x8EF;
	v35 =	vsub.f32 v39, v35;
	v38 =	vld [tilespmem:s19+$0x8240]  }
0x14c: {  	v37 =	vadd.s32 $0xFFFF918, v37;
	v39 =	vshrl.u32 v32, $0x13;
	v33 =	vmul.f32 v33, v33;
	v43 =	vld [tilespmem:s19+$0x9240]  }
0x14d: {  	v39 =	vmax.u32 v39, $0x6F0;
	v35 =	vmul.f32 v35, v35;
	v44 =	vld [tilespmem:s19+$0xA240]  }
0x14e: {  	v39 =	vmin.u32 v39, $0x8EF;
	v40 =	vsub.f32 v40, v41;
	v41 =	vld [tilespmem:s19+$0xB240]  }
0x14f: {  	v39 =	vadd.s32 $0xFFFF918, v39;
	v33 =	vadd.f32 v35, v33;
	v34 =	vsub.f32 v42, v34;
	[tilespmem:v36+s5+$0x0] =	vst.idx.add.f32.msk $0xffff, v2  }
0x150: {  	v35 =	vmul.f32 v40, v40;
	[tilespmem:v36+s31+$0x0] =	vst.idx.add.f32.msk $0xffff, v31  }
0x151: {  	v31 =	vshrl.u32 v33, $0x13;
	v34 =	vmul.f32 v34, v34;
	v36 =	vld [tilespmem:s19+$0x8250]  }
0x152: {  	v31 =	vmax.u32 v31, $0x6F0;
	v38 =	vsub.f32 v38, v44;
	v40 =	vld [tilespmem:s19+$0x9250]  }
0x153: {  	v31 =	vmin.u32 v31, $0x8EF;
	v34 =	vadd.f32 v34, v35;
	v35 =	vsub.f32 v43, v41;
	v41 =	vld [tilespmem:s19+$0xA250]  }
0x154: {  	v31 =	vadd.s32 $0xFFFF918, v31;
	v38 =	vmul.f32 v38, v38;
	v42 =	vld [tilespmem:s19+$0xB250]  }
0x155: {  	v43 =	vshrl.u32 v34, $0x13;
	v35 =	vmul.f32 v35, v35;
	v44 =	vld [tilespmem:s19+$0x8260]  }
0x156: {  	v43 =	vmax.u32 v43, $0x6F0;
	v45 =	vld [tilespmem:s19+$0x9260]  }
0x157: {  	v43 =	vmin.u32 v43, $0x8EF;
	v35 =	vadd.f32 v35, v38;
	v38 =	vld [tilespmem:s19+$0xA260]  }
0x158: {  	v43 =	vadd.s32 $0xFFFF918, v43;
	v36 =	vsub.f32 v36, v41;
	v41 =	vld [tilespmem:s19+$0xB260]  }
0x159: {  	v46 =	vld [tilespmem:s20+$0x1010];
	v47 =	vshrl.u32 v35, $0x13;
	v40 =	vsub.f32 v40, v42  }
0x15a: {  	v42 =	vld [tilespmem:s20+$0x1020];
	v47 =	vmax.u32 v47, $0x6F0;
	v36 =	vmul.f32 v36, v36  }
0x15b: {  	v48 =	vld [tilespmem:s20+$0x1030];
	v47 =	vmin.u32 v47, $0x8EF;
	v40 =	vmul.f32 v40, v40  }
0x15c: {  	v49 =	vld [tilespmem:s20+$0x1040];
	v47 =	vadd.s32 $0xFFFF918, v47;
	v38 =	vsub.f32 v44, v38  }
0x15d: {  	v44 =	vld [tilespmem:s20+$0x1050];
	v36 =	vadd.f32 v40, v36;
	v40 =	vsub.f32 v45, v41  }
0x15e: {  	vm0 =	veq.s32 v46, $0x0;
	v41 =	vld [tilespmem:s20+$0x1060];
	v38 =	vmul.f32 v38, v38  }
0x15f: {  	v45 =	vld [tilespmem:s19+$0x15200];
	vm1 =	veq.s32 v42, $0x0;
	v50 =	vshrl.u32 v36, $0x13;
	v40 =	vmul.f32 v40, v40  }
0x160: {  	v39 =	vsel vm0, v39, v46;
	vm0 =	veq.s32 v48, $0x0;
	v46 =	vmax.u32 v50, $0x6F0;
	[tilespmem:v30+s5+$0x0] =	vst.idx.add.f32.msk $0xffff, v2  }
0x161: {  	vm2 =	veq.s32 v49, $0x0;
	v46 =	vmin.u32 v46, $0x8EF;
	v38 =	vadd.f32 v40, v38;
	[tilespmem:v30+s31+$0x0] =	vst.idx.add.f32.msk $0xffff, v18;
	v18 =	vmovc v32  }
0x162: {  	v30 =	vsel vm1, v31, v42;
	v31 =	vadd.s32 $0xFFFF918, v46;
	vm1 =	veq.s32 v44, $0x0;
	[tilespmem:v29+s5+$0x0] =	vst.idx.add.f32.msk $0xffff, v2  }
0x163: {  	v32 =	vsel vm0, v43, v48;
	v40 =	vshrl.u32 v38, $0x13;
	vm0 =	veq.s32 v41, $0x0;
	[tilespmem:v29+s31+$0x0] =	vst.idx.add.f32.msk $0xffff, v19;
	v19 =	vmovc v33  }
0x164: {  	v29 =	vsel vm2, v47, v49;
	vm3 =	veq.s32 v45, $0x0;
	v33 =	vmax.u32 v40, $0x6F0;
	[tilespmem:v28+s5+$0x0] =	vst.idx.add.f32.msk $0xffff, v2  }
0x165: {  	v31 =	vsel vm1, v31, v44;
	v37 =	vsel vm3, v37, v45;
	v33 =	vmin.u32 v33, $0x8EF;
	[tilespmem:v28+s31+$0x0] =	vst.idx.add.f32.msk $0xffff, v20  }
0x166: {  	v20 =	vmovc v34;
	v28 =	vshll.u32 v37, $0x4;
	v37 =	vshll.u32 v39, $0x4;
	v33 =	vadd.s32 $0xFFFF918, v33;
	[tilespmem:v27+s5+$0x0] =	vst.idx.add.f32.msk $0xffff, v2  }
0x167: {  	v32 =	vshll.u32 v32, $0x4;
	v34 =	vshll.u32 v30, $0x4;
	v30 =	vsel vm0, v33, v41;
	[tilespmem:v27+s31+$0x0] =	vst.idx.add.f32.msk $0xffff, v21;
	v21 =	vmovc v35  }
0x168: {  	v27 =	vshll.u32 v29, $0x4;
	v33 =	vshll.u32 v31, $0x4;
	v35 =	vshll.u32 v30, $0x4;
	[tilespmem:v26+s5+$0x0] =	vst.idx.add.f32.msk $0xffff, v2  }
.Ltmp3:
0x169: {  	v31 =	vor.u32 v1, v28;
	v29 =	vor.u32 v1, v34;
	v30 =	vor.u32 v1, v37;
	(pc) =	sbr.rel @p1 .LBB2_9-.Ltmp3, $4  }
0x16a: {  	v28 =	vor.u32 v1, v32;
	v27 =	vor.u32 v1, v27;
	v32 =	vor.u32 v1, v33  }
0x16b: {  	v33 =	vor.u32 v1, v35;
	[tilespmem:v26+s31+$0x0] =	vst.idx.add.f32.msk $0xffff, v23;
	v23 =	vmov v36;
	v26 =	vmov v32  }
0x16c: {  	[tilespmem:v25+s5+$0x0] =	vst.idx.add.f32.msk $0xffff, v2  }
0x16d: {  	s17 =	sadd.s32 $0x20, s17;
	s18 =	sadd.s32 $0x400, s18;
	[tilespmem:v25+s31+$0x0] =	vst.idx.add.f32.msk $0xffff, v24;
	v24 =	vmov v38;
	v25 =	vmov v33  }
0x16e: {  	_ =	sdelay $0x3  }
0x16f: {  	[tilespmem:v31+s5+$0x0] =	vst.idx.add.f32.msk $0xffff, v2  }
0x170: {  	[tilespmem:v30+s5+$0x0] =	vst.idx.add.f32.msk $0xffff, v2  }
0x171: {  	[tilespmem:v29+s5+$0x0] =	vst.idx.add.f32.msk $0xffff, v2  }
0x172: {  	[tilespmem:v28+s5+$0x0] =	vst.idx.add.f32.msk $0xffff, v2  }
0x173: {  	[tilespmem:v27+s5+$0x0] =	vst.idx.add.f32.msk $0xffff, v2  }
0x174: {  	[tilespmem:v26+s5+$0x0] =	vst.idx.add.f32.msk $0xffff, v2  }
0x175: {  	[tilespmem:v25+s5+$0x0] =	vst.idx.add.f32.msk $0xffff, v2  }
0x176: {  	[tilespmem:v31+s31+$0x0] =	vst.idx.add.f32.msk $0xffff, v22  }
0x177: {  	[tilespmem:v30+s31+$0x0] =	vst.idx.add.f32.msk $0xffff, v18  }
0x178: {  	[tilespmem:v29+s31+$0x0] =	vst.idx.add.f32.msk $0xffff, v19  }
0x179: {  	s8 =	sadd.s32 @!p0 s12, s15;
	[tilespmem:v28+s31+$0x0] =	vst.idx.add.f32.msk $0xffff, v20  }
0x17a: {  	[tilespmem:v27+s31+$0x0] =	vst.idx.add.f32.msk $0xffff, v21;
	s13 =	sor.u32 @!p0 s6, s8  }
0x17b: {  	s18 =	simm.s32 @!p0 $0x1000;
	s19 =	simm.s32 @!p0 $0x40000;
	[tilespmem:v26+s31+$0x0] =	vst.idx.add.f32.msk $0xffff, v23;
	s13 =	sshrl.u32 @!p0 s13, $0x3  }
0x17c: {  	s20 =	simm.s32 @!p0 $0x8200;
	[tilespmem:v25+s31+$0x0] =	vst.idx.add.f32.msk $0xffff, v24;
	s8 =	sadd.s32 @!p0 s7, s8;
	s17 =	sadd.s32 @!p0 s0, s13  }
0x17d: {  	[tilespmem:s20], [sflag:$0x2] =	stream.strided.gather @!p0 [hbm4b:s17+s18], $0x2000, s19, s18, $0x38;
	[tilespmem:$0x18680] =	vst v63  }
0x17e: {  	s8 =	sshrl.u32 @!p0 s8, $0x3;
	s13 =	sadd.s32 @!p0 s1, s13;
	s17 =	simm.s32 @!p0 $0xA200  }
0x17f: {  	[tilespmem:s17], [sflag:$0x2] =	stream.strided.gather @!p0 [hbm4b:s13+s18], $0x2000, s19, s18, $0x38;
	[tilespmem:$0x18680] =	vst v63  }
0x180: {  	s8 =	sadd.s32 @!p0 s2, s8;
	s13 =	simm.s32 @!p0 $0x0;
	s17 =	simm.s32 @!p0 $0x15200  }
0x181: {  	[tilespmem:s17], [sflag:$0x2] =	stream.linear.gather @!p0 [hbm4b:s8+s13], $0x1000, $0x38;
	[tilespmem:$0x18680] =	vst v63  }
0x182: {  	_ =	swait.ge [sflag:s3], $0x2000  }
0x183: {  	[sflag:s3] =	ssyncset.done $0x0  }
0x184: {  	[sflag:s3] =	ssyncadd.s32 $0xFFFFE000  }
0x185: {  	_ =	swait.ge [sflag:s3], $0x2000  }
0x186: {  	[sflag:s3] =	ssyncset.done $0x0  }
0x187: {  	[sflag:s3] =	ssyncadd.s32 $0xFFFFE000  }
0x188: {  	s19 =	simm.s32 $0x0;
	_ =	swait.ge [sflag:s3], $0x1000  }
0x189: {  	s20 =	sand.u32 $0xC00, s19;
	s8 =	sand.u32 $0x380, s19;
	[sflag:s3] =	ssyncset.done $0x0  }
0x18a: {  	s13 =	sor.u32 s8, s20;
	[sflag:s3] =	ssyncadd.s32 $0xFFFFF000  }
0x18b: {  	v18 =	vld [tilespmem:s13+$0xC270]  }
0x18c: {  	v19 =	vld [tilespmem:s13+$0xD270]  }
0x18d: {  	v20 =	vld [tilespmem:s13+$0xE270]  }
0x18e: {  	v21 =	vld [tilespmem:s13+$0xF270]  }
0x18f: {  	v22 =	vld [tilespmem:s13+$0xC200]  }
0x190: {  	v23 =	vld [tilespmem:s13+$0xD200]  }
0x191: {  	v24 =	vld [tilespmem:s13+$0xE200]  }
0x192: {  	v25 =	vld [tilespmem:s13+$0xF200]  }
0x193: {  	v26 =	vld [tilespmem:s13+$0xC210]  }
0x194: {  	v27 =	vld [tilespmem:s13+$0xD210]  }
0x195: {  	s21 =	sadd.s32 $0x14200, s13;
	v28 =	vld [tilespmem:s13+$0xE210]  }
0x196: {  	v30 =	vld [tilespmem:s21+$0x2070]  }
0x197: {  	v31 =	vld [tilespmem:s13+$0xE220]  }
0x198: {  	v38 =	vld [tilespmem:s21+$0x2010]  }
0x199: {  	v55 =	vld [tilespmem:s21+$0x2030]  }
0x19a: {  	v56 =	vld [tilespmem:s13+$0x16200]  }
0x19b: {  	v57 =	vld [tilespmem:s21+$0x2060]  }
0x19c: {  	v18 =	vsub.f32 v18, v20;
	v20 =	vld [tilespmem:s13+$0xC220]  }
0x19d: {  	v19 =	vsub.f32 v19, v21;
	v21 =	vld [tilespmem:s13+$0xD220]  }
0x19e: {  	v22 =	vsub.f32 v22, v24;
	v24 =	vld [tilespmem:s13+$0xF220]  }
0x19f: {  	v29 =	vld [tilespmem:s13+$0xF210];
	v23 =	vsub.f32 v23, v25;
	v26 =	vsub.f32 v26, v28  }
0x1a0: {  	v32 =	vld [tilespmem:s13+$0xD230];
	vm0 =	veq.s32 v30, $0x0;
	v18 =	vmul.f32 v18, v18;
	v19 =	vmul.f32 v19, v19  }
0x1a1: {  	v33 =	vld [tilespmem:s13+$0xE230];
	vm11 =	veq.s32 v38, $0x0;
	vm12 =	veq.s32 v55, $0x0;
	vm14 =	veq.s32 v56, $0x0  }
0x1a2: {  	v25 =	vadd.f32 v19, v18;
	v19 =	vld [tilespmem:s13+$0xC230];
	v18 =	vmul.f32 v22, v22;
	v22 =	vmul.f32 v23, v23  }
0x1a3: {  	vm15 =	veq.s32 v57, $0x0;
	v20 =	vsub.f32 v20, v31;
	v21 =	vsub.f32 v21, v24;
	v24 =	vld [tilespmem:s13+$0xF240]  }
0x1a4: {  	v23 =	vshrl.u32 v25, $0x13;
	v22 =	vadd.f32 v22, v18;
	v18 =	vsub.f32 v27, v29;
	v29 =	vld [tilespmem:s13+$0xD240]  }
0x1a5: {  	v28 =	vld [tilespmem:s13+$0xF230];
	v26 =	vmul.f32 v26, v26;
	v23 =	vmax.u32 v23, $0x6F0;
	v20 =	vmul.f32 v20, v20  }
0x1a6: {  	v35 =	vld [tilespmem:s13+$0xE240];
	v21 =	vmul.f32 v21, v21;
	v23 =	vmin.u32 v23, $0x8EF;
	v18 =	vmul.f32 v18, v18  }
0x1a7: {  	v27 =	vld [tilespmem:s13+$0xC240];
	v34 =	vshrl.u32 v22, $0x13;
	v23 =	vadd.s32 $0xFFFF918, v23;
	v31 =	vsub.f32 v19, v33  }
0x1a8: {  	v49 =	vld [tilespmem:s13+$0xD250];
	v23 =	vsel vm0, v23, v30;
	v30 =	vmax.u32 v34, $0x6F0;
	v18 =	vadd.f32 v18, v26  }
0x1a9: {  	v26 =	vld [tilespmem:s13+$0xC250];
	v23 =	vshll.u32 v23, $0x4;
	v24 =	vsub.f32 v29, v24;
	v29 =	vmin.u32 v30, $0x8EF  }
0x1aa: {  	v50 =	vor.u32 v1, v23;
	v19 =	vshrl.u32 v18, $0x13;
	v23 =	vsub.f32 v32, v28;
	v28 =	vld [tilespmem:s13+$0xE250]  }
0x1ab: {  	v51 =	vmax.u32 v19, $0x6F0;
	v19 =	vadd.f32 v21, v20;
	v20 =	vmul.f32 v31, v31;
	v31 =	vld [tilespmem:s13+$0xF250]  }
0x1ac: {  	v53 =	vld [tilespmem:s13+$0xD260];
	v29 =	vadd.s32 $0xFFFF918, v29;
	v21 =	vmul.f32 v23, v23;
	v23 =	vsub.f32 v27, v35  }
0x1ad: {  	v29 =	vsel vm14, v29, v56;
	v27 =	vld [tilespmem:s13+$0xC260];
	v30 =	vmin.u32 v51, $0x8EF;
	v52 =	vshrl.u32 v19, $0x13  }
0x1ae: {  	v20 =	vadd.f32 v21, v20;
	v21 =	vmul.f32 v23, v23;
	v23 =	vmul.f32 v24, v24;
	v24 =	vld [tilespmem:s13+$0xE260]  }
0x1af: {  	v36 =	vld [tilespmem:s13+$0xF260];
	v29 =	vshll.u32 v29, $0x4;
	v30 =	vadd.s32 $0xFFFF918, v30;
	v32 =	vmax.u32 v52, $0x6F0  }
0x1b0: {  	v30 =	vsel vm11, v30, v38;
	v26 =	vsub.f32 v26, v28;
	v28 =	vsub.f32 v49, v31  }
0x1b1: {  	v32 =	vmin.u32 v32, $0x8EF;
	v37 =	vshrl.u32 v20, $0x13;
	v21 =	vadd.f32 v23, v21  }
0x1b2: {  	v31 =	vld [tilespmem:s21+$0x2020];
	v23 =	vmax.u32 v37, $0x6F0;
	v26 =	vmul.f32 v26, v26;
	v28 =	vmul.f32 v28, v28  }
0x1b3: {  	v30 =	vshll.u32 v30, $0x4;
	v23 =	vmin.u32 v23, $0x8EF;
	v24 =	vsub.f32 v27, v24  }
0x1b4: {  	v39 =	vadd.s32 $0xFFFF918, v23;
	v23 =	vadd.f32 v28, v26;
	v28 =	vsub.f32 v53, v36  }
0x1b5: {  	v32 =	vadd.s32 $0xFFFF918, v32;
	v30 =	vor.u32 v1, v30;
	v54 =	vshrl.u32 v21, $0x13  }
0x1b6: {  	v33 =	vmax.u32 v54, $0x6F0;
	v26 =	vld [tilespmem:s21+$0x2050];
	v24 =	vmul.f32 v24, v24;
	v28 =	vmul.f32 v28, v28  }
0x1b7: {  	v27 =	vld [tilespmem:s21+$0x2040];
	v33 =	vmin.u32 v33, $0x8EF;
	v59 =	vsel vm12, v39, v55;
	vm1 =	veq.s32 v31, $0x0  }
0x1b8: {  	v31 =	vsel vm1, v32, v31;
	v58 =	vshrl.u32 v23, $0x13;
	v24 =	vadd.f32 v28, v24  }
0x1b9: {  	v33 =	vadd.s32 $0xFFFF918, v33;
	v32 =	vmax.u32 v58, $0x6F0;
	v62 =	vshll.u32 v31, $0x4  }
0x1ba: {  	v31 =	vor.u32 v1, v29;
	v32 =	vmin.u32 v32, $0x8EF;
	v60 =	vshrl.u32 v24, $0x13  }
0x1bb: {  	v28 =	vadd.s32 $0xFFFF918, v32;
	vm2 =	veq.s32 v26, $0x0;
	v61 =	vmax.u32 v60, $0x6F0  }
0x1bc: {  	vm13 =	veq.s32 v27, $0x0;
	v26 =	vsel vm2, v28, v26;
	v28 =	vmin.u32 v61, $0x8EF  }
0x1bd: {  	v29 =	vor.u32 v1, v62;
	v27 =	vsel vm13, v33, v27;
	v28 =	vadd.s32 $0xFFFF918, v28  }
0x1be: {  	[tilespmem:v50+s5+$0x0] =	vst.idx.add.f32.msk $0xffff, v2;
	v32 =	vshll.u32 v59, $0x4;
	v27 =	vshll.u32 v27, $0x4;
	v28 =	vsel vm15, v28, v57  }
0x1bf: {  	[tilespmem:v50+s31+$0x0] =	vst.idx.add.f32.msk $0xffff, v25;
	v25 =	vshll.u32 v26, $0x4;
	v27 =	vor.u32 v1, v27;
	v63 =	vshll.u32 v28, $0x4  }
0x1c0: {  	s18 =	simm.s32 $0x400;
	s17 =	simm.s32 $0x20;
	s13 =	simm.s32 $0x0;
	v26 =	vor.u32 v1, v25;
	v28 =	vor.u32 v1, v32;
	v25 =	vor.u32 v1, v63  }
.LBB2_11:
0x1c1: {  	s8 =	sand.u32 $0xC00, s18;
	s19 =	sand.u32 $0x380, s17;
	[tilespmem:v31+s5+$0x0] =	vst.idx.add.f32.msk $0xffff, v2  }
0x1c2: {  	s19 =	sor.u32 s19, s8;
	[tilespmem:v31+s31+$0x0] =	vst.idx.add.f32.msk $0xffff, v22  }
0x1c3: {  	v22 =	vld [tilespmem:s19+$0xC270]  }
0x1c4: {  	v31 =	vld [tilespmem:s19+$0xD270]  }
0x1c5: {  	s13 =	sadd.s32 $0x8, s13;
	v32 =	vld [tilespmem:s19+$0xE270]  }
0x1c6: {  	p1 =	slt.u32 s13, $0xF8;
	v33 =	vld [tilespmem:s19+$0xF270]  }
0x1c7: {  	v34 =	vld [tilespmem:s19+$0xC200]  }
0x1c8: {  	v35 =	vld [tilespmem:s19+$0xD200]  }
0x1c9: {  	v36 =	vld [tilespmem:s19+$0xE200]  }
0x1ca: {  	v37 =	vld [tilespmem:s19+$0xF200]  }
0x1cb: {  	v22 =	vsub.f32 v22, v32;
	v38 =	vld [tilespmem:s19+$0xC210];
	v31 =	vsub.f32 v31, v33  }
0x1cc: {  	v32 =	vld [tilespmem:s19+$0xD210]  }
0x1cd: {  	v22 =	vmul.f32 v22, v22;
	v33 =	vld [tilespmem:s19+$0xE210];
	v31 =	vmul.f32 v31, v31  }
0x1ce: {  	s20 =	sadd.s32 $0x14200, s19;
	v34 =	vsub.f32 v34, v36;
	v36 =	vld [tilespmem:s19+$0xF210]  }
0x1cf: {  	v35 =	vsub.f32 v35, v37;
	v37 =	vld [tilespmem:s20+$0x2070];
	v31 =	vadd.f32 v31, v22  }
0x1d0: {  	v22 =	vmul.f32 v34, v34;
	v34 =	vld [tilespmem:s19+$0xC220]  }
0x1d1: {  	v35 =	vmul.f32 v35, v35;
	v39 =	vld [tilespmem:s19+$0xD220];
	v40 =	vshrl.u32 v31, $0x13  }
0x1d2: {  	v33 =	vsub.f32 v38, v33;
	v38 =	vld [tilespmem:s19+$0xE220];
	v40 =	vmax.u32 v40, $0x6F0  }
0x1d3: {  	v22 =	vadd.f32 v35, v22;
	v32 =	vsub.f32 v32, v36;
	v35 =	vld [tilespmem:s19+$0xF220];
	v36 =	vmin.u32 v40, $0x8EF  }
0x1d4: {  	v33 =	vmul.f32 v33, v33;
	v40 =	vld [tilespmem:s19+$0xC230];
	v36 =	vadd.s32 $0xFFFF918, v36;
	vm0 =	veq.s32 v37, $0x0  }
0x1d5: {  	v41 =	vshrl.u32 v22, $0x13;
	v32 =	vmul.f32 v32, v32;
	v42 =	vld [tilespmem:s19+$0xD230];
	v36 =	vsel vm0, v36, v37  }
0x1d6: {  	v37 =	vmax.u32 v41, $0x6F0;
	v41 =	vld [tilespmem:s19+$0xE230];
	v36 =	vshll.u32 v36, $0x4  }
0x1d7: {  	v32 =	vadd.f32 v32, v33;
	v33 =	vsub.f32 v34, v38;
	v34 =	vld [tilespmem:s19+$0xF230];
	v36 =	vor.u32 v1, v36  }
0x1d8: {  	v37 =	vmin.u32 v37, $0x8EF;
	v35 =	vsub.f32 v39, v35;
	v38 =	vld [tilespmem:s19+$0xC240]  }
0x1d9: {  	v37 =	vadd.s32 $0xFFFF918, v37;
	v39 =	vshrl.u32 v32, $0x13;
	v33 =	vmul.f32 v33, v33;
	v43 =	vld [tilespmem:s19+$0xD240]  }
0x1da: {  	v39 =	vmax.u32 v39, $0x6F0;
	v35 =	vmul.f32 v35, v35;
	v44 =	vld [tilespmem:s19+$0xE240]  }
0x1db: {  	v39 =	vmin.u32 v39, $0x8EF;
	v40 =	vsub.f32 v40, v41;
	v41 =	vld [tilespmem:s19+$0xF240]  }
0x1dc: {  	v39 =	vadd.s32 $0xFFFF918, v39;
	v33 =	vadd.f32 v35, v33;
	v34 =	vsub.f32 v42, v34;
	[tilespmem:v36+s5+$0x0] =	vst.idx.add.f32.msk $0xffff, v2  }
0x1dd: {  	v35 =	vmul.f32 v40, v40;
	[tilespmem:v36+s31+$0x0] =	vst.idx.add.f32.msk $0xffff, v31  }
0x1de: {  	v31 =	vshrl.u32 v33, $0x13;
	v34 =	vmul.f32 v34, v34;
	v36 =	vld [tilespmem:s19+$0xC250]  }
0x1df: {  	v31 =	vmax.u32 v31, $0x6F0;
	v38 =	vsub.f32 v38, v44;
	v40 =	vld [tilespmem:s19+$0xD250]  }
0x1e0: {  	v31 =	vmin.u32 v31, $0x8EF;
	v34 =	vadd.f32 v34, v35;
	v35 =	vsub.f32 v43, v41;
	v41 =	vld [tilespmem:s19+$0xE250]  }
0x1e1: {  	v31 =	vadd.s32 $0xFFFF918, v31;
	v38 =	vmul.f32 v38, v38;
	v42 =	vld [tilespmem:s19+$0xF250]  }
0x1e2: {  	v43 =	vshrl.u32 v34, $0x13;
	v35 =	vmul.f32 v35, v35;
	v44 =	vld [tilespmem:s19+$0xC260]  }
0x1e3: {  	v43 =	vmax.u32 v43, $0x6F0;
	v45 =	vld [tilespmem:s19+$0xD260]  }
0x1e4: {  	v43 =	vmin.u32 v43, $0x8EF;
	v35 =	vadd.f32 v35, v38;
	v38 =	vld [tilespmem:s19+$0xE260]  }
0x1e5: {  	v43 =	vadd.s32 $0xFFFF918, v43;
	v36 =	vsub.f32 v36, v41;
	v41 =	vld [tilespmem:s19+$0xF260]  }
0x1e6: {  	v46 =	vld [tilespmem:s20+$0x2010];
	v47 =	vshrl.u32 v35, $0x13;
	v40 =	vsub.f32 v40, v42  }
0x1e7: {  	v42 =	vld [tilespmem:s20+$0x2020];
	v47 =	vmax.u32 v47, $0x6F0;
	v36 =	vmul.f32 v36, v36  }
0x1e8: {  	v48 =	vld [tilespmem:s20+$0x2030];
	v47 =	vmin.u32 v47, $0x8EF;
	v40 =	vmul.f32 v40, v40  }
0x1e9: {  	v49 =	vld [tilespmem:s20+$0x2040];
	v47 =	vadd.s32 $0xFFFF918, v47;
	v38 =	vsub.f32 v44, v38  }
0x1ea: {  	v44 =	vld [tilespmem:s20+$0x2050];
	v36 =	vadd.f32 v40, v36;
	v40 =	vsub.f32 v45, v41  }
0x1eb: {  	vm0 =	veq.s32 v46, $0x0;
	v41 =	vld [tilespmem:s20+$0x2060];
	v38 =	vmul.f32 v38, v38  }
0x1ec: {  	v45 =	vld [tilespmem:s19+$0x16200];
	vm1 =	veq.s32 v42, $0x0;
	v50 =	vshrl.u32 v36, $0x13;
	v40 =	vmul.f32 v40, v40  }
0x1ed: {  	v39 =	vsel vm0, v39, v46;
	vm0 =	veq.s32 v48, $0x0;
	v46 =	vmax.u32 v50, $0x6F0;
	[tilespmem:v30+s5+$0x0] =	vst.idx.add.f32.msk $0xffff, v2  }
0x1ee: {  	vm2 =	veq.s32 v49, $0x0;
	v46 =	vmin.u32 v46, $0x8EF;
	v38 =	vadd.f32 v40, v38;
	[tilespmem:v30+s31+$0x0] =	vst.idx.add.f32.msk $0xffff, v18;
	v18 =	vmovc v32  }
0x1ef: {  	v30 =	vsel vm1, v31, v42;
	v31 =	vadd.s32 $0xFFFF918, v46;
	vm1 =	veq.s32 v44, $0x0;
	[tilespmem:v29+s5+$0x0] =	vst.idx.add.f32.msk $0xffff, v2  }
0x1f0: {  	v32 =	vsel vm0, v43, v48;
	v40 =	vshrl.u32 v38, $0x13;
	vm0 =	veq.s32 v41, $0x0;
	[tilespmem:v29+s31+$0x0] =	vst.idx.add.f32.msk $0xffff, v19;
	v19 =	vmovc v33  }
0x1f1: {  	v29 =	vsel vm2, v47, v49;
	vm3 =	veq.s32 v45, $0x0;
	v33 =	vmax.u32 v40, $0x6F0;
	[tilespmem:v28+s5+$0x0] =	vst.idx.add.f32.msk $0xffff, v2  }
0x1f2: {  	v31 =	vsel vm1, v31, v44;
	v37 =	vsel vm3, v37, v45;
	v33 =	vmin.u32 v33, $0x8EF;
	[tilespmem:v28+s31+$0x0] =	vst.idx.add.f32.msk $0xffff, v20  }
0x1f3: {  	v20 =	vmovc v34;
	v28 =	vshll.u32 v37, $0x4;
	v37 =	vshll.u32 v39, $0x4;
	v33 =	vadd.s32 $0xFFFF918, v33;
	[tilespmem:v27+s5+$0x0] =	vst.idx.add.f32.msk $0xffff, v2  }
0x1f4: {  	v32 =	vshll.u32 v32, $0x4;
	v34 =	vshll.u32 v30, $0x4;
	v30 =	vsel vm0, v33, v41;
	[tilespmem:v27+s31+$0x0] =	vst.idx.add.f32.msk $0xffff, v21;
	v21 =	vmovc v35  }
0x1f5: {  	v27 =	vshll.u32 v29, $0x4;
	v33 =	vshll.u32 v31, $0x4;
	v35 =	vshll.u32 v30, $0x4;
	[tilespmem:v26+s5+$0x0] =	vst.idx.add.f32.msk $0xffff, v2  }
.Ltmp4:
0x1f6: {  	v31 =	vor.u32 v1, v28;
	v29 =	vor.u32 v1, v34;
	v30 =	vor.u32 v1, v37;
	(pc) =	sbr.rel @p1 .LBB2_11-.Ltmp4, $4  }
0x1f7: {  	v28 =	vor.u32 v1, v32;
	v27 =	vor.u32 v1, v27;
	v32 =	vor.u32 v1, v33  }
0x1f8: {  	v33 =	vor.u32 v1, v35;
	[tilespmem:v26+s31+$0x0] =	vst.idx.add.f32.msk $0xffff, v23;
	v23 =	vmov v36;
	v26 =	vmov v32  }
0x1f9: {  	[tilespmem:v25+s5+$0x0] =	vst.idx.add.f32.msk $0xffff, v2  }
0x1fa: {  	s17 =	sadd.s32 $0x20, s17;
	s18 =	sadd.s32 $0x400, s18;
	[tilespmem:v25+s31+$0x0] =	vst.idx.add.f32.msk $0xffff, v24;
	v24 =	vmov v38;
	v25 =	vmov v33  }
0x1fb: {  	_ =	sdelay $0x3  }
0x1fc: {  	[tilespmem:v31+s5+$0x0] =	vst.idx.add.f32.msk $0xffff, v2  }
0x1fd: {  	[tilespmem:v30+s5+$0x0] =	vst.idx.add.f32.msk $0xffff, v2  }
0x1fe: {  	[tilespmem:v29+s5+$0x0] =	vst.idx.add.f32.msk $0xffff, v2  }
0x1ff: {  	[tilespmem:v28+s5+$0x0] =	vst.idx.add.f32.msk $0xffff, v2  }
0x200: {  	[tilespmem:v27+s5+$0x0] =	vst.idx.add.f32.msk $0xffff, v2  }
0x201: {  	[tilespmem:v26+s5+$0x0] =	vst.idx.add.f32.msk $0xffff, v2  }
0x202: {  	[tilespmem:v25+s5+$0x0] =	vst.idx.add.f32.msk $0xffff, v2  }
0x203: {  	[tilespmem:v31+s31+$0x0] =	vst.idx.add.f32.msk $0xffff, v22  }
0x204: {  	[tilespmem:v30+s31+$0x0] =	vst.idx.add.f32.msk $0xffff, v18  }
0x205: {  	[tilespmem:v29+s31+$0x0] =	vst.idx.add.f32.msk $0xffff, v19  }
0x206: {  	s8 =	sadd.s32 @!p0 s12, s16;
	[tilespmem:v28+s31+$0x0] =	vst.idx.add.f32.msk $0xffff, v20  }
0x207: {  	[tilespmem:v27+s31+$0x0] =	vst.idx.add.f32.msk $0xffff, v21;
	s12 =	sor.u32 @!p0 s6, s8  }
0x208: {  	s17 =	simm.s32 @!p0 $0x1000;
	s18 =	simm.s32 @!p0 $0x40000;
	[tilespmem:v26+s31+$0x0] =	vst.idx.add.f32.msk $0xffff, v23;
	s12 =	sshrl.u32 @!p0 s12, $0x3  }
0x209: {  	s19 =	simm.s32 @!p0 $0xC200;
	[tilespmem:v25+s31+$0x0] =	vst.idx.add.f32.msk $0xffff, v24;
	s8 =	sadd.s32 @!p0 s7, s8;
	s13 =	sadd.s32 @!p0 s0, s12  }
0x20a: {  	[tilespmem:s19], [sflag:$0x3] =	stream.strided.gather @!p0 [hbm4b:s13+s17], $0x2000, s18, s17, $0x38;
	[tilespmem:$0x18680] =	vst v63  }
0x20b: {  	s8 =	sshrl.u32 @!p0 s8, $0x3;
	s12 =	sadd.s32 @!p0 s1, s12;
	s13 =	simm.s32 @!p0 $0xE200  }
0x20c: {  	[tilespmem:s13], [sflag:$0x3] =	stream.strided.gather @!p0 [hbm4b:s12+s17], $0x2000, s18, s17, $0x38;
	[tilespmem:$0x18680] =	vst v63  }
0x20d: {  	s8 =	sadd.s32 @!p0 s2, s8;
	s12 =	simm.s32 @!p0 $0x0;
	s13 =	simm.s32 @!p0 $0x16200  }
0x20e: {  	[tilespmem:s13], [sflag:$0x3] =	stream.linear.gather @!p0 [hbm4b:s8+s12], $0x1000, $0x38;
	[tilespmem:$0x18680] =	vst v63  }
0x20f: {  	_ =	swait.ge [sflag:s25], $0x2000  }
0x210: {  	[sflag:s25] =	ssyncset.done $0x0  }
0x211: {  	[sflag:s25] =	ssyncadd.s32 $0xFFFFE000  }
0x212: {  	_ =	swait.ge [sflag:s25], $0x2000  }
0x213: {  	[sflag:s25] =	ssyncset.done $0x0  }
0x214: {  	s18 =	simm.s32 $0x0;
	[sflag:s25] =	ssyncadd.s32 $0xFFFFE000  }
0x215: {  	s19 =	sand.u32 $0xC00, s18;
	s8 =	sand.u32 $0x380, s18;
	_ =	swait.ge [sflag:s25], $0x1000  }
0x216: {  	s12 =	sor.u32 s8, s19;
	[sflag:s25] =	ssyncset.done $0x0  }
0x217: {  	s20 =	sadd.s32 $0x4200, s12;
	[sflag:s25] =	ssyncadd.s32 $0xFFFFF000  }
0x218: {  	v18 =	vld [tilespmem:s20+$0xC070]  }
0x219: {  	v19 =	vld [tilespmem:s20+$0xD070]  }
0x21a: {  	v20 =	vld [tilespmem:s20+$0xE070]  }
0x21b: {  	v21 =	vld [tilespmem:s20+$0xF070]  }
0x21c: {  	v22 =	vld [tilespmem:s20+$0xC010]  }
0x21d: {  	v23 =	vld [tilespmem:s20+$0xD010]  }
0x21e: {  	v24 =	vld [tilespmem:s20+$0xE010]  }
0x21f: {  	v25 =	vld [tilespmem:s20+$0xF010]  }
0x220: {  	v26 =	vld [tilespmem:s20+$0xC020]  }
0x221: {  	v27 =	vld [tilespmem:s20+$0xD020]  }
0x222: {  	v28 =	vld [tilespmem:s20+$0xE020]  }
0x223: {  	s21 =	sadd.s32 $0x14200, s12;
	v29 =	vld [tilespmem:s20+$0xF020]  }
0x224: {  	v30 =	vld [tilespmem:s21+$0x3070]  }
0x225: {  	v31 =	vld [tilespmem:s20+$0xE030]  }
0x226: {  	v32 =	vld [tilespmem:s20+$0xD040]  }
0x227: {  	v33 =	vld [tilespmem:s20+$0xE040]  }
0x228: {  	v58 =	vld [tilespmem:s21+$0x3030]  }
0x229: {  	v18 =	vsub.f32 v18, v20;
	v20 =	vld [tilespmem:s20+$0xC030]  }
0x22a: {  	v19 =	vsub.f32 v19, v21;
	v21 =	vld [tilespmem:s20+$0xD030]  }
0x22b: {  	v22 =	vsub.f32 v22, v24;
	v24 =	vld [tilespmem:s20+$0xF030]  }
0x22c: {  	v35 =	vld [tilespmem:s20+$0xE050]  }
0x22d: {  	v38 =	vld [tilespmem:s21+$0x3040];
	v23 =	vsub.f32 v23, v25;
	v18 =	vmul.f32 v18, v18;
	v19 =	vmul.f32 v19, v19  }
0x22e: {  	v59 =	vld [tilespmem:s12+$0x17200];
	v26 =	vsub.f32 v26, v28;
	vm0 =	veq.s32 v30, $0x0  }
0x22f: {  	v25 =	vadd.f32 v19, v18;
	v19 =	vld [tilespmem:s20+$0xC040];
	v18 =	vmul.f32 v22, v22;
	v22 =	vmul.f32 v23, v23  }
0x230: {  	vm13 =	veq.s32 v58, $0x0;
	v20 =	vsub.f32 v20, v31;
	v21 =	vsub.f32 v21, v24;
	v24 =	vld [tilespmem:s20+$0xF050]  }
0x231: {  	v23 =	vshrl.u32 v25, $0x13;
	v22 =	vadd.f32 v22, v18;
	v18 =	vsub.f32 v27, v29;
	v27 =	vld [tilespmem:s20+$0xC050]  }
0x232: {  	vm1 =	veq.s32 v38, $0x0;
	v26 =	vmul.f32 v26, v26;
	v29 =	vld [tilespmem:s20+$0xD050];
	v23 =	vmax.u32 v23, $0x6F0  }
0x233: {  	v28 =	vld [tilespmem:s20+$0xF040];
	v20 =	vmul.f32 v20, v20;
	v23 =	vmin.u32 v23, $0x8EF;
	v18 =	vmul.f32 v18, v18  }
0x234: {  	v53 =	vld [tilespmem:s20+$0xD060];
	v21 =	vmul.f32 v21, v21;
	v34 =	vshrl.u32 v22, $0x13;
	v23 =	vadd.s32 $0xFFFF918, v23  }
0x235: {  	v55 =	vld [tilespmem:s12+$0x12200];
	v31 =	vmax.u32 v34, $0x6F0;
	v23 =	vsel vm0, v23, v30;
	v18 =	vadd.f32 v18, v26  }
0x236: {  	v30 =	vld [tilespmem:s12+$0x10200];
	v26 =	vmin.u32 v31, $0x8EF;
	v23 =	vshll.u32 v23, $0x4;
	v27 =	vsub.f32 v27, v35  }
0x237: {  	v31 =	vld [tilespmem:s20+$0xC060];
	v24 =	vsub.f32 v29, v24;
	v52 =	vor.u32 v1, v23;
	v23 =	vsub.f32 v19, v33  }
0x238: {  	vm2 =	veq.s32 v59, $0x0;
	v29 =	vld [tilespmem:s20+$0xF060];
	v19 =	vadd.f32 v21, v20;
	v20 =	vsub.f32 v32, v28  }
0x239: {  	v26 =	vadd.s32 $0xFFFF918, v26;
	v36 =	vshrl.u32 v18, $0x13;
	v28 =	vld [tilespmem:s20+$0xE060];
	v27 =	vmul.f32 v27, v27  }
0x23a: {  	v21 =	vmax.u32 v36, $0x6F0;
	v23 =	vmul.f32 v23, v23;
	v20 =	vmul.f32 v20, v20  }
0x23b: {  	v24 =	vmul.f32 v24, v24;
	v54 =	vshrl.u32 v19, $0x13;
	v37 =	vmin.u32 v21, $0x8EF  }
0x23c: {  	v56 =	vld [tilespmem:s12+$0x11200];
	v32 =	vmax.u32 v54, $0x6F0;
	v37 =	vadd.s32 $0xFFFF918, v37;
	v21 =	vadd.f32 v20, v23  }
0x23d: {  	v32 =	vmin.u32 v32, $0x8EF;
	v23 =	vld [tilespmem:s12+$0x13200];
	v20 =	vadd.f32 v24, v27;
	v29 =	vsub.f32 v53, v29  }
0x23e: {  	v30 =	vsub.f32 v30, v55;
	v24 =	vld [tilespmem:s21+$0x3010];
	v32 =	vadd.s32 $0xFFFF918, v32;
	v28 =	vsub.f32 v31, v28  }
0x23f: {  	v31 =	vld [tilespmem:s21+$0x3020];
	v27 =	vshrl.u32 v21, $0x13;
	v57 =	vshrl.u32 v20, $0x13;
	v29 =	vmul.f32 v29, v29  }
0x240: {  	v32 =	vsel vm13, v32, v58;
	v27 =	vmax.u32 v27, $0x6F0;
	v28 =	vmul.f32 v28, v28  }
0x241: {  	v33 =	vmax.u32 v57, $0x6F0;
	v32 =	vshll.u32 v32, $0x4;
	v27 =	vmin.u32 v27, $0x8EF  }
0x242: {  	v33 =	vmin.u32 v33, $0x8EF;
	v36 =	vsub.f32 v56, v23;
	v23 =	vadd.f32 v29, v28  }
0x243: {  	v28 =	vld [tilespmem:s21+$0x3050];
	v29 =	vmul.f32 v30, v30;
	vm11 =	veq.s32 v24, $0x0;
	v27 =	vadd.s32 $0xFFFF918, v27  }
0x244: {  	v30 =	vld [tilespmem:s21+$0x3060];
	v26 =	vsel vm11, v26, v24;
	vm12 =	veq.s32 v31, $0x0;
	v24 =	vmul.f32 v36, v36  }
0x245: {  	v33 =	vadd.s32 $0xFFFF918, v33;
	v27 =	vsel vm1, v27, v38;
	v31 =	vsel vm12, v37, v31  }
0x246: {  	v26 =	vshll.u32 v26, $0x4;
	v27 =	vshll.u32 v27, $0x4;
	v24 =	vadd.f32 v24, v29  }
0x247: {  	v61 =	vshll.u32 v31, $0x4;
	v31 =	vor.u32 v1, v26;
	v29 =	vshrl.u32 v23, $0x13  }
0x248: {  	v29 =	vmax.u32 v29, $0x6F0;
	vm14 =	veq.s32 v28, $0x0;
	v60 =	vshrl.u32 v24, $0x13  }
0x249: {  	vm15 =	veq.s32 v30, $0x0;
	v29 =	vmin.u32 v29, $0x8EF;
	v35 =	vmax.u32 v60, $0x6F0  }
0x24a: {  	[tilespmem:v52+s5+$0x0] =	vst.idx.add.f32.msk $0xffff, v2;
	v28 =	vsel vm14, v33, v28;
	v29 =	vadd.s32 $0xFFFF918, v29;
	v35 =	vmin.u32 v35, $0x8EF  }
0x24b: {  	[tilespmem:v52+s31+$0x0] =	vst.idx.add.f32.msk $0xffff, v25;
	v25 =	vshll.u32 v28, $0x4;
	v29 =	vsel vm15, v29, v30;
	v30 =	vadd.s32 $0xFFFF918, v35  }
0x24c: {  	v28 =	vor.u32 v1, v27;
	v27 =	vor.u32 v1, v25;
	v30 =	vsel vm2, v30, v59  }
0x24d: {  	v63 =	vshll.u32 v29, $0x4;
	v29 =	vor.u32 v1, v32;
	v62 =	vshll.u32 v30, $0x4  }
0x24e: {  	s17 =	simm.s32 $0x400;
	s13 =	simm.s32 $0x20;
	s12 =	simm.s32 $0x0;
	v26 =	vor.u32 v1, v63;
	v30 =	vor.u32 v1, v61;
	v25 =	vor.u32 v1, v62  }
.LBB2_13:
0x24f: {  	s8 =	sand.u32 $0xC00, s17;
	s18 =	sand.u32 $0x380, s13;
	[tilespmem:v31+s5+$0x0] =	vst.idx.add.f32.msk $0xffff, v2  }
0x250: {  	s18 =	sor.u32 s18, s8;
	[tilespmem:v31+s31+$0x0] =	vst.idx.add.f32.msk $0xffff, v22  }
0x251: {  	v31 =	vld [tilespmem:s18+$0x10200];
	s20 =	sadd.s32 $0x4200, s18  }
0x252: {  	v22 =	vld [tilespmem:s20+$0xC070]  }
0x253: {  	s12 =	sadd.s32 $0x8, s12;
	v32 =	vld [tilespmem:s20+$0xD070]  }
0x254: {  	p0 =	slt.u32 s12, $0xF8;
	v33 =	vld [tilespmem:s20+$0xE070]  }
0x255: {  	v34 =	vld [tilespmem:s20+$0xF070]  }
0x256: {  	v35 =	vld [tilespmem:s20+$0xC010]  }
0x257: {  	v36 =	vld [tilespmem:s20+$0xD010]  }
0x258: {  	v37 =	vld [tilespmem:s20+$0xE010]  }
0x259: {  	v38 =	vld [tilespmem:s20+$0xF010]  }
0x25a: {  	v22 =	vsub.f32 v22, v33;
	v39 =	vld [tilespmem:s20+$0xC020];
	v32 =	vsub.f32 v32, v34  }
0x25b: {  	v33 =	vld [tilespmem:s20+$0xD020]  }
0x25c: {  	v22 =	vmul.f32 v22, v22;
	v34 =	vld [tilespmem:s20+$0xE020];
	v32 =	vmul.f32 v32, v32  }
0x25d: {  	s19 =	sadd.s32 $0x14200, s18;
	v35 =	vsub.f32 v35, v37;
	v37 =	vld [tilespmem:s20+$0xF020]  }
0x25e: {  	v36 =	vsub.f32 v36, v38;
	v38 =	vld [tilespmem:s19+$0x3070];
	v32 =	vadd.f32 v32, v22  }
0x25f: {  	v22 =	vmul.f32 v35, v35;
	v35 =	vld [tilespmem:s20+$0xC030]  }
0x260: {  	v36 =	vmul.f32 v36, v36;
	v40 =	vld [tilespmem:s20+$0xD030];
	v41 =	vshrl.u32 v32, $0x13  }
0x261: {  	v34 =	vsub.f32 v39, v34;
	v39 =	vld [tilespmem:s20+$0xE030];
	v41 =	vmax.u32 v41, $0x6F0  }
0x262: {  	v22 =	vadd.f32 v36, v22;
	v33 =	vsub.f32 v33, v37;
	v36 =	vld [tilespmem:s20+$0xF030];
	v37 =	vmin.u32 v41, $0x8EF  }
0x263: {  	v34 =	vmul.f32 v34, v34;
	v41 =	vld [tilespmem:s20+$0xC040];
	v37 =	vadd.s32 $0xFFFF918, v37;
	vm0 =	veq.s32 v38, $0x0  }
0x264: {  	v42 =	vshrl.u32 v22, $0x13;
	v33 =	vmul.f32 v33, v33;
	v43 =	vld [tilespmem:s20+$0xD040];
	v37 =	vsel vm0, v37, v38  }
0x265: {  	v38 =	vmax.u32 v42, $0x6F0;
	v42 =	vld [tilespmem:s20+$0xE040];
	v37 =	vshll.u32 v37, $0x4  }
0x266: {  	v33 =	vadd.f32 v33, v34;
	v34 =	vsub.f32 v35, v39;
	v35 =	vld [tilespmem:s20+$0xF040];
	v37 =	vor.u32 v1, v37  }
0x267: {  	v38 =	vmin.u32 v38, $0x8EF;
	v36 =	vsub.f32 v40, v36;
	v39 =	vld [tilespmem:s20+$0xC050]  }
0x268: {  	v38 =	vadd.s32 $0xFFFF918, v38;
	v40 =	vshrl.u32 v33, $0x13;
	v34 =	vmul.f32 v34, v34;
	v44 =	vld [tilespmem:s20+$0xD050]  }
0x269: {  	v40 =	vmax.u32 v40, $0x6F0;
	v36 =	vmul.f32 v36, v36;
	v45 =	vld [tilespmem:s20+$0xE050]  }
0x26a: {  	v40 =	vmin.u32 v40, $0x8EF;
	v41 =	vsub.f32 v41, v42;
	v42 =	vld [tilespmem:s20+$0xF050]  }
0x26b: {  	v40 =	vadd.s32 $0xFFFF918, v40;
	v34 =	vadd.f32 v36, v34;
	v35 =	vsub.f32 v43, v35;
	[tilespmem:v37+s5+$0x0] =	vst.idx.add.f32.msk $0xffff, v2  }
0x26c: {  	v36 =	vmul.f32 v41, v41;
	[tilespmem:v37+s31+$0x0] =	vst.idx.add.f32.msk $0xffff, v32  }
0x26d: {  	v32 =	vshrl.u32 v34, $0x13;
	v35 =	vmul.f32 v35, v35;
	v37 =	vld [tilespmem:s20+$0xC060]  }
0x26e: {  	v32 =	vmax.u32 v32, $0x6F0;
	v39 =	vsub.f32 v39, v45;
	v41 =	vld [tilespmem:s20+$0xD060]  }
0x26f: {  	v32 =	vmin.u32 v32, $0x8EF;
	v35 =	vadd.f32 v35, v36;
	v36 =	vsub.f32 v44, v42;
	v42 =	vld [tilespmem:s20+$0xE060]  }
0x270: {  	v32 =	vadd.s32 $0xFFFF918, v32;
	v39 =	vmul.f32 v39, v39;
	v43 =	vld [tilespmem:s20+$0xF060]  }
0x271: {  	v44 =	vld [tilespmem:s18+$0x11200];
	v45 =	vshrl.u32 v35, $0x13;
	v36 =	vmul.f32 v36, v36  }
0x272: {  	v46 =	vld [tilespmem:s18+$0x12200];
	v45 =	vmax.u32 v45, $0x6F0  }
0x273: {  	v47 =	vld [tilespmem:s18+$0x13200];
	v45 =	vmin.u32 v45, $0x8EF;
	v36 =	vadd.f32 v36, v39  }
0x274: {  	v39 =	vld [tilespmem:s19+$0x3010];
	v45 =	vadd.s32 $0xFFFF918, v45;
	v37 =	vsub.f32 v37, v42  }
0x275: {  	v42 =	vld [tilespmem:s19+$0x3020];
	v48 =	vshrl.u32 v36, $0x13;
	v41 =	vsub.f32 v41, v43  }
0x276: {  	v43 =	vld [tilespmem:s19+$0x3030];
	v48 =	vmax.u32 v48, $0x6F0;
	v37 =	vmul.f32 v37, v37  }
0x277: {  	v31 =	vsub.f32 v31, v46;
	v46 =	vld [tilespmem:s19+$0x3040];
	v48 =	vmin.u32 v48, $0x8EF;
	v41 =	vmul.f32 v41, v41  }
0x278: {  	v44 =	vsub.f32 v44, v47;
	v47 =	vld [tilespmem:s19+$0x3050];
	v48 =	vadd.s32 $0xFFFF918, v48  }
0x279: {  	v31 =	vmul.f32 v31, v31;
	vm0 =	veq.s32 v39, $0x0;
	v49 =	vld [tilespmem:s19+$0x3060];
	v37 =	vadd.f32 v41, v37  }
0x27a: {  	v41 =	vld [tilespmem:s18+$0x17200];
	v44 =	vmul.f32 v44, v44;
	v38 =	vsel vm0, v38, v39;
	vm0 =	veq.s32 v42, $0x0  }
0x27b: {  	v39 =	vsel vm0, v40, v42;
	vm0 =	veq.s32 v43, $0x0;
	v40 =	vshrl.u32 v37, $0x13;
	[tilespmem:v30+s5+$0x0] =	vst.idx.add.f32.msk $0xffff, v2  }
0x27c: {  	v42 =	vadd.f32 v44, v31;
	vm1 =	veq.s32 v46, $0x0;
	v31 =	vmax.u32 v40, $0x6F0;
	[tilespmem:v30+s31+$0x0] =	vst.idx.add.f32.msk $0xffff, v18;
	v18 =	vmovc v33  }
0x27d: {  	v30 =	vsel vm0, v32, v43;
	vm0 =	veq.s32 v47, $0x0;
	v31 =	vmin.u32 v31, $0x8EF;
	[tilespmem:v29+s5+$0x0] =	vst.idx.add.f32.msk $0xffff, v2  }
0x27e: {  	v32 =	vshrl.u32 v42, $0x13;
	v31 =	vadd.s32 $0xFFFF918, v31;
	vm2 =	veq.s32 v49, $0x0;
	[tilespmem:v29+s31+$0x0] =	vst.idx.add.f32.msk $0xffff, v19;
	v19 =	vmovc v34  }
0x27f: {  	v29 =	vmax.u32 v32, $0x6F0;
	vm3 =	veq.s32 v41, $0x0;
	v32 =	vsel vm1, v45, v46;
	[tilespmem:v28+s5+$0x0] =	vst.idx.add.f32.msk $0xffff, v2  }
0x280: {  	v33 =	vsel vm0, v48, v47;
	v31 =	vsel vm2, v31, v49;
	v29 =	vmin.u32 v29, $0x8EF;
	[tilespmem:v28+s31+$0x0] =	vst.idx.add.f32.msk $0xffff, v21  }
0x281: {  	v34 =	vshll.u32 v39, $0x4;
	v21 =	vmovc v35;
	v28 =	vadd.s32 $0xFFFF918, v29;
	v29 =	vshll.u32 v38, $0x4;
	[tilespmem:v27+s5+$0x0] =	vst.idx.add.f32.msk $0xffff, v2  }
0x282: {  	v35 =	vshll.u32 v30, $0x4;
	v32 =	vshll.u32 v32, $0x4;
	v28 =	vsel vm3, v28, v41;
	[tilespmem:v27+s31+$0x0] =	vst.idx.add.f32.msk $0xffff, v20;
	v20 =	vmovc v36  }
0x283: {  	v27 =	vshll.u32 v33, $0x4;
	v33 =	vshll.u32 v31, $0x4;
	v36 =	vshll.u32 v28, $0x4;
	[tilespmem:v26+s5+$0x0] =	vst.idx.add.f32.msk $0xffff, v2  }
.Ltmp5:
0x284: {  	v30 =	vor.u32 v1, v34;
	v31 =	vor.u32 v1, v29;
	v29 =	vor.u32 v1, v35;
	(pc) =	sbr.rel @p0 .LBB2_13-.Ltmp5, $4  }
0x285: {  	v28 =	vor.u32 v1, v32;
	v27 =	vor.u32 v1, v27;
	v32 =	vor.u32 v1, v33  }
0x286: {  	v33 =	vor.u32 v1, v36;
	[tilespmem:v26+s31+$0x0] =	vst.idx.add.f32.msk $0xffff, v23;
	v23 =	vmov v37;
	v26 =	vmov v32  }
0x287: {  	[tilespmem:v25+s5+$0x0] =	vst.idx.add.f32.msk $0xffff, v2  }
0x288: {  	s13 =	sadd.s32 $0x20, s13;
	s17 =	sadd.s32 $0x400, s17;
	[tilespmem:v25+s31+$0x0] =	vst.idx.add.f32.msk $0xffff, v24;
	v24 =	vmov v42;
	v25 =	vmov v33  }
0x289: {  	_ =	sdelay $0x3  }
0x28a: {  	[tilespmem:v31+s5+$0x0] =	vst.idx.add.f32.msk $0xffff, v2  }
0x28b: {  	[tilespmem:v30+s5+$0x0] =	vst.idx.add.f32.msk $0xffff, v2  }
0x28c: {  	[tilespmem:v29+s5+$0x0] =	vst.idx.add.f32.msk $0xffff, v2  }
0x28d: {  	[tilespmem:v28+s5+$0x0] =	vst.idx.add.f32.msk $0xffff, v2  }
0x28e: {  	[tilespmem:v27+s5+$0x0] =	vst.idx.add.f32.msk $0xffff, v2  }
0x28f: {  	[tilespmem:v26+s5+$0x0] =	vst.idx.add.f32.msk $0xffff, v2  }
0x290: {  	[tilespmem:v25+s5+$0x0] =	vst.idx.add.f32.msk $0xffff, v2  }
0x291: {  	s11 =	sadd.s32 $0x1, s11;
	[tilespmem:v31+s31+$0x0] =	vst.idx.add.f32.msk $0xffff, v22  }
0x292: {  	[tilespmem:v30+s31+$0x0] =	vst.idx.add.f32.msk $0xffff, v18;
	p0 =	sne.s32 s11, $0x8  }
.Ltmp6:
0x293: {  	[tilespmem:v29+s31+$0x0] =	vst.idx.add.f32.msk $0xffff, v19;
	(pc) =	sbr.rel @p0 .LBB2_6-.Ltmp6, $4  }
0x294: {  	[tilespmem:v28+s31+$0x0] =	vst.idx.add.f32.msk $0xffff, v21  }
0x295: {  	[tilespmem:v27+s31+$0x0] =	vst.idx.add.f32.msk $0xffff, v20  }
0x296: {  	[tilespmem:v26+s31+$0x0] =	vst.idx.add.f32.msk $0xffff, v23  }
0x297: {  	[tilespmem:v25+s31+$0x0] =	vst.idx.add.f32.msk $0xffff, v24  }
0x298: {  	v18 =	vmul.u32 $0x11, v1  }
0x299: {  	s8 =	simm.s32 $0x0  }
0x29a: {  	v19 =	vor.u32 s8, v18;
	_ =	sdelay $0x1  }
0x29b: {  	v20 =	vor.u32 s8, v3;
	_ =	sdelay $0x1  }
0x29c: {  	v21 =	vor.u32 s8, v4  }
0x29d: {  	v22 =	vld.idx.msk [tilespmem:v19+s5+$0x0], $0xffff  }
0x29e: {  	v23 =	vor.u32 s8, v5;
	v19 =	vld.idx.msk [tilespmem:v19+s31+$0x0], $0xffff  }
0x29f: {  	v24 =	vld.idx.msk [tilespmem:v20+s31+$0x0], $0xffff  }
0x2a0: {  	v25 =	vor.u32 s8, v6;
	v20 =	vld.idx.msk [tilespmem:v20+s5+$0x0], $0xffff  }
0x2a1: {  	v26 =	vld.idx.msk [tilespmem:v21+s31+$0x0], $0xffff  }
0x2a2: {  	v27 =	vor.u32 s8, v7;
	v21 =	vld.idx.msk [tilespmem:v21+s5+$0x0], $0xffff  }
0x2a3: {  	v28 =	vld.idx.msk [tilespmem:v23+s31+$0x0], $0xffff;
	v22 =	vadd.f32 $0.0e+00, v22;
	v19 =	vadd.f32 $0.0e+00, v19  }
0x2a4: {  	v29 =	vor.u32 s8, v8;
	v23 =	vld.idx.msk [tilespmem:v23+s5+$0x0], $0xffff  }
0x2a5: {  	v30 =	vld.idx.msk [tilespmem:v25+s31+$0x0], $0xffff;
	v20 =	vadd.f32 v20, v22;
	v19 =	vadd.f32 v24, v19  }
0x2a6: {  	v44 =	vor.u32 s8, v9;
	v22 =	vld.idx.msk [tilespmem:v25+s5+$0x0], $0xffff  }
0x2a7: {  	v45 =	vld.idx.msk [tilespmem:v27+s31+$0x0], $0xffff;
	v20 =	vadd.f32 v21, v20;
	v19 =	vadd.f32 v26, v19  }
0x2a8: {  	v46 =	vor.u32 s8, v10;
	v21 =	vld.idx.msk [tilespmem:v27+s5+$0x0], $0xffff  }
0x2a9: {  	v47 =	vld.idx.msk [tilespmem:v29+s31+$0x0], $0xffff;
	v20 =	vadd.f32 v23, v20;
	v19 =	vadd.f32 v28, v19  }
0x2aa: {  	v48 =	vor.u32 s8, v11;
	v23 =	vld.idx.msk [tilespmem:v29+s5+$0x0], $0xffff  }
0x2ab: {  	v49 =	vld.idx.msk [tilespmem:v44+s31+$0x0], $0xffff;
	v20 =	vadd.f32 v22, v20;
	v19 =	vadd.f32 v30, v19  }
0x2ac: {  	v50 =	vor.u32 s8, v12;
	v22 =	vld.idx.msk [tilespmem:v44+s5+$0x0], $0xffff  }
0x2ad: {  	v51 =	vld.idx.msk [tilespmem:v46+s31+$0x0], $0xffff;
	v20 =	vadd.f32 v21, v20;
	v19 =	vadd.f32 v45, v19  }
0x2ae: {  	v52 =	vor.u32 s8, v13;
	v21 =	vld.idx.msk [tilespmem:v46+s5+$0x0], $0xffff  }
0x2af: {  	v53 =	vld.idx.msk [tilespmem:v48+s31+$0x0], $0xffff;
	v20 =	vadd.f32 v23, v20;
	v19 =	vadd.f32 v47, v19  }
0x2b0: {  	v54 =	vor.u32 s8, v14;
	v23 =	vld.idx.msk [tilespmem:v48+s5+$0x0], $0xffff  }
0x2b1: {  	v55 =	vld.idx.msk [tilespmem:v50+s31+$0x0], $0xffff;
	v20 =	vadd.f32 v22, v20;
	v19 =	vadd.f32 v49, v19  }
0x2b2: {  	v56 =	vor.u32 s8, v15;
	v22 =	vld.idx.msk [tilespmem:v50+s5+$0x0], $0xffff  }
0x2b3: {  	v57 =	vld.idx.msk [tilespmem:v52+s31+$0x0], $0xffff;
	v20 =	vadd.f32 v21, v20;
	v19 =	vadd.f32 v51, v19  }
0x2b4: {  	v58 =	vor.u32 s8, v16;
	v21 =	vld.idx.msk [tilespmem:v52+s5+$0x0], $0xffff  }
0x2b5: {  	v59 =	vld.idx.msk [tilespmem:v54+s31+$0x0], $0xffff;
	v20 =	vadd.f32 v23, v20;
	v19 =	vadd.f32 v53, v19  }
0x2b6: {  	v60 =	vor.u32 s8, v17;
	v23 =	vld.idx.msk [tilespmem:v54+s5+$0x0], $0xffff  }
0x2b7: {  	v61 =	vld.idx.msk [tilespmem:v56+s31+$0x0], $0xffff;
	v20 =	vadd.f32 v22, v20;
	v19 =	vadd.f32 v55, v19  }
0x2b8: {  	v22 =	vld.idx.msk [tilespmem:v56+s5+$0x0], $0xffff  }
0x2b9: {  	v62 =	vld.idx.msk [tilespmem:v58+s31+$0x0], $0xffff;
	v20 =	vadd.f32 v21, v20;
	v19 =	vadd.f32 v57, v19  }
0x2ba: {  	v21 =	vld.idx.msk [tilespmem:v58+s5+$0x0], $0xffff  }
0x2bb: {  	v63 =	vld.idx.msk [tilespmem:v60+s31+$0x0], $0xffff;
	v20 =	vadd.f32 v23, v20;
	v19 =	vadd.f32 v59, v19  }
0x2bc: {  	v23 =	vld.idx.msk [tilespmem:v60+s5+$0x0], $0xffff  }
0x2bd: {  	v20 =	vadd.f32 v22, v20;
	v19 =	vadd.f32 v61, v19;
	_ =	sdelay $0x1  }
0x2be: {  	s11 =	simm.s32 $0x100;
	v21 =	vadd.f32 v21, v20;
	v24 =	vadd.f32 v62, v19  }
0x2bf: {  	v19 =	vor.u32 s11, v3  }
0x2c0: {  	s12 =	simm.s32 $0x18200;
	s13 =	simm.s32 $0x200;
	s10 =	simm.s32 $0x18200;
	v20 =	vor.u32 s11, v18;
	v22 =	vadd.f32 v23, v21;
	v21 =	vadd.f32 v63, v24  }
.LBB2_16:
0x2c1: {  	p0 =	sne.s32 s13, $0x2000  }
0x2c2: {  	[tilespmem:s12+$0x0] =	vst v22;
	s10 =	sadd.s32 $0x10, s10;
	s17 =	smov.u32 s13;
	s13 =	sadd.s32 $0x100, s13  }
0x2c3: {  	v22 =	vor.u32 s11, v4;
	[tilespmem:s12+$0x240] =	vst v21;
	s12 =	smov.u32 s10  }
0x2c4: {  	v21 =	vld.idx.msk [tilespmem:v19+s31+$0x0], $0xffff  }
0x2c5: {  	v24 =	vor.u32 s11, v5;
	v23 =	vld.idx.msk [tilespmem:v20+s5+$0x0], $0xffff  }
0x2c6: {  	v20 =	vld.idx.msk [tilespmem:v20+s31+$0x0], $0xffff  }
0x2c7: {  	v25 =	vor.u32 s11, v6;
	v19 =	vld.idx.msk [tilespmem:v19+s5+$0x0], $0xffff  }
0x2c8: {  	v26 =	vld.idx.msk [tilespmem:v22+s31+$0x0], $0xffff  }
0x2c9: {  	v27 =	vor.u32 s11, v7;
	v22 =	vld.idx.msk [tilespmem:v22+s5+$0x0], $0xffff  }
0x2ca: {  	v28 =	vld.idx.msk [tilespmem:v24+s31+$0x0], $0xffff  }
0x2cb: {  	v29 =	vor.u32 s11, v8;
	v23 =	vadd.f32 $0.0e+00, v23;
	v24 =	vld.idx.msk [tilespmem:v24+s5+$0x0], $0xffff  }
0x2cc: {  	v20 =	vadd.f32 $0.0e+00, v20;
	v30 =	vld.idx.msk [tilespmem:v25+s31+$0x0], $0xffff  }
0x2cd: {  	v19 =	vadd.f32 v19, v23;
	v23 =	vld.idx.msk [tilespmem:v25+s5+$0x0], $0xffff;
	v25 =	vor.u32 s11, v9  }
0x2ce: {  	v20 =	vadd.f32 v21, v20;
	v21 =	vld.idx.msk [tilespmem:v27+s31+$0x0], $0xffff  }
0x2cf: {  	v19 =	vadd.f32 v22, v19;
	v22 =	vld.idx.msk [tilespmem:v27+s5+$0x0], $0xffff;
	v27 =	vor.u32 s11, v10  }
0x2d0: {  	v20 =	vadd.f32 v26, v20;
	v26 =	vld.idx.msk [tilespmem:v29+s31+$0x0], $0xffff  }
0x2d1: {  	v19 =	vadd.f32 v24, v19;
	v24 =	vld.idx.msk [tilespmem:v29+s5+$0x0], $0xffff;
	v29 =	vor.u32 s11, v11  }
0x2d2: {  	v20 =	vadd.f32 v28, v20;
	v28 =	vld.idx.msk [tilespmem:v25+s31+$0x0], $0xffff  }
0x2d3: {  	v19 =	vadd.f32 v23, v19;
	v23 =	vld.idx.msk [tilespmem:v25+s5+$0x0], $0xffff;
	v25 =	vor.u32 s11, v12  }
0x2d4: {  	v20 =	vadd.f32 v30, v20;
	v30 =	vld.idx.msk [tilespmem:v27+s31+$0x0], $0xffff  }
0x2d5: {  	v19 =	vadd.f32 v22, v19;
	v22 =	vld.idx.msk [tilespmem:v27+s5+$0x0], $0xffff;
	v27 =	vor.u32 s11, v13  }
0x2d6: {  	v20 =	vadd.f32 v21, v20;
	v21 =	vld.idx.msk [tilespmem:v29+s31+$0x0], $0xffff  }
0x2d7: {  	v19 =	vadd.f32 v24, v19;
	v24 =	vld.idx.msk [tilespmem:v29+s5+$0x0], $0xffff;
	v29 =	vor.u32 s11, v14  }
0x2d8: {  	v20 =	vadd.f32 v26, v20;
	v26 =	vld.idx.msk [tilespmem:v25+s31+$0x0], $0xffff  }
0x2d9: {  	v19 =	vadd.f32 v23, v19;
	v23 =	vld.idx.msk [tilespmem:v25+s5+$0x0], $0xffff;
	v25 =	vor.u32 s11, v15  }
0x2da: {  	v20 =	vadd.f32 v28, v20;
	v28 =	vld.idx.msk [tilespmem:v27+s31+$0x0], $0xffff  }
0x2db: {  	v19 =	vadd.f32 v22, v19;
	v22 =	vld.idx.msk [tilespmem:v27+s5+$0x0], $0xffff;
	v27 =	vor.u32 s11, v16  }
0x2dc: {  	v20 =	vadd.f32 v30, v20;
	v30 =	vld.idx.msk [tilespmem:v29+s31+$0x0], $0xffff  }
0x2dd: {  	v19 =	vadd.f32 v24, v19;
	v24 =	vld.idx.msk [tilespmem:v29+s5+$0x0], $0xffff;
	v29 =	vor.u32 s11, v17;
	s11 =	smov.u32 s17  }
0x2de: {  	v20 =	vadd.f32 v21, v20;
	v21 =	vld.idx.msk [tilespmem:v25+s31+$0x0], $0xffff  }
0x2df: {  	v19 =	vadd.f32 v23, v19;
	v23 =	vld.idx.msk [tilespmem:v25+s5+$0x0], $0xffff  }
0x2e0: {  	v20 =	vadd.f32 v26, v20;
	v25 =	vld.idx.msk [tilespmem:v27+s31+$0x0], $0xffff  }
0x2e1: {  	v19 =	vadd.f32 v22, v19;
	v22 =	vld.idx.msk [tilespmem:v27+s5+$0x0], $0xffff  }
0x2e2: {  	v20 =	vadd.f32 v28, v20;
	v26 =	vld.idx.msk [tilespmem:v29+s31+$0x0], $0xffff  }
0x2e3: {  	v19 =	vadd.f32 v24, v19;
	v24 =	vld.idx.msk [tilespmem:v29+s5+$0x0], $0xffff  }
0x2e4: {  	v20 =	vadd.f32 v30, v20  }
0x2e5: {  	v19 =	vadd.f32 v23, v19  }
.Ltmp7:
0x2e6: {  	v20 =	vadd.f32 v21, v20;
	(pc) =	sbr.rel @p0 .LBB2_16-.Ltmp7, $4  }
0x2e7: {  	v21 =	vadd.f32 v22, v19  }
0x2e8: {  	v19 =	vor.u32 s11, v3;
	v23 =	vadd.f32 v25, v20  }
0x2e9: {  	v20 =	vor.u32 s11, v18;
	v22 =	vadd.f32 v24, v21  }
0x2ea: {  	v21 =	vadd.f32 v26, v23  }
0x2eb: {  	_ =	sdelay $0x1  }
0x2ec: {  	[tilespmem:s12+$0x0] =	vst v22  }
0x2ed: {  	v18 =	vor.u32 s11, v4;
	[tilespmem:s12+$0x240] =	vst v21  }
0x2ee: {  	v21 =	vld.idx.msk [tilespmem:v20+s5+$0x0], $0xffff  }
0x2ef: {  	v32 =	vor.u32 s11, v5;
	v33 =	vld.idx.msk [tilespmem:v20+s31+$0x0], $0xffff  }
0x2f0: {  	v23 =	vld.idx.msk [tilespmem:v19+s5+$0x0], $0xffff  }
0x2f1: {  	v24 =	vor.u32 s11, v6;
	v19 =	vld.idx.msk [tilespmem:v19+s31+$0x0], $0xffff  }
0x2f2: {  	v25 =	vld.idx.msk [tilespmem:v18+s5+$0x0], $0xffff  }
0x2f3: {  	v26 =	vor.u32 s11, v7;
	v18 =	vld.idx.msk [tilespmem:v18+s31+$0x0], $0xffff;
	v21 =	vadd.f32 $0.0e+00, v21  }
0x2f4: {  	v27 =	vld.idx.msk [tilespmem:v32+s5+$0x0], $0xffff;
	v20 =	vadd.f32 $0.0e+00, v33  }
0x2f5: {  	v28 =	vor.u32 s11, v8;
	v22 =	vld.idx.msk [tilespmem:v32+s31+$0x0], $0xffff;
	v21 =	vadd.f32 v23, v21  }
0x2f6: {  	v34 =	vld.idx.msk [tilespmem:v24+s5+$0x0], $0xffff;
	v19 =	vadd.f32 v19, v20  }
0x2f7: {  	v36 =	vor.u32 s11, v9;
	v35 =	vld.idx.msk [tilespmem:v24+s31+$0x0], $0xffff;
	v21 =	vadd.f32 v25, v21  }
0x2f8: {  	v37 =	vld.idx.msk [tilespmem:v26+s5+$0x0], $0xffff;
	v18 =	vadd.f32 v18, v19  }
0x2f9: {  	v38 =	vor.u32 s11, v10;
	v19 =	vld.idx.msk [tilespmem:v26+s31+$0x0], $0xffff;
	v21 =	vadd.f32 v27, v21  }
0x2fa: {  	v39 =	vld.idx.msk [tilespmem:v28+s5+$0x0], $0xffff;
	v18 =	vadd.f32 v22, v18  }
0x2fb: {  	v41 =	vor.u32 s11, v11;
	v40 =	vld.idx.msk [tilespmem:v28+s31+$0x0], $0xffff;
	v21 =	vadd.f32 v34, v21  }
0x2fc: {  	v42 =	vld.idx.msk [tilespmem:v36+s5+$0x0], $0xffff;
	v18 =	vadd.f32 v35, v18  }
0x2fd: {  	v44 =	vor.u32 s11, v12;
	v43 =	vld.idx.msk [tilespmem:v36+s31+$0x0], $0xffff;
	v21 =	vadd.f32 v37, v21  }
0x2fe: {  	v45 =	vld.idx.msk [tilespmem:v38+s5+$0x0], $0xffff;
	v18 =	vadd.f32 v19, v18  }
0x2ff: {  	v46 =	vor.u32 s11, v13;
	v19 =	vld.idx.msk [tilespmem:v38+s31+$0x0], $0xffff;
	v21 =	vadd.f32 v39, v21  }
0x300: {  	v47 =	vld.idx.msk [tilespmem:v41+s5+$0x0], $0xffff;
	v18 =	vadd.f32 v40, v18  }
0x301: {  	v49 =	vor.u32 s11, v14;
	v48 =	vld.idx.msk [tilespmem:v41+s31+$0x0], $0xffff;
	v21 =	vadd.f32 v42, v21  }
0x302: {  	v50 =	vld.idx.msk [tilespmem:v44+s5+$0x0], $0xffff;
	v18 =	vadd.f32 v43, v18  }
0x303: {  	v52 =	vor.u32 s11, v15;
	v51 =	vld.idx.msk [tilespmem:v44+s31+$0x0], $0xffff;
	v21 =	vadd.f32 v45, v21  }
0x304: {  	v53 =	vld.idx.msk [tilespmem:v46+s5+$0x0], $0xffff;
	v18 =	vadd.f32 v19, v18  }
0x305: {  	v54 =	vor.u32 s11, v16;
	v19 =	vld.idx.msk [tilespmem:v46+s31+$0x0], $0xffff;
	v21 =	vadd.f32 v47, v21  }
0x306: {  	v55 =	vld.idx.msk [tilespmem:v49+s5+$0x0], $0xffff;
	v18 =	vadd.f32 v48, v18  }
0x307: {  	v57 =	vor.u32 s11, v17;
	v56 =	vld.idx.msk [tilespmem:v49+s31+$0x0], $0xffff;
	v21 =	vadd.f32 v50, v21  }
0x308: {  	v58 =	vld.idx.msk [tilespmem:v52+s5+$0x0], $0xffff;
	v18 =	vadd.f32 v51, v18  }
0x309: {  	v59 =	vld.idx.msk [tilespmem:v52+s31+$0x0], $0xffff;
	v21 =	vadd.f32 v53, v21  }
0x30a: {  	v60 =	vld.idx.msk [tilespmem:v54+s5+$0x0], $0xffff;
	v18 =	vadd.f32 v19, v18  }
0x30b: {  	v19 =	vld.idx.msk [tilespmem:v54+s31+$0x0], $0xffff;
	v21 =	vadd.f32 v55, v21  }
0x30c: {  	v61 =	vld.idx.msk [tilespmem:v57+s5+$0x0], $0xffff;
	v18 =	vadd.f32 v56, v18  }
0x30d: {  	v62 =	vld.idx.msk [tilespmem:v57+s31+$0x0], $0xffff;
	v21 =	vadd.f32 v58, v21  }
0x30e: {  	v18 =	vadd.f32 v59, v18  }
0x30f: {  	v63 =	vadd.f32 v60, v21  }
0x310: {  	v18 =	vadd.f32 v19, v18  }
0x311: {  	v19 =	vadd.f32 v61, v63  }
0x312: {  	s8 =	sadd.s32 $0x10, s10;
	v18 =	vadd.f32 v62, v18  }
0x313: {  	s13 =	rddreg [dreg:$0xe];
	s17 =	simm.s32 $0x80;
	[tilespmem:s8+$0x0] =	vst v19  }
0x314: {  	s18 =	simm.s32 $0x400;
	s19 =	simm.s32 $0x18200;
	s20 =	simm.s32 $0x5;
	[tilespmem:s8+$0x240] =	vst v18  }
0x315: {  	[hbm4b:s13+s17] =	stream.strided.scatter [tilespmem:s19], [sflag:$0x5], $0x480, s18, s17, $0x38;
	[tilespmem:$0x18680] =	vst v63  }
0x316: {  	_ =	swait.ge [sflag:s20], $0x480  }
0x317: {  	s9 =	sadd.s32 $0x1, s9;
	s21 =	rddreg [dreg:$0xf]  }
0x318: {  	p0 =	sne.s32 s9, s21  }
.Ltmp8:
0x319: {  	_ = 	snop;
	(pc) =	sbr.rel @p0 .LBB2_1-.Ltmp8, $3  }
0x31a: {  	_ =	sdelay $0x1  }
0x31b: {  	[sflag:s20] =	ssyncset.done $0x0  }
0x31c: {  	[sflag:s20] =	ssyncadd.s32 $0xFFFFFB80  }
0x31d: {  	_ =	sfence.sel $0x180000  }
0x31e: {  	[bflag:$0x0] =	sbarrier.arrive $0xFFFF  }
0x31f: {  	_ =	strace $0x90000047  }
0x320: {  	s0 =	stileid.u32;
	[bflag:$0x2] =	sbarrier.arrive $0xFFFF  }
0x321: {  	p0 =	sne.s32 s0, $0x0;
	s0 =	rddreg [dreg:$0x4]  }
0x322: {  	s0 =	sadd.s32 @!p0 $0x100000, s0  }
0x323: {  	[sflag:s0] =	ssyncadd.tile.s32 @!p0 $0x1;
	_ =	shalt  }
.Lfunc_end2:
_tile_overlayer_lowered:
.L_overlay_start_2:
0x324: {  	(tag) =	ssettag $0x2  }
0x325: {  	s0 =	rddreg [dreg:$0x0];
	s2 =	stileid.u32  }
0x326: {  	s1 =	rddreg [dreg:$0x1];
	p0 =	sne.s32 s2, $0x0  }
0x327: {  	s3 =	rddreg [dreg:$0x2];
	[bflag:$0x3] =	sbarrier.arrive $0xFFFF;
	s2 =	simm.s32 @!p0 $0x1C05  }
0x328: {  	[timem:s3], [sflag:s2] =	dma.local @!p0 [hbm:s0], s1  }
0x329: {  	s0 =	simm.s32 @!p0 $0x5  }
0x32a: {  	_ =	swait.ge @!p0 [sflag:s0], s1  }
0x32b: {  	s1 =	ssub.s32 @!p0 $0x0, s1;
	[sflag:s0] =	ssyncset.done @!p0 $0x0  }
0x32c: {  	[sflag:s0] =	ssyncadd.s32 @!p0 s1  }
0x32d: {  	[bflag:$0x3] =	sbarrier.arrive $0xFFFF  }
0x32e: {  	_ =	shalt  }

</sc_bundles>
